<compile_context>
chip_gen: v7x
topology: tpu7x:2x2x1
jax: 0.10.2.dev20260603
libtpu: 0.0.44.dev20260713+nightly
codegen_flags: <defaults>
</compile_context>

<pallas_src>
import functools

import jax
import jax.numpy as jnp
from jax import lax
from jax.experimental import pallas as pl
from jax.experimental.pallas import tpu as pltpu
from jax.experimental.pallas import tpu_sc as plsc

NC = 2
NS = 16
LANES = 16
NW = NC * NS

DIM = 32
NNEG = 20
CB = 128

WB = 16384
GP = 16
Q = GP * WB


def _pack_body(x0, x1, x2, x3, o_ref):
    stacked = jnp.concatenate(
        [x0[...], x1[...], x2[...], x3[...]], axis=0)
    o_ref[...] = jnp.transpose(stacked)


def _pack_table(X):
    Xt = jnp.transpose(X)
    nblk = X.shape[0] // WB
    packed = pl.pallas_call(
        _pack_body,
        grid=(GP,),
        in_specs=[pl.BlockSpec(
            (DIM, WB), lambda g, a=a: (0, jnp.minimum(g + a * GP, nblk)))
                  for a in range(4)],
        out_specs=pl.BlockSpec((WB, 128), lambda g: (g, 0)),
        out_shape=jax.ShapeDtypeStruct((Q, 128), jnp.float32),
    )(Xt, Xt, Xt, Xt)
    return jnp.reshape(packed, (4 * Q, DIM))


def _sc_mesh():
    return plsc.VectorSubcoreMesh(core_axis_name="c", subcore_axis_name="s",
                                  num_cores=NC, num_subcores=NS)


def _remap16(v):
    a = ((v >= Q).astype(jnp.int32)
         + (v >= 2 * Q).astype(jnp.int32)
         + (v >= 3 * Q).astype(jnp.int32))
    return (v - a * Q) * 4 + a


_SC_PARAMS = pltpu.CompilerParams(needs_layout_passes=False,
                                  use_tc_tiling_on_sc=False)


def _sc_vrows_builder(B):
    bpw = B // NW
    nch = bpw // CB

    @functools.partial(
        pl.kernel,
        out_type=(jax.ShapeDtypeStruct((B, DIM), jnp.float32),
                  jax.ShapeDtypeStruct((B, DIM), jnp.float32)),
        mesh=_sc_mesh(),
        compiler_params=_SC_PARAMS,
        scratch_types=[
            pltpu.VMEM((bpw,), jnp.int32),
            pltpu.VMEM((NNEG, bpw), jnp.int32),
            pltpu.VMEM((CB, DIM), jnp.float32),
            pltpu.VMEM((CB, DIM), jnp.float32),
            pltpu.SemaphoreType.DMA,
        ],
    )
    def sc_vrows(V_hbm, pidx_hbm, nidxT_hbm, prow_out, nsum_out,
                 pidx_v, nidxT_v, p_rows, n_sum, sem):
        wid = lax.axis_index("s") * NC + lax.axis_index("c")
        base = wid * bpw

        pltpu.sync_copy(pidx_hbm.at[pl.ds(base, bpw)], pidx_v)
        for n in range(NNEG):
            pltpu.sync_copy(nidxT_hbm.at[pl.ds(n * B + base, bpw)],
                            nidxT_v.at[n])

        def remap1d(j, _):
            pidx_v[pl.ds(j * LANES, LANES)] = _remap16(
                pidx_v[pl.ds(j * LANES, LANES)])
            return 0
        lax.fori_loop(0, bpw // LANES, remap1d, 0)
        for n in range(NNEG):
            def bodyn(j, _, n=n):
                nidxT_v[n, pl.ds(j * LANES, LANES)] = _remap16(
                    nidxT_v[n, pl.ds(j * LANES, LANES)])
                return 0
            lax.fori_loop(0, bpw // LANES, bodyn, 0)

        zero = jnp.zeros((LANES,), jnp.float32)

        def chunk_body(c, _):
            cb = c * CB

            def zbody(i, _):
                n_sum[i, pl.ds(0, LANES)] = zero
                n_sum[i, pl.ds(LANES, LANES)] = zero
                return 0
            lax.fori_loop(0, CB, zbody, 0)

            copies = [pltpu.async_copy(
                V_hbm.at[pidx_v.at[pl.ds(cb, CB)]], p_rows, sem)]
            for n in range(NNEG):
                copies.append(pltpu.async_copy(
                    V_hbm.at[nidxT_v.at[n, pl.ds(cb, CB)]],
                    n_sum, sem, add=True))
            for cp in copies:
                cp.wait()

            pltpu.sync_copy(p_rows, prow_out.at[pl.ds(base + cb, CB)])
            pltpu.sync_copy(n_sum, nsum_out.at[pl.ds(base + cb, CB)])
            return 0

        lax.fori_loop(0, nch, chunk_body, 0)

    return sc_vrows


def _sc_dots_builder(B):
    bpw = B // NW
    nch = bpw // CB

    @functools.partial(
        pl.kernel,
        out_type=(jax.ShapeDtypeStruct((B,), jnp.float32),
                  jax.ShapeDtypeStruct((B,), jnp.float32)),
        mesh=_sc_mesh(),
        compiler_params=_SC_PARAMS,
        scratch_types=[
            pltpu.VMEM((bpw,), jnp.int32),
            pltpu.VMEM((CB, DIM), jnp.float32),
            pltpu.VMEM((CB, DIM), jnp.float32),
            pltpu.VMEM((CB, DIM), jnp.float32),
            pltpu.VMEM((bpw,), jnp.float32),
            pltpu.VMEM((bpw,), jnp.float32),
            pltpu.SemaphoreType.DMA,
        ],
    )
    def sc_dots(U_hbm, uidx_hbm, prow_hbm, nsum_hbm,
                pos_out, neg_out,
                uidx_v, u_rows, p_rows, n_sum, pos_sv, neg_sv, sem):
        wid = lax.axis_index("s") * NC + lax.axis_index("c")
        base = wid * bpw

        pltpu.sync_copy(uidx_hbm.at[pl.ds(base, bpw)], uidx_v)

        def remap1d(j, _):
            uidx_v[pl.ds(j * LANES, LANES)] = _remap16(
                uidx_v[pl.ds(j * LANES, LANES)])
            return 0
        lax.fori_loop(0, bpw // LANES, remap1d, 0)

        lane = lax.iota(jnp.int32, LANES)
        zero = jnp.zeros((LANES,), jnp.float32)

        def chunk_body(c, _):
            cb = c * CB
            copies = [
                pltpu.async_copy(U_hbm.at[uidx_v.at[pl.ds(cb, CB)]],
                                 u_rows, sem),
                pltpu.async_copy(prow_hbm.at[pl.ds(base + cb, CB)],
                                 p_rows, sem),
                pltpu.async_copy(nsum_hbm.at[pl.ds(base + cb, CB)],
                                 n_sum, sem),
            ]
            for cp in copies:
                cp.wait()

            for g in range(CB // LANES):
                b_ids = lane + (g * LANES)

                def d_body(d, carry):
                    pos_vec, neg_vec = carry
                    d_ids = jnp.full((LANES,), d, jnp.int32)
                    u_d = plsc.load_gather(u_rows, [b_ids, d_ids])
                    p_d = plsc.load_gather(p_rows, [b_ids, d_ids])
                    ns_d = plsc.load_gather(n_sum, [b_ids, d_ids])
                    return (pos_vec + u_d * p_d, neg_vec + u_d * ns_d)

                pos_vec, neg_vec = lax.fori_loop(0, DIM, d_body, (zero, zero))
                pos_sv[pl.ds(cb + g * LANES, LANES)] = pos_vec
                neg_sv[pl.ds(cb + g * LANES, LANES)] = neg_vec
            return 0

        lax.fori_loop(0, nch, chunk_body, 0)

        pltpu.sync_copy(pos_sv, pos_out.at[pl.ds(base, bpw)])
        pltpu.sync_copy(neg_sv, neg_out.at[pl.ds(base, bpw)])

    return sc_dots


def _tc_loss_body(pos_ref, neg_ref, bs_ref, out_ref):
    pos = pos_ref[...]
    neg = -neg_ref[...]
    lp = jnp.minimum(pos, 0.0) - jnp.log1p(jnp.exp(-jnp.abs(pos)))
    ln = jnp.minimum(neg, 0.0) - jnp.log1p(jnp.exp(-jnp.abs(neg)))
    out_ref[0, 0] = -jnp.sum(lp + ln) / bs_ref[0]


def kernel(U, V, u_pos, v_pos, v_neg, batch_size):
    B = u_pos.shape[0]
    uidx = u_pos.astype(jnp.int32)
    pidx = v_pos.astype(jnp.int32)
    nidxT = jnp.transpose(v_neg.astype(jnp.int32)).reshape(-1)

    Vp = _pack_table(V)
    prows, nsums = _sc_vrows_builder(B)(Vp, pidx, nidxT)
    Up = _pack_table(U)
    pos_s, neg_s = _sc_dots_builder(B)(Up, uidx, prows, nsums)

    rows = B // 128
    bs = jnp.asarray(batch_size, jnp.float32).reshape(1)
    loss = pl.pallas_call(
        _tc_loss_body,
        out_shape=jax.ShapeDtypeStruct((1, 1), jnp.float32),
        in_specs=[
            pl.BlockSpec(memory_space=pltpu.VMEM),
            pl.BlockSpec(memory_space=pltpu.VMEM),
            pl.BlockSpec(memory_space=pltpu.SMEM),
        ],
        out_specs=pl.BlockSpec(memory_space=pltpu.SMEM),
    )(pos_s.reshape(rows, 128), neg_s.reshape(rows, 128), bs)
    return loss.reshape(())

# --- scband reference (transcript-rebuilt; emitter-appended) ---
"""Pipeline reference for scband-skip-gram-72258529788462 (READ-ONLY COPY).

The authoritative reference and input builder live on the scoring server;
editing this copy changes nothing except your own understanding.
"""

import jax, jax.numpy as jnp
import numpy as np

VOCAB = 1000000
DIM = 32
B = 16384
NNEG = 20


def setup_inputs(seed: int = 0) -> dict:
    key = jax.random.key(seed)
    k1, k2, k3, k4, k5 = jax.random.split(key, 5)
    u_pos = jax.random.randint(k1, (B,), 0, VOCAB)
    v_pos = jax.random.randint(k2, (B,), 0, VOCAB)
    v_neg = jax.random.randint(k3, (B, NNEG), 0, VOCAB)
    std = 1.0 / np.sqrt(DIM)
    U = jax.random.normal(k4, (VOCAB, DIM), dtype=jnp.float32) * std
    V = jax.random.normal(k5, (VOCAB, DIM), dtype=jnp.float32) * std
    return {"U": U, "V": V, "u_pos": u_pos, "v_pos": v_pos, "v_neg": v_neg, "batch_size": B}


def reference(U, V, u_pos, v_pos, v_neg, batch_size):
    # embedding lookups (gather)
    embed_u = jnp.take(U, u_pos, axis=0)          # [B, d]
    pos_embed_v = jnp.take(V, v_pos, axis=0)      # [B, d]
    pos_score = jnp.sum(embed_u * pos_embed_v, axis=1)   # [B]
    pos_output = jax.nn.log_sigmoid(pos_score)            # [B]
    neg_embed_v = jnp.take(V, v_neg, axis=0)      # [B, NNEG, d]
    # torch.bmm(neg_embed_v, embed_u.unsqueeze(2)).squeeze() -> [B, NNEG]
    neg_score = jnp.einsum('bnd,bd->bn', neg_embed_v, embed_u)
    neg_score = jnp.sum(neg_score, axis=1)        # [B]
    neg_output = jax.nn.log_sigmoid(-1.0 * neg_score)
    cost = pos_output + neg_output
    return -1.0 * jnp.sum(cost) / batch_size

if __name__ == "__main__":
    import jax
    _d = setup_inputs()
    print(jax.jit(kernel)(*tuple(_d.values())))

</pallas_src>

<mosaic_0001>
#map = affine_map<(d0, d1) -> (0, 0)>
#map1 = affine_map<(d0, d1) -> (0)>
module attributes {stable_mosaic.version = 14 : i64} {
  func.func @sc_vrows(%arg0: i32, %arg1: i32, %arg2: memref<1048576x32xf32, #tpu.memory_space<hbm>>, %arg3: memref<16384xi32, #tpu.memory_space<hbm>>, %arg4: memref<327680xi32, #tpu.memory_space<hbm>>, %arg5: memref<16384x32xf32, #tpu.memory_space<hbm>>, %arg6: memref<16384x32xf32, #tpu.memory_space<hbm>>, %arg7: memref<512xi32, #tpu.memory_space<vmem>>, %arg8: memref<20x512xi32, #tpu.memory_space<vmem>>, %arg9: memref<128x32xf32, #tpu.memory_space<vmem>>, %arg10: memref<128x32xf32, #tpu.memory_space<vmem>>, %arg11: memref<!tpu.dma_semaphore, #tpu.memory_space<semaphore_mem>>) attributes {dimension_semantics = [#tpu.dimension_semantics<core_parallel>, #tpu.dimension_semantics<subcore_parallel>], iteration_bounds = array<i64: 2, 16>, scalar_prefetch = 0 : i64, scratch_operands = 5 : i64, tpu.core_type = #tpu.core_type<sc_vector_subcore>, window_params = [{transform_indices = #map}, {transform_indices = #map1}, {transform_indices = #map1}, {transform_indices = #map}, {transform_indices = #map}]} {
    %mul3A = arith.constant 2 : i32
    %mul3A_0 = arith.muli %arg1, %mul3A : i32
    %add3A = arith.addi %mul3A_0, %arg0 : i32
    %mul3A_1 = arith.constant 512 : i32
    %mul3A_2 = arith.muli %add3A, %mul3A_1 : i32
    "tpu.region"() ({
      %run_scoped3A_216 = tpu.sem_alloc : memref<!tpu.dma_semaphore, #tpu.memory_space<semaphore_mem>>
      %dma_start3A = tpu.memref_slice %arg3[%mul3A_2] : memref<16384xi32, #tpu.memory_space<hbm>> -> memref<512xi32, #tpu.memory_space<hbm>>
      %dma_start3A_217 = tpu.memref_slice %arg3[%mul3A_2] : memref<16384xi32, #tpu.memory_space<hbm>> -> memref<512xi32, #tpu.memory_space<hbm>>
      tpu.enqueue_dma source(%dma_start3A_217 : memref<512xi32, #tpu.memory_space<hbm>>) target(%arg7 : memref<512xi32, #tpu.memory_space<vmem>>) target_semaphore(%run_scoped3A_216 : memref<!tpu.dma_semaphore, #tpu.memory_space<semaphore_mem>>)
      %dma_wait3A = tpu.memref_slice %arg3[%mul3A_2] : memref<16384xi32, #tpu.memory_space<hbm>> -> memref<512xi32, #tpu.memory_space<hbm>>
      %dma_wait3A_218 = tpu.memref_slice %arg3[%mul3A_2] : memref<16384xi32, #tpu.memory_space<hbm>> -> memref<512xi32, #tpu.memory_space<hbm>>
      tpu.wait_dma2 semaphore(%run_scoped3A_216 : memref<!tpu.dma_semaphore, #tpu.memory_space<semaphore_mem>>) src(%dma_wait3A_218 : memref<512xi32, #tpu.memory_space<hbm>>) dst(%arg7 : memref<512xi32, #tpu.memory_space<vmem>>)
      tpu.yield
    }) : () -> ()
    %add3A_3 = arith.constant 0 : i32
    %add3A_4 = arith.addi %add3A_3, %mul3A_2 : i32
    %run_scoped3A = arith.constant 0 : i32
    "tpu.region"() ({
      %run_scoped3A_216 = tpu.sem_alloc : memref<!tpu.dma_semaphore, #tpu.memory_space<semaphore_mem>>
      %dma_start3A = arith.constant 0 : i32
      %dma_start3A_217 = tpu.memref_slice %arg8[%run_scoped3A, %dma_start3A] : memref<20x512xi32, #tpu.memory_space<vmem>> -> memref<1x512xi32, #tpu.memory_space<vmem>>
      %dma_start3A_218 = tpu.memref_squeeze %dma_start3A_217 : memref<1x512xi32, #tpu.memory_space<vmem>> -> memref<512xi32, #tpu.memory_space<vmem>>
      %dma_start3A_219 = tpu.memref_slice %arg4[%add3A_4] : memref<327680xi32, #tpu.memory_space<hbm>> -> memref<512xi32, #tpu.memory_space<hbm>>
      %dma_start3A_220 = arith.constant 0 : i32
      %dma_start3A_221 = tpu.memref_slice %arg8[%run_scoped3A, %dma_start3A_220] : memref<20x512xi32, #tpu.memory_space<vmem>> -> memref<1x512xi32, #tpu.memory_space<vmem>>
      %dma_start3A_222 = tpu.memref_squeeze %dma_start3A_221 : memref<1x512xi32, #tpu.memory_space<vmem>> -> memref<512xi32, #tpu.memory_space<vmem>>
      %dma_start3A_223 = tpu.memref_slice %arg4[%add3A_4] : memref<327680xi32, #tpu.memory_space<hbm>> -> memref<512xi32, #tpu.memory_space<hbm>>
      tpu.enqueue_dma source(%dma_start3A_223 : memref<512xi32, #tpu.memory_space<hbm>>) target(%dma_start3A_222 : memref<512xi32, #tpu.memory_space<vmem>>) target_semaphore(%run_scoped3A_216 : memref<!tpu.dma_semaphore, #tpu.memory_space<semaphore_mem>>)
      %dma_wait3A = arith.constant 0 : i32
      %dma_wait3A_224 = tpu.memref_slice %arg8[%run_scoped3A, %dma_wait3A] : memref<20x512xi32, #tpu.memory_space<vmem>> -> memref<1x512xi32, #tpu.memory_space<vmem>>
      %dma_wait3A_225 = tpu.memref_squeeze %dma_wait3A_224 : memref<1x512xi32, #tpu.memory_space<vmem>> -> memref<512xi32, #tpu.memory_space<vmem>>
      %dma_wait3A_226 = tpu.memref_slice %arg4[%add3A_4] : memref<327680xi32, #tpu.memory_space<hbm>> -> memref<512xi32, #tpu.memory_space<hbm>>
      %dma_wait3A_227 = arith.constant 0 : i32
      %dma_wait3A_228 = tpu.memref_slice %arg8[%run_scoped3A, %dma_wait3A_227] : memref<20x512xi32, #tpu.memory_space<vmem>> -> memref<1x512xi32, #tpu.memory_space<vmem>>
      %dma_wait3A_229 = tpu.memref_squeeze %dma_wait3A_228 : memref<1x512xi32, #tpu.memory_space<vmem>> -> memref<512xi32, #tpu.memory_space<vmem>>
      %dma_wait3A_230 = tpu.memref_slice %arg4[%add3A_4] : memref<327680xi32, #tpu.memory_space<hbm>> -> memref<512xi32, #tpu.memory_space<hbm>>
      tpu.wait_dma2 semaphore(%run_scoped3A_216 : memref<!tpu.dma_semaphore, #tpu.memory_space<semaphore_mem>>) src(%dma_wait3A_230 : memref<512xi32, #tpu.memory_space<hbm>>) dst(%dma_wait3A_229 : memref<512xi32, #tpu.memory_space<vmem>>)
      tpu.yield
    }) : () -> ()
    %add3A_5 = arith.constant 16384 : i32
    %add3A_6 = arith.addi %add3A_5, %mul3A_2 : i32
    %run_scoped3A_7 = arith.constant 1 : i32
    "tpu.region"() ({
      %run_scoped3A_216 = tpu.sem_alloc : memref<!tpu.dma_semaphore, #tpu.memory_space<semaphore_mem>>
      %dma_start3A = arith.constant 0 : i32
      %dma_start3A_217 = tpu.memref_slice %arg8[%run_scoped3A_7, %dma_start3A] : memref<20x512xi32, #tpu.memory_space<vmem>> -> memref<1x512xi32, #tpu.memory_space<vmem>>
      %dma_start3A_218 = tpu.memref_squeeze %dma_start3A_217 : memref<1x512xi32, #tpu.memory_space<vmem>> -> memref<512xi32, #tpu.memory_space<vmem>>
      %dma_start3A_219 = tpu.memref_slice %arg4[%add3A_6] : memref<327680xi32, #tpu.memory_space<hbm>> -> memref<512xi32, #tpu.memory_space<hbm>>
      %dma_start3A_220 = arith.constant 0 : i32
      %dma_start3A_221 = tpu.memref_slice %arg8[%run_scoped3A_7, %dma_start3A_220] : memref<20x512xi32, #tpu.memory_space<vmem>> -> memref<1x512xi32, #tpu.memory_space<vmem>>
      %dma_start3A_222 = tpu.memref_squeeze %dma_start3A_221 : memref<1x512xi32, #tpu.memory_space<vmem>> -> memref<512xi32, #tpu.memory_space<vmem>>
      %dma_start3A_223 = tpu.memref_slice %arg4[%add3A_6] : memref<327680xi32, #tpu.memory_space<hbm>> -> memref<512xi32, #tpu.memory_space<hbm>>
      tpu.enqueue_dma source(%dma_start3A_223 : memref<512xi32, #tpu.memory_space<hbm>>) target(%dma_start3A_222 : memref<512xi32, #tpu.memory_space<vmem>>) target_semaphore(%run_scoped3A_216 : memref<!tpu.dma_semaphore, #tpu.memory_space<semaphore_mem>>)
      %dma_wait3A = arith.constant 0 : i32
      %dma_wait3A_224 = tpu.memref_slice %arg8[%run_scoped3A_7, %dma_wait3A] : memref<20x512xi32, #tpu.memory_space<vmem>> -> memref<1x512xi32, #tpu.memory_space<vmem>>
      %dma_wait3A_225 = tpu.memref_squeeze %dma_wait3A_224 : memref<1x512xi32, #tpu.memory_space<vmem>> -> memref<512xi32, #tpu.memory_space<vmem>>
      %dma_wait3A_226 = tpu.memref_slice %arg4[%add3A_6] : memref<327680xi32, #tpu.memory_space<hbm>> -> memref<512xi32, #tpu.memory_space<hbm>>
      %dma_wait3A_227 = arith.constant 0 : i32
      %dma_wait3A_228 = tpu.memref_slice %arg8[%run_scoped3A_7, %dma_wait3A_227] : memref<20x512xi32, #tpu.memory_space<vmem>> -> memref<1x512xi32, #tpu.memory_space<vmem>>
      %dma_wait3A_229 = tpu.memref_squeeze %dma_wait3A_228 : memref<1x512xi32, #tpu.memory_space<vmem>> -> memref<512xi32, #tpu.memory_space<vmem>>
      %dma_wait3A_230 = tpu.memref_slice %arg4[%add3A_6] : memref<327680xi32, #tpu.memory_space<hbm>> -> memref<512xi32, #tpu.memory_space<hbm>>
      tpu.wait_dma2 semaphore(%run_scoped3A_216 : memref<!tpu.dma_semaphore, #tpu.memory_space<semaphore_mem>>) src(%dma_wait3A_230 : memref<512xi32, #tpu.memory_space<hbm>>) dst(%dma_wait3A_229 : memref<512xi32, #tpu.memory_space<vmem>>)
      tpu.yield
    }) : () -> ()
    %add3A_8 = arith.constant 32768 : i32
    %add3A_9 = arith.addi %add3A_8, %mul3A_2 : i32
    %run_scoped3A_10 = arith.constant 2 : i32
    "tpu.region"() ({
      %run_scoped3A_216 = tpu.sem_alloc : memref<!tpu.dma_semaphore, #tpu.memory_space<semaphore_mem>>
      %dma_start3A = arith.constant 0 : i32
      %dma_start3A_217 = tpu.memref_slice %arg8[%run_scoped3A_10, %dma_start3A] : memref<20x512xi32, #tpu.memory_space<vmem>> -> memref<1x512xi32, #tpu.memory_space<vmem>>
      %dma_start3A_218 = tpu.memref_squeeze %dma_start3A_217 : memref<1x512xi32, #tpu.memory_space<vmem>> -> memref<512xi32, #tpu.memory_space<vmem>>
      %dma_start3A_219 = tpu.memref_slice %arg4[%add3A_9] : memref<327680xi32, #tpu.memory_space<hbm>> -> memref<512xi32, #tpu.memory_space<hbm>>
      %dma_start3A_220 = arith.constant 0 : i32
      %dma_start3A_221 = tpu.memref_slice %arg8[%run_scoped3A_10, %dma_start3A_220] : memref<20x512xi32, #tpu.memory_space<vmem>> -> memref<1x512xi32, #tpu.memory_space<vmem>>
      %dma_start3A_222 = tpu.memref_squeeze %dma_start3A_221 : memref<1x512xi32, #tpu.memory_space<vmem>> -> memref<512xi32, #tpu.memory_space<vmem>>
      %dma_start3A_223 = tpu.memref_slice %arg4[%add3A_9] : memref<327680xi32, #tpu.memory_space<hbm>> -> memref<512xi32, #tpu.memory_space<hbm>>
      tpu.enqueue_dma source(%dma_start3A_223 : memref<512xi32, #tpu.memory_space<hbm>>) target(%dma_start3A_222 : memref<512xi32, #tpu.memory_space<vmem>>) target_semaphore(%run_scoped3A_216 : memref<!tpu.dma_semaphore, #tpu.memory_space<semaphore_mem>>)
      %dma_wait3A = arith.constant 0 : i32
      %dma_wait3A_224 = tpu.memref_slice %arg8[%run_scoped3A_10, %dma_wait3A] : memref<20x512xi32, #tpu.memory_space<vmem>> -> memref<1x512xi32, #tpu.memory_space<vmem>>
      %dma_wait3A_225 = tpu.memref_squeeze %dma_wait3A_224 : memref<1x512xi32, #tpu.memory_space<vmem>> -> memref<512xi32, #tpu.memory_space<vmem>>
      %dma_wait3A_226 = tpu.memref_slice %arg4[%add3A_9] : memref<327680xi32, #tpu.memory_space<hbm>> -> memref<512xi32, #tpu.memory_space<hbm>>
      %dma_wait3A_227 = arith.constant 0 : i32
      %dma_wait3A_228 = tpu.memref_slice %arg8[%run_scoped3A_10, %dma_wait3A_227] : memref<20x512xi32, #tpu.memory_space<vmem>> -> memref<1x512xi32, #tpu.memory_space<vmem>>
      %dma_wait3A_229 = tpu.memref_squeeze %dma_wait3A_228 : memref<1x512xi32, #tpu.memory_space<vmem>> -> memref<512xi32, #tpu.memory_space<vmem>>
      %dma_wait3A_230 = tpu.memref_slice %arg4[%add3A_9] : memref<327680xi32, #tpu.memory_space<hbm>> -> memref<512xi32, #tpu.memory_space<hbm>>
      tpu.wait_dma2 semaphore(%run_scoped3A_216 : memref<!tpu.dma_semaphore, #tpu.memory_space<semaphore_mem>>) src(%dma_wait3A_230 : memref<512xi32, #tpu.memory_space<hbm>>) dst(%dma_wait3A_229 : memref<512xi32, #tpu.memory_space<vmem>>)
      tpu.yield
    }) : () -> ()
    %add3A_11 = arith.constant 49152 : i32
    %add3A_12 = arith.addi %add3A_11, %mul3A_2 : i32
    %run_scoped3A_13 = arith.constant 3 : i32
    "tpu.region"() ({
      %run_scoped3A_216 = tpu.sem_alloc : memref<!tpu.dma_semaphore, #tpu.memory_space<semaphore_mem>>
      %dma_start3A = arith.constant 0 : i32
      %dma_start3A_217 = tpu.memref_slice %arg8[%run_scoped3A_13, %dma_start3A] : memref<20x512xi32, #tpu.memory_space<vmem>> -> memref<1x512xi32, #tpu.memory_space<vmem>>
      %dma_start3A_218 = tpu.memref_squeeze %dma_start3A_217 : memref<1x512xi32, #tpu.memory_space<vmem>> -> memref<512xi32, #tpu.memory_space<vmem>>
      %dma_start3A_219 = tpu.memref_slice %arg4[%add3A_12] : memref<327680xi32, #tpu.memory_space<hbm>> -> memref<512xi32, #tpu.memory_space<hbm>>
      %dma_start3A_220 = arith.constant 0 : i32
      %dma_start3A_221 = tpu.memref_slice %arg8[%run_scoped3A_13, %dma_start3A_220] : memref<20x512xi32, #tpu.memory_space<vmem>> -> memref<1x512xi32, #tpu.memory_space<vmem>>
      %dma_start3A_222 = tpu.memref_squeeze %dma_start3A_221 : memref<1x512xi32, #tpu.memory_space<vmem>> -> memref<512xi32, #tpu.memory_space<vmem>>
      %dma_start3A_223 = tpu.memref_slice %arg4[%add3A_12] : memref<327680xi32, #tpu.memory_space<hbm>> -> memref<512xi32, #tpu.memory_space<hbm>>
      tpu.enqueue_dma source(%dma_start3A_223 : memref<512xi32, #tpu.memory_space<hbm>>) target(%dma_start3A_222 : memref<512xi32, #tpu.memory_space<vmem>>) target_semaphore(%run_scoped3A_216 : memref<!tpu.dma_semaphore, #tpu.memory_space<semaphore_mem>>)
      %dma_wait3A = arith.constant 0 : i32
      %dma_wait3A_224 = tpu.memref_slice %arg8[%run_scoped3A_13, %dma_wait3A] : memref<20x512xi32, #tpu.memory_space<vmem>> -> memref<1x512xi32, #tpu.memory_space<vmem>>
      %dma_wait3A_225 = tpu.memref_squeeze %dma_wait3A_224 : memref<1x512xi32, #tpu.memory_space<vmem>> -> memref<512xi32, #tpu.memory_space<vmem>>
      %dma_wait3A_226 = tpu.memref_slice %arg4[%add3A_12] : memref<327680xi32, #tpu.memory_space<hbm>> -> memref<512xi32, #tpu.memory_space<hbm>>
      %dma_wait3A_227 = arith.constant 0 : i32
      %dma_wait3A_228 = tpu.memref_slice %arg8[%run_scoped3A_13, %dma_wait3A_227] : memref<20x512xi32, #tpu.memory_space<vmem>> -> memref<1x512xi32, #tpu.memory_space<vmem>>
      %dma_wait3A_229 = tpu.memref_squeeze %dma_wait3A_228 : memref<1x512xi32, #tpu.memory_space<vmem>> -> memref<512xi32, #tpu.memory_space<vmem>>
      %dma_wait3A_230 = tpu.memref_slice %arg4[%add3A_12] : memref<327680xi32, #tpu.memory_space<hbm>> -> memref<512xi32, #tpu.memory_space<hbm>>
      tpu.wait_dma2 semaphore(%run_scoped3A_216 : memref<!tpu.dma_semaphore, #tpu.memory_space<semaphore_mem>>) src(%dma_wait3A_230 : memref<512xi32, #tpu.memory_space<hbm>>) dst(%dma_wait3A_229 : memref<512xi32, #tpu.memory_space<vmem>>)
      tpu.yield
    }) : () -> ()
    %add3A_14 = arith.constant 65536 : i32
    %add3A_15 = arith.addi %add3A_14, %mul3A_2 : i32
    %run_scoped3A_16 = arith.constant 4 : i32
    "tpu.region"() ({
      %run_scoped3A_216 = tpu.sem_alloc : memref<!tpu.dma_semaphore, #tpu.memory_space<semaphore_mem>>
      %dma_start3A = arith.constant 0 : i32
      %dma_start3A_217 = tpu.memref_slice %arg8[%run_scoped3A_16, %dma_start3A] : memref<20x512xi32, #tpu.memory_space<vmem>> -> memref<1x512xi32, #tpu.memory_space<vmem>>
      %dma_start3A_218 = tpu.memref_squeeze %dma_start3A_217 : memref<1x512xi32, #tpu.memory_space<vmem>> -> memref<512xi32, #tpu.memory_space<vmem>>
      %dma_start3A_219 = tpu.memref_slice %arg4[%add3A_15] : memref<327680xi32, #tpu.memory_space<hbm>> -> memref<512xi32, #tpu.memory_space<hbm>>
      %dma_start3A_220 = arith.constant 0 : i32
      %dma_start3A_221 = tpu.memref_slice %arg8[%run_scoped3A_16, %dma_start3A_220] : memref<20x512xi32, #tpu.memory_space<vmem>> -> memref<1x512xi32, #tpu.memory_space<vmem>>
      %dma_start3A_222 = tpu.memref_squeeze %dma_start3A_221 : memref<1x512xi32, #tpu.memory_space<vmem>> -> memref<512xi32, #tpu.memory_space<vmem>>
      %dma_start3A_223 = tpu.memref_slice %arg4[%add3A_15] : memref<327680xi32, #tpu.memory_space<hbm>> -> memref<512xi32, #tpu.memory_space<hbm>>
      tpu.enqueue_dma source(%dma_start3A_223 : memref<512xi32, #tpu.memory_space<hbm>>) target(%dma_start3A_222 : memref<512xi32, #tpu.memory_space<vmem>>) target_semaphore(%run_scoped3A_216 : memref<!tpu.dma_semaphore, #tpu.memory_space<semaphore_mem>>)
      %dma_wait3A = arith.constant 0 : i32
      %dma_wait3A_224 = tpu.memref_slice %arg8[%run_scoped3A_16, %dma_wait3A] : memref<20x512xi32, #tpu.memory_space<vmem>> -> memref<1x512xi32, #tpu.memory_space<vmem>>
      %dma_wait3A_225 = tpu.memref_squeeze %dma_wait3A_224 : memref<1x512xi32, #tpu.memory_space<vmem>> -> memref<512xi32, #tpu.memory_space<vmem>>
      %dma_wait3A_226 = tpu.memref_slice %arg4[%add3A_15] : memref<327680xi32, #tpu.memory_space<hbm>> -> memref<512xi32, #tpu.memory_space<hbm>>
      %dma_wait3A_227 = arith.constant 0 : i32
      %dma_wait3A_228 = tpu.memref_slice %arg8[%run_scoped3A_16, %dma_wait3A_227] : memref<20x512xi32, #tpu.memory_space<vmem>> -> memref<1x512xi32, #tpu.memory_space<vmem>>
      %dma_wait3A_229 = tpu.memref_squeeze %dma_wait3A_228 : memref<1x512xi32, #tpu.memory_space<vmem>> -> memref<512xi32, #tpu.memory_space<vmem>>
      %dma_wait3A_230 = tpu.memref_slice %arg4[%add3A_15] : memref<327680xi32, #tpu.memory_space<hbm>> -> memref<512xi32, #tpu.memory_space<hbm>>
      tpu.wait_dma2 semaphore(%run_scoped3A_216 : memref<!tpu.dma_semaphore, #tpu.memory_space<semaphore_mem>>) src(%dma_wait3A_230 : memref<512xi32, #tpu.memory_space<hbm>>) dst(%dma_wait3A_229 : memref<512xi32, #tpu.memory_space<vmem>>)
      tpu.yield
    }) : () -> ()
    %add3A_17 = arith.constant 81920 : i32
    %add3A_18 = arith.addi %add3A_17, %mul3A_2 : i32
    %run_scoped3A_19 = arith.constant 5 : i32
    "tpu.region"() ({
      %run_scoped3A_216 = tpu.sem_alloc : memref<!tpu.dma_semaphore, #tpu.memory_space<semaphore_mem>>
      %dma_start3A = arith.constant 0 : i32
      %dma_start3A_217 = tpu.memref_slice %arg8[%run_scoped3A_19, %dma_start3A] : memref<20x512xi32, #tpu.memory_space<vmem>> -> memref<1x512xi32, #tpu.memory_space<vmem>>
      %dma_start3A_218 = tpu.memref_squeeze %dma_start3A_217 : memref<1x512xi32, #tpu.memory_space<vmem>> -> memref<512xi32, #tpu.memory_space<vmem>>
      %dma_start3A_219 = tpu.memref_slice %arg4[%add3A_18] : memref<327680xi32, #tpu.memory_space<hbm>> -> memref<512xi32, #tpu.memory_space<hbm>>
      %dma_start3A_220 = arith.constant 0 : i32
      %dma_start3A_221 = tpu.memref_slice %arg8[%run_scoped3A_19, %dma_start3A_220] : memref<20x512xi32, #tpu.memory_space<vmem>> -> memref<1x512xi32, #tpu.memory_space<vmem>>
      %dma_start3A_222 = tpu.memref_squeeze %dma_start3A_221 : memref<1x512xi32, #tpu.memory_space<vmem>> -> memref<512xi32, #tpu.memory_space<vmem>>
      %dma_start3A_223 = tpu.memref_slice %arg4[%add3A_18] : memref<327680xi32, #tpu.memory_space<hbm>> -> memref<512xi32, #tpu.memory_space<hbm>>
      tpu.enqueue_dma source(%dma_start3A_223 : memref<512xi32, #tpu.memory_space<hbm>>) target(%dma_start3A_222 : memref<512xi32, #tpu.memory_space<vmem>>) target_semaphore(%run_scoped3A_216 : memref<!tpu.dma_semaphore, #tpu.memory_space<semaphore_mem>>)
      %dma_wait3A = arith.constant 0 : i32
      %dma_wait3A_224 = tpu.memref_slice %arg8[%run_scoped3A_19, %dma_wait3A] : memref<20x512xi32, #tpu.memory_space<vmem>> -> memref<1x512xi32, #tpu.memory_space<vmem>>
      %dma_wait3A_225 = tpu.memref_squeeze %dma_wait3A_224 : memref<1x512xi32, #tpu.memory_space<vmem>> -> memref<512xi32, #tpu.memory_space<vmem>>
      %dma_wait3A_226 = tpu.memref_slice %arg4[%add3A_18] : memref<327680xi32, #tpu.memory_space<hbm>> -> memref<512xi32, #tpu.memory_space<hbm>>
      %dma_wait3A_227 = arith.constant 0 : i32
      %dma_wait3A_228 = tpu.memref_slice %arg8[%run_scoped3A_19, %dma_wait3A_227] : memref<20x512xi32, #tpu.memory_space<vmem>> -> memref<1x512xi32, #tpu.memory_space<vmem>>
      %dma_wait3A_229 = tpu.memref_squeeze %dma_wait3A_228 : memref<1x512xi32, #tpu.memory_space<vmem>> -> memref<512xi32, #tpu.memory_space<vmem>>
      %dma_wait3A_230 = tpu.memref_slice %arg4[%add3A_18] : memref<327680xi32, #tpu.memory_space<hbm>> -> memref<512xi32, #tpu.memory_space<hbm>>
      tpu.wait_dma2 semaphore(%run_scoped3A_216 : memref<!tpu.dma_semaphore, #tpu.memory_space<semaphore_mem>>) src(%dma_wait3A_230 : memref<512xi32, #tpu.memory_space<hbm>>) dst(%dma_wait3A_229 : memref<512xi32, #tpu.memory_space<vmem>>)
      tpu.yield
    }) : () -> ()
    %add3A_20 = arith.constant 98304 : i32
    %add3A_21 = arith.addi %add3A_20, %mul3A_2 : i32
    %run_scoped3A_22 = arith.constant 6 : i32
    "tpu.region"() ({
      %run_scoped3A_216 = tpu.sem_alloc : memref<!tpu.dma_semaphore, #tpu.memory_space<semaphore_mem>>
      %dma_start3A = arith.constant 0 : i32
      %dma_start3A_217 = tpu.memref_slice %arg8[%run_scoped3A_22, %dma_start3A] : memref<20x512xi32, #tpu.memory_space<vmem>> -> memref<1x512xi32, #tpu.memory_space<vmem>>
      %dma_start3A_218 = tpu.memref_squeeze %dma_start3A_217 : memref<1x512xi32, #tpu.memory_space<vmem>> -> memref<512xi32, #tpu.memory_space<vmem>>
      %dma_start3A_219 = tpu.memref_slice %arg4[%add3A_21] : memref<327680xi32, #tpu.memory_space<hbm>> -> memref<512xi32, #tpu.memory_space<hbm>>
      %dma_start3A_220 = arith.constant 0 : i32
      %dma_start3A_221 = tpu.memref_slice %arg8[%run_scoped3A_22, %dma_start3A_220] : memref<20x512xi32, #tpu.memory_space<vmem>> -> memref<1x512xi32, #tpu.memory_space<vmem>>
      %dma_start3A_222 = tpu.memref_squeeze %dma_start3A_221 : memref<1x512xi32, #tpu.memory_space<vmem>> -> memref<512xi32, #tpu.memory_space<vmem>>
      %dma_start3A_223 = tpu.memref_slice %arg4[%add3A_21] : memref<327680xi32, #tpu.memory_space<hbm>> -> memref<512xi32, #tpu.memory_space<hbm>>
      tpu.enqueue_dma source(%dma_start3A_223 : memref<512xi32, #tpu.memory_space<hbm>>) target(%dma_start3A_222 : memref<512xi32, #tpu.memory_space<vmem>>) target_semaphore(%run_scoped3A_216 : memref<!tpu.dma_semaphore, #tpu.memory_space<semaphore_mem>>)
      %dma_wait3A = arith.constant 0 : i32
      %dma_wait3A_224 = tpu.memref_slice %arg8[%run_scoped3A_22, %dma_wait3A] : memref<20x512xi32, #tpu.memory_space<vmem>> -> memref<1x512xi32, #tpu.memory_space<vmem>>
      %dma_wait3A_225 = tpu.memref_squeeze %dma_wait3A_224 : memref<1x512xi32, #tpu.memory_space<vmem>> -> memref<512xi32, #tpu.memory_space<vmem>>
      %dma_wait3A_226 = tpu.memref_slice %arg4[%add3A_21] : memref<327680xi32, #tpu.memory_space<hbm>> -> memref<512xi32, #tpu.memory_space<hbm>>
      %dma_wait3A_227 = arith.constant 0 : i32
      %dma_wait3A_228 = tpu.memref_slice %arg8[%run_scoped3A_22, %dma_wait3A_227] : memref<20x512xi32, #tpu.memory_space<vmem>> -> memref<1x512xi32, #tpu.memory_space<vmem>>
      %dma_wait3A_229 = tpu.memref_squeeze %dma_wait3A_228 : memref<1x512xi32, #tpu.memory_space<vmem>> -> memref<512xi32, #tpu.memory_space<vmem>>
      %dma_wait3A_230 = tpu.memref_slice %arg4[%add3A_21] : memref<327680xi32, #tpu.memory_space<hbm>> -> memref<512xi32, #tpu.memory_space<hbm>>
      tpu.wait_dma2 semaphore(%run_scoped3A_216 : memref<!tpu.dma_semaphore, #tpu.memory_space<semaphore_mem>>) src(%dma_wait3A_230 : memref<512xi32, #tpu.memory_space<hbm>>) dst(%dma_wait3A_229 : memref<512xi32, #tpu.memory_space<vmem>>)
      tpu.yield
    }) : () -> ()
    %add3A_23 = arith.constant 114688 : i32
    %add3A_24 = arith.addi %add3A_23, %mul3A_2 : i32
    %run_scoped3A_25 = arith.constant 7 : i32
    "tpu.region"() ({
      %run_scoped3A_216 = tpu.sem_alloc : memref<!tpu.dma_semaphore, #tpu.memory_space<semaphore_mem>>
      %dma_start3A = arith.constant 0 : i32
      %dma_start3A_217 = tpu.memref_slice %arg8[%run_scoped3A_25, %dma_start3A] : memref<20x512xi32, #tpu.memory_space<vmem>> -> memref<1x512xi32, #tpu.memory_space<vmem>>
      %dma_start3A_218 = tpu.memref_squeeze %dma_start3A_217 : memref<1x512xi32, #tpu.memory_space<vmem>> -> memref<512xi32, #tpu.memory_space<vmem>>
      %dma_start3A_219 = tpu.memref_slice %arg4[%add3A_24] : memref<327680xi32, #tpu.memory_space<hbm>> -> memref<512xi32, #tpu.memory_space<hbm>>
      %dma_start3A_220 = arith.constant 0 : i32
      %dma_start3A_221 = tpu.memref_slice %arg8[%run_scoped3A_25, %dma_start3A_220] : memref<20x512xi32, #tpu.memory_space<vmem>> -> memref<1x512xi32, #tpu.memory_space<vmem>>
      %dma_start3A_222 = tpu.memref_squeeze %dma_start3A_221 : memref<1x512xi32, #tpu.memory_space<vmem>> -> memref<512xi32, #tpu.memory_space<vmem>>
      %dma_start3A_223 = tpu.memref_slice %arg4[%add3A_24] : memref<327680xi32, #tpu.memory_space<hbm>> -> memref<512xi32, #tpu.memory_space<hbm>>
      tpu.enqueue_dma source(%dma_start3A_223 : memref<512xi32, #tpu.memory_space<hbm>>) target(%dma_start3A_222 : memref<512xi32, #tpu.memory_space<vmem>>) target_semaphore(%run_scoped3A_216 : memref<!tpu.dma_semaphore, #tpu.memory_space<semaphore_mem>>)
      %dma_wait3A = arith.constant 0 : i32
      %dma_wait3A_224 = tpu.memref_slice %arg8[%run_scoped3A_25, %dma_wait3A] : memref<20x512xi32, #tpu.memory_space<vmem>> -> memref<1x512xi32, #tpu.memory_space<vmem>>
      %dma_wait3A_225 = tpu.memref_squeeze %dma_wait3A_224 : memref<1x512xi32, #tpu.memory_space<vmem>> -> memref<512xi32, #tpu.memory_space<vmem>>
      %dma_wait3A_226 = tpu.memref_slice %arg4[%add3A_24] : memref<327680xi32, #tpu.memory_space<hbm>> -> memref<512xi32, #tpu.memory_space<hbm>>
      %dma_wait3A_227 = arith.constant 0 : i32
      %dma_wait3A_228 = tpu.memref_slice %arg8[%run_scoped3A_25, %dma_wait3A_227] : memref<20x512xi32, #tpu.memory_space<vmem>> -> memref<1x512xi32, #tpu.memory_space<vmem>>
      %dma_wait3A_229 = tpu.memref_squeeze %dma_wait3A_228 : memref<1x512xi32, #tpu.memory_space<vmem>> -> memref<512xi32, #tpu.memory_space<vmem>>
      %dma_wait3A_230 = tpu.memref_slice %arg4[%add3A_24] : memref<327680xi32, #tpu.memory_space<hbm>> -> memref<512xi32, #tpu.memory_space<hbm>>
      tpu.wait_dma2 semaphore(%run_scoped3A_216 : memref<!tpu.dma_semaphore, #tpu.memory_space<semaphore_mem>>) src(%dma_wait3A_230 : memref<512xi32, #tpu.memory_space<hbm>>) dst(%dma_wait3A_229 : memref<512xi32, #tpu.memory_space<vmem>>)
      tpu.yield
    }) : () -> ()
    %add3A_26 = arith.constant 131072 : i32
    %add3A_27 = arith.addi %add3A_26, %mul3A_2 : i32
    %run_scoped3A_28 = arith.constant 8 : i32
    "tpu.region"() ({
      %run_scoped3A_216 = tpu.sem_alloc : memref<!tpu.dma_semaphore, #tpu.memory_space<semaphore_mem>>
      %dma_start3A = arith.constant 0 : i32
      %dma_start3A_217 = tpu.memref_slice %arg8[%run_scoped3A_28, %dma_start3A] : memref<20x512xi32, #tpu.memory_space<vmem>> -> memref<1x512xi32, #tpu.memory_space<vmem>>
      %dma_start3A_218 = tpu.memref_squeeze %dma_start3A_217 : memref<1x512xi32, #tpu.memory_space<vmem>> -> memref<512xi32, #tpu.memory_space<vmem>>
      %dma_start3A_219 = tpu.memref_slice %arg4[%add3A_27] : memref<327680xi32, #tpu.memory_space<hbm>> -> memref<512xi32, #tpu.memory_space<hbm>>
      %dma_start3A_220 = arith.constant 0 : i32
      %dma_start3A_221 = tpu.memref_slice %arg8[%run_scoped3A_28, %dma_start3A_220] : memref<20x512xi32, #tpu.memory_space<vmem>> -> memref<1x512xi32, #tpu.memory_space<vmem>>
      %dma_start3A_222 = tpu.memref_squeeze %dma_start3A_221 : memref<1x512xi32, #tpu.memory_space<vmem>> -> memref<512xi32, #tpu.memory_space<vmem>>
      %dma_start3A_223 = tpu.memref_slice %arg4[%add3A_27] : memref<327680xi32, #tpu.memory_space<hbm>> -> memref<512xi32, #tpu.memory_space<hbm>>
      tpu.enqueue_dma source(%dma_start3A_223 : memref<512xi32, #tpu.memory_space<hbm>>) target(%dma_start3A_222 : memref<512xi32, #tpu.memory_space<vmem>>) target_semaphore(%run_scoped3A_216 : memref<!tpu.dma_semaphore, #tpu.memory_space<semaphore_mem>>)
      %dma_wait3A = arith.constant 0 : i32
      %dma_wait3A_224 = tpu.memref_slice %arg8[%run_scoped3A_28, %dma_wait3A] : memref<20x512xi32, #tpu.memory_space<vmem>> -> memref<1x512xi32, #tpu.memory_space<vmem>>
      %dma_wait3A_225 = tpu.memref_squeeze %dma_wait3A_224 : memref<1x512xi32, #tpu.memory_space<vmem>> -> memref<512xi32, #tpu.memory_space<vmem>>
      %dma_wait3A_226 = tpu.memref_slice %arg4[%add3A_27] : memref<327680xi32, #tpu.memory_space<hbm>> -> memref<512xi32, #tpu.memory_space<hbm>>
      %dma_wait3A_227 = arith.constant 0 : i32
      %dma_wait3A_228 = tpu.memref_slice %arg8[%run_scoped3A_28, %dma_wait3A_227] : memref<20x512xi32, #tpu.memory_space<vmem>> -> memref<1x512xi32, #tpu.memory_space<vmem>>
      %dma_wait3A_229 = tpu.memref_squeeze %dma_wait3A_228 : memref<1x512xi32, #tpu.memory_space<vmem>> -> memref<512xi32, #tpu.memory_space<vmem>>
      %dma_wait3A_230 = tpu.memref_slice %arg4[%add3A_27] : memref<327680xi32, #tpu.memory_space<hbm>> -> memref<512xi32, #tpu.memory_space<hbm>>
      tpu.wait_dma2 semaphore(%run_scoped3A_216 : memref<!tpu.dma_semaphore, #tpu.memory_space<semaphore_mem>>) src(%dma_wait3A_230 : memref<512xi32, #tpu.memory_space<hbm>>) dst(%dma_wait3A_229 : memref<512xi32, #tpu.memory_space<vmem>>)
      tpu.yield
    }) : () -> ()
    %add3A_29 = arith.constant 147456 : i32
    %add3A_30 = arith.addi %add3A_29, %mul3A_2 : i32
    %run_scoped3A_31 = arith.constant 9 : i32
    "tpu.region"() ({
      %run_scoped3A_216 = tpu.sem_alloc : memref<!tpu.dma_semaphore, #tpu.memory_space<semaphore_mem>>
      %dma_start3A = arith.constant 0 : i32
      %dma_start3A_217 = tpu.memref_slice %arg8[%run_scoped3A_31, %dma_start3A] : memref<20x512xi32, #tpu.memory_space<vmem>> -> memref<1x512xi32, #tpu.memory_space<vmem>>
      %dma_start3A_218 = tpu.memref_squeeze %dma_start3A_217 : memref<1x512xi32, #tpu.memory_space<vmem>> -> memref<512xi32, #tpu.memory_space<vmem>>
      %dma_start3A_219 = tpu.memref_slice %arg4[%add3A_30] : memref<327680xi32, #tpu.memory_space<hbm>> -> memref<512xi32, #tpu.memory_space<hbm>>
      %dma_start3A_220 = arith.constant 0 : i32
      %dma_start3A_221 = tpu.memref_slice %arg8[%run_scoped3A_31, %dma_start3A_220] : memref<20x512xi32, #tpu.memory_space<vmem>> -> memref<1x512xi32, #tpu.memory_space<vmem>>
      %dma_start3A_222 = tpu.memref_squeeze %dma_start3A_221 : memref<1x512xi32, #tpu.memory_space<vmem>> -> memref<512xi32, #tpu.memory_space<vmem>>
      %dma_start3A_223 = tpu.memref_slice %arg4[%add3A_30] : memref<327680xi32, #tpu.memory_space<hbm>> -> memref<512xi32, #tpu.memory_space<hbm>>
      tpu.enqueue_dma source(%dma_start3A_223 : memref<512xi32, #tpu.memory_space<hbm>>) target(%dma_start3A_222 : memref<512xi32, #tpu.memory_space<vmem>>) target_semaphore(%run_scoped3A_216 : memref<!tpu.dma_semaphore, #tpu.memory_space<semaphore_mem>>)
      %dma_wait3A = arith.constant 0 : i32
      %dma_wait3A_224 = tpu.memref_slice %arg8[%run_scoped3A_31, %dma_wait3A] : memref<20x512xi32, #tpu.memory_space<vmem>> -> memref<1x512xi32, #tpu.memory_space<vmem>>
      %dma_wait3A_225 = tpu.memref_squeeze %dma_wait3A_224 : memref<1x512xi32, #tpu.memory_space<vmem>> -> memref<512xi32, #tpu.memory_space<vmem>>
      %dma_wait3A_226 = tpu.memref_slice %arg4[%add3A_30] : memref<327680xi32, #tpu.memory_space<hbm>> -> memref<512xi32, #tpu.memory_space<hbm>>
      %dma_wait3A_227 = arith.constant 0 : i32
      %dma_wait3A_228 = tpu.memref_slice %arg8[%run_scoped3A_31, %dma_wait3A_227] : memref<20x512xi32, #tpu.memory_space<vmem>> -> memref<1x512xi32, #tpu.memory_space<vmem>>
      %dma_wait3A_229 = tpu.memref_squeeze %dma_wait3A_228 : memref<1x512xi32, #tpu.memory_space<vmem>> -> memref<512xi32, #tpu.memory_space<vmem>>
      %dma_wait3A_230 = tpu.memref_slice %arg4[%add3A_30] : memref<327680xi32, #tpu.memory_space<hbm>> -> memref<512xi32, #tpu.memory_space<hbm>>
      tpu.wait_dma2 semaphore(%run_scoped3A_216 : memref<!tpu.dma_semaphore, #tpu.memory_space<semaphore_mem>>) src(%dma_wait3A_230 : memref<512xi32, #tpu.memory_space<hbm>>) dst(%dma_wait3A_229 : memref<512xi32, #tpu.memory_space<vmem>>)
      tpu.yield
    }) : () -> ()
    %add3A_32 = arith.constant 163840 : i32
    %add3A_33 = arith.addi %add3A_32, %mul3A_2 : i32
    %run_scoped3A_34 = arith.constant 10 : i32
    "tpu.region"() ({
      %run_scoped3A_216 = tpu.sem_alloc : memref<!tpu.dma_semaphore, #tpu.memory_space<semaphore_mem>>
      %dma_start3A = arith.constant 0 : i32
      %dma_start3A_217 = tpu.memref_slice %arg8[%run_scoped3A_34, %dma_start3A] : memref<20x512xi32, #tpu.memory_space<vmem>> -> memref<1x512xi32, #tpu.memory_space<vmem>>
      %dma_start3A_218 = tpu.memref_squeeze %dma_start3A_217 : memref<1x512xi32, #tpu.memory_space<vmem>> -> memref<512xi32, #tpu.memory_space<vmem>>
      %dma_start3A_219 = tpu.memref_slice %arg4[%add3A_33] : memref<327680xi32, #tpu.memory_space<hbm>> -> memref<512xi32, #tpu.memory_space<hbm>>
      %dma_start3A_220 = arith.constant 0 : i32
      %dma_start3A_221 = tpu.memref_slice %arg8[%run_scoped3A_34, %dma_start3A_220] : memref<20x512xi32, #tpu.memory_space<vmem>> -> memref<1x512xi32, #tpu.memory_space<vmem>>
      %dma_start3A_222 = tpu.memref_squeeze %dma_start3A_221 : memref<1x512xi32, #tpu.memory_space<vmem>> -> memref<512xi32, #tpu.memory_space<vmem>>
      %dma_start3A_223 = tpu.memref_slice %arg4[%add3A_33] : memref<327680xi32, #tpu.memory_space<hbm>> -> memref<512xi32, #tpu.memory_space<hbm>>
      tpu.enqueue_dma source(%dma_start3A_223 : memref<512xi32, #tpu.memory_space<hbm>>) target(%dma_start3A_222 : memref<512xi32, #tpu.memory_space<vmem>>) target_semaphore(%run_scoped3A_216 : memref<!tpu.dma_semaphore, #tpu.memory_space<semaphore_mem>>)
      %dma_wait3A = arith.constant 0 : i32
      %dma_wait3A_224 = tpu.memref_slice %arg8[%run_scoped3A_34, %dma_wait3A] : memref<20x512xi32, #tpu.memory_space<vmem>> -> memref<1x512xi32, #tpu.memory_space<vmem>>
      %dma_wait3A_225 = tpu.memref_squeeze %dma_wait3A_224 : memref<1x512xi32, #tpu.memory_space<vmem>> -> memref<512xi32, #tpu.memory_space<vmem>>
      %dma_wait3A_226 = tpu.memref_slice %arg4[%add3A_33] : memref<327680xi32, #tpu.memory_space<hbm>> -> memref<512xi32, #tpu.memory_space<hbm>>
      %dma_wait3A_227 = arith.constant 0 : i32
      %dma_wait3A_228 = tpu.memref_slice %arg8[%run_scoped3A_34, %dma_wait3A_227] : memref<20x512xi32, #tpu.memory_space<vmem>> -> memref<1x512xi32, #tpu.memory_space<vmem>>
      %dma_wait3A_229 = tpu.memref_squeeze %dma_wait3A_228 : memref<1x512xi32, #tpu.memory_space<vmem>> -> memref<512xi32, #tpu.memory_space<vmem>>
      %dma_wait3A_230 = tpu.memref_slice %arg4[%add3A_33] : memref<327680xi32, #tpu.memory_space<hbm>> -> memref<512xi32, #tpu.memory_space<hbm>>
      tpu.wait_dma2 semaphore(%run_scoped3A_216 : memref<!tpu.dma_semaphore, #tpu.memory_space<semaphore_mem>>) src(%dma_wait3A_230 : memref<512xi32, #tpu.memory_space<hbm>>) dst(%dma_wait3A_229 : memref<512xi32, #tpu.memory_space<vmem>>)
      tpu.yield
    }) : () -> ()
    %add3A_35 = arith.constant 180224 : i32
    %add3A_36 = arith.addi %add3A_35, %mul3A_2 : i32
    %run_scoped3A_37 = arith.constant 11 : i32
    "tpu.region"() ({
      %run_scoped3A_216 = tpu.sem_alloc : memref<!tpu.dma_semaphore, #tpu.memory_space<semaphore_mem>>
      %dma_start3A = arith.constant 0 : i32
      %dma_start3A_217 = tpu.memref_slice %arg8[%run_scoped3A_37, %dma_start3A] : memref<20x512xi32, #tpu.memory_space<vmem>> -> memref<1x512xi32, #tpu.memory_space<vmem>>
      %dma_start3A_218 = tpu.memref_squeeze %dma_start3A_217 : memref<1x512xi32, #tpu.memory_space<vmem>> -> memref<512xi32, #tpu.memory_space<vmem>>
      %dma_start3A_219 = tpu.memref_slice %arg4[%add3A_36] : memref<327680xi32, #tpu.memory_space<hbm>> -> memref<512xi32, #tpu.memory_space<hbm>>
      %dma_start3A_220 = arith.constant 0 : i32
      %dma_start3A_221 = tpu.memref_slice %arg8[%run_scoped3A_37, %dma_start3A_220] : memref<20x512xi32, #tpu.memory_space<vmem>> -> memref<1x512xi32, #tpu.memory_space<vmem>>
      %dma_start3A_222 = tpu.memref_squeeze %dma_start3A_221 : memref<1x512xi32, #tpu.memory_space<vmem>> -> memref<512xi32, #tpu.memory_space<vmem>>
      %dma_start3A_223 = tpu.memref_slice %arg4[%add3A_36] : memref<327680xi32, #tpu.memory_space<hbm>> -> memref<512xi32, #tpu.memory_space<hbm>>
      tpu.enqueue_dma source(%dma_start3A_223 : memref<512xi32, #tpu.memory_space<hbm>>) target(%dma_start3A_222 : memref<512xi32, #tpu.memory_space<vmem>>) target_semaphore(%run_scoped3A_216 : memref<!tpu.dma_semaphore, #tpu.memory_space<semaphore_mem>>)
      %dma_wait3A = arith.constant 0 : i32
      %dma_wait3A_224 = tpu.memref_slice %arg8[%run_scoped3A_37, %dma_wait3A] : memref<20x512xi32, #tpu.memory_space<vmem>> -> memref<1x512xi32, #tpu.memory_space<vmem>>
      %dma_wait3A_225 = tpu.memref_squeeze %dma_wait3A_224 : memref<1x512xi32, #tpu.memory_space<vmem>> -> memref<512xi32, #tpu.memory_space<vmem>>
      %dma_wait3A_226 = tpu.memref_slice %arg4[%add3A_36] : memref<327680xi32, #tpu.memory_space<hbm>> -> memref<512xi32, #tpu.memory_space<hbm>>
      %dma_wait3A_227 = arith.constant 0 : i32
      %dma_wait3A_228 = tpu.memref_slice %arg8[%run_scoped3A_37, %dma_wait3A_227] : memref<20x512xi32, #tpu.memory_space<vmem>> -> memref<1x512xi32, #tpu.memory_space<vmem>>
      %dma_wait3A_229 = tpu.memref_squeeze %dma_wait3A_228 : memref<1x512xi32, #tpu.memory_space<vmem>> -> memref<512xi32, #tpu.memory_space<vmem>>
      %dma_wait3A_230 = tpu.memref_slice %arg4[%add3A_36] : memref<327680xi32, #tpu.memory_space<hbm>> -> memref<512xi32, #tpu.memory_space<hbm>>
      tpu.wait_dma2 semaphore(%run_scoped3A_216 : memref<!tpu.dma_semaphore, #tpu.memory_space<semaphore_mem>>) src(%dma_wait3A_230 : memref<512xi32, #tpu.memory_space<hbm>>) dst(%dma_wait3A_229 : memref<512xi32, #tpu.memory_space<vmem>>)
      tpu.yield
    }) : () -> ()
    %add3A_38 = arith.constant 196608 : i32
    %add3A_39 = arith.addi %add3A_38, %mul3A_2 : i32
    %run_scoped3A_40 = arith.constant 12 : i32
    "tpu.region"() ({
      %run_scoped3A_216 = tpu.sem_alloc : memref<!tpu.dma_semaphore, #tpu.memory_space<semaphore_mem>>
      %dma_start3A = arith.constant 0 : i32
      %dma_start3A_217 = tpu.memref_slice %arg8[%run_scoped3A_40, %dma_start3A] : memref<20x512xi32, #tpu.memory_space<vmem>> -> memref<1x512xi32, #tpu.memory_space<vmem>>
      %dma_start3A_218 = tpu.memref_squeeze %dma_start3A_217 : memref<1x512xi32, #tpu.memory_space<vmem>> -> memref<512xi32, #tpu.memory_space<vmem>>
      %dma_start3A_219 = tpu.memref_slice %arg4[%add3A_39] : memref<327680xi32, #tpu.memory_space<hbm>> -> memref<512xi32, #tpu.memory_space<hbm>>
      %dma_start3A_220 = arith.constant 0 : i32
      %dma_start3A_221 = tpu.memref_slice %arg8[%run_scoped3A_40, %dma_start3A_220] : memref<20x512xi32, #tpu.memory_space<vmem>> -> memref<1x512xi32, #tpu.memory_space<vmem>>
      %dma_start3A_222 = tpu.memref_squeeze %dma_start3A_221 : memref<1x512xi32, #tpu.memory_space<vmem>> -> memref<512xi32, #tpu.memory_space<vmem>>
      %dma_start3A_223 = tpu.memref_slice %arg4[%add3A_39] : memref<327680xi32, #tpu.memory_space<hbm>> -> memref<512xi32, #tpu.memory_space<hbm>>
      tpu.enqueue_dma source(%dma_start3A_223 : memref<512xi32, #tpu.memory_space<hbm>>) target(%dma_start3A_222 : memref<512xi32, #tpu.memory_space<vmem>>) target_semaphore(%run_scoped3A_216 : memref<!tpu.dma_semaphore, #tpu.memory_space<semaphore_mem>>)
      %dma_wait3A = arith.constant 0 : i32
      %dma_wait3A_224 = tpu.memref_slice %arg8[%run_scoped3A_40, %dma_wait3A] : memref<20x512xi32, #tpu.memory_space<vmem>> -> memref<1x512xi32, #tpu.memory_space<vmem>>
      %dma_wait3A_225 = tpu.memref_squeeze %dma_wait3A_224 : memref<1x512xi32, #tpu.memory_space<vmem>> -> memref<512xi32, #tpu.memory_space<vmem>>
      %dma_wait3A_226 = tpu.memref_slice %arg4[%add3A_39] : memref<327680xi32, #tpu.memory_space<hbm>> -> memref<512xi32, #tpu.memory_space<hbm>>
      %dma_wait3A_227 = arith.constant 0 : i32
      %dma_wait3A_228 = tpu.memref_slice %arg8[%run_scoped3A_40, %dma_wait3A_227] : memref<20x512xi32, #tpu.memory_space<vmem>> -> memref<1x512xi32, #tpu.memory_space<vmem>>
      %dma_wait3A_229 = tpu.memref_squeeze %dma_wait3A_228 : memref<1x512xi32, #tpu.memory_space<vmem>> -> memref<512xi32, #tpu.memory_space<vmem>>
      %dma_wait3A_230 = tpu.memref_slice %arg4[%add3A_39] : memref<327680xi32, #tpu.memory_space<hbm>> -> memref<512xi32, #tpu.memory_space<hbm>>
      tpu.wait_dma2 semaphore(%run_scoped3A_216 : memref<!tpu.dma_semaphore, #tpu.memory_space<semaphore_mem>>) src(%dma_wait3A_230 : memref<512xi32, #tpu.memory_space<hbm>>) dst(%dma_wait3A_229 : memref<512xi32, #tpu.memory_space<vmem>>)
      tpu.yield
    }) : () -> ()
    %add3A_41 = arith.constant 212992 : i32
    %add3A_42 = arith.addi %add3A_41, %mul3A_2 : i32
    %run_scoped3A_43 = arith.constant 13 : i32
    "tpu.region"() ({
      %run_scoped3A_216 = tpu.sem_alloc : memref<!tpu.dma_semaphore, #tpu.memory_space<semaphore_mem>>
      %dma_start3A = arith.constant 0 : i32
      %dma_start3A_217 = tpu.memref_slice %arg8[%run_scoped3A_43, %dma_start3A] : memref<20x512xi32, #tpu.memory_space<vmem>> -> memref<1x512xi32, #tpu.memory_space<vmem>>
      %dma_start3A_218 = tpu.memref_squeeze %dma_start3A_217 : memref<1x512xi32, #tpu.memory_space<vmem>> -> memref<512xi32, #tpu.memory_space<vmem>>
      %dma_start3A_219 = tpu.memref_slice %arg4[%add3A_42] : memref<327680xi32, #tpu.memory_space<hbm>> -> memref<512xi32, #tpu.memory_space<hbm>>
      %dma_start3A_220 = arith.constant 0 : i32
      %dma_start3A_221 = tpu.memref_slice %arg8[%run_scoped3A_43, %dma_start3A_220] : memref<20x512xi32, #tpu.memory_space<vmem>> -> memref<1x512xi32, #tpu.memory_space<vmem>>
      %dma_start3A_222 = tpu.memref_squeeze %dma_start3A_221 : memref<1x512xi32, #tpu.memory_space<vmem>> -> memref<512xi32, #tpu.memory_space<vmem>>
      %dma_start3A_223 = tpu.memref_slice %arg4[%add3A_42] : memref<327680xi32, #tpu.memory_space<hbm>> -> memref<512xi32, #tpu.memory_space<hbm>>
      tpu.enqueue_dma source(%dma_start3A_223 : memref<512xi32, #tpu.memory_space<hbm>>) target(%dma_start3A_222 : memref<512xi32, #tpu.memory_space<vmem>>) target_semaphore(%run_scoped3A_216 : memref<!tpu.dma_semaphore, #tpu.memory_space<semaphore_mem>>)
      %dma_wait3A = arith.constant 0 : i32
      %dma_wait3A_224 = tpu.memref_slice %arg8[%run_scoped3A_43, %dma_wait3A] : memref<20x512xi32, #tpu.memory_space<vmem>> -> memref<1x512xi32, #tpu.memory_space<vmem>>
      %dma_wait3A_225 = tpu.memref_squeeze %dma_wait3A_224 : memref<1x512xi32, #tpu.memory_space<vmem>> -> memref<512xi32, #tpu.memory_space<vmem>>
      %dma_wait3A_226 = tpu.memref_slice %arg4[%add3A_42] : memref<327680xi32, #tpu.memory_space<hbm>> -> memref<512xi32, #tpu.memory_space<hbm>>
      %dma_wait3A_227 = arith.constant 0 : i32
      %dma_wait3A_228 = tpu.memref_slice %arg8[%run_scoped3A_43, %dma_wait3A_227] : memref<20x512xi32, #tpu.memory_space<vmem>> -> memref<1x512xi32, #tpu.memory_space<vmem>>
      %dma_wait3A_229 = tpu.memref_squeeze %dma_wait3A_228 : memref<1x512xi32, #tpu.memory_space<vmem>> -> memref<512xi32, #tpu.memory_space<vmem>>
      %dma_wait3A_230 = tpu.memref_slice %arg4[%add3A_42] : memref<327680xi32, #tpu.memory_space<hbm>> -> memref<512xi32, #tpu.memory_space<hbm>>
      tpu.wait_dma2 semaphore(%run_scoped3A_216 : memref<!tpu.dma_semaphore, #tpu.memory_space<semaphore_mem>>) src(%dma_wait3A_230 : memref<512xi32, #tpu.memory_space<hbm>>) dst(%dma_wait3A_229 : memref<512xi32, #tpu.memory_space<vmem>>)
      tpu.yield
    }) : () -> ()
    %add3A_44 = arith.constant 229376 : i32
    %add3A_45 = arith.addi %add3A_44, %mul3A_2 : i32
    %run_scoped3A_46 = arith.constant 14 : i32
    "tpu.region"() ({
      %run_scoped3A_216 = tpu.sem_alloc : memref<!tpu.dma_semaphore, #tpu.memory_space<semaphore_mem>>
      %dma_start3A = arith.constant 0 : i32
      %dma_start3A_217 = tpu.memref_slice %arg8[%run_scoped3A_46, %dma_start3A] : memref<20x512xi32, #tpu.memory_space<vmem>> -> memref<1x512xi32, #tpu.memory_space<vmem>>
      %dma_start3A_218 = tpu.memref_squeeze %dma_start3A_217 : memref<1x512xi32, #tpu.memory_space<vmem>> -> memref<512xi32, #tpu.memory_space<vmem>>
      %dma_start3A_219 = tpu.memref_slice %arg4[%add3A_45] : memref<327680xi32, #tpu.memory_space<hbm>> -> memref<512xi32, #tpu.memory_space<hbm>>
      %dma_start3A_220 = arith.constant 0 : i32
      %dma_start3A_221 = tpu.memref_slice %arg8[%run_scoped3A_46, %dma_start3A_220] : memref<20x512xi32, #tpu.memory_space<vmem>> -> memref<1x512xi32, #tpu.memory_space<vmem>>
      %dma_start3A_222 = tpu.memref_squeeze %dma_start3A_221 : memref<1x512xi32, #tpu.memory_space<vmem>> -> memref<512xi32, #tpu.memory_space<vmem>>
      %dma_start3A_223 = tpu.memref_slice %arg4[%add3A_45] : memref<327680xi32, #tpu.memory_space<hbm>> -> memref<512xi32, #tpu.memory_space<hbm>>
      tpu.enqueue_dma source(%dma_start3A_223 : memref<512xi32, #tpu.memory_space<hbm>>) target(%dma_start3A_222 : memref<512xi32, #tpu.memory_space<vmem>>) target_semaphore(%run_scoped3A_216 : memref<!tpu.dma_semaphore, #tpu.memory_space<semaphore_mem>>)
      %dma_wait3A = arith.constant 0 : i32
      %dma_wait3A_224 = tpu.memref_slice %arg8[%run_scoped3A_46, %dma_wait3A] : memref<20x512xi32, #tpu.memory_space<vmem>> -> memref<1x512xi32, #tpu.memory_space<vmem>>
      %dma_wait3A_225 = tpu.memref_squeeze %dma_wait3A_224 : memref<1x512xi32, #tpu.memory_space<vmem>> -> memref<512xi32, #tpu.memory_space<vmem>>
      %dma_wait3A_226 = tpu.memref_slice %arg4[%add3A_45] : memref<327680xi32, #tpu.memory_space<hbm>> -> memref<512xi32, #tpu.memory_space<hbm>>
      %dma_wait3A_227 = arith.constant 0 : i32
      %dma_wait3A_228 = tpu.memref_slice %arg8[%run_scoped3A_46, %dma_wait3A_227] : memref<20x512xi32, #tpu.memory_space<vmem>> -> memref<1x512xi32, #tpu.memory_space<vmem>>
      %dma_wait3A_229 = tpu.memref_squeeze %dma_wait3A_228 : memref<1x512xi32, #tpu.memory_space<vmem>> -> memref<512xi32, #tpu.memory_space<vmem>>
      %dma_wait3A_230 = tpu.memref_slice %arg4[%add3A_45] : memref<327680xi32, #tpu.memory_space<hbm>> -> memref<512xi32, #tpu.memory_space<hbm>>
      tpu.wait_dma2 semaphore(%run_scoped3A_216 : memref<!tpu.dma_semaphore, #tpu.memory_space<semaphore_mem>>) src(%dma_wait3A_230 : memref<512xi32, #tpu.memory_space<hbm>>) dst(%dma_wait3A_229 : memref<512xi32, #tpu.memory_space<vmem>>)
      tpu.yield
    }) : () -> ()
    %add3A_47 = arith.constant 245760 : i32
    %add3A_48 = arith.addi %add3A_47, %mul3A_2 : i32
    %run_scoped3A_49 = arith.constant 15 : i32
    "tpu.region"() ({
      %run_scoped3A_216 = tpu.sem_alloc : memref<!tpu.dma_semaphore, #tpu.memory_space<semaphore_mem>>
      %dma_start3A = arith.constant 0 : i32
      %dma_start3A_217 = tpu.memref_slice %arg8[%run_scoped3A_49, %dma_start3A] : memref<20x512xi32, #tpu.memory_space<vmem>> -> memref<1x512xi32, #tpu.memory_space<vmem>>
      %dma_start3A_218 = tpu.memref_squeeze %dma_start3A_217 : memref<1x512xi32, #tpu.memory_space<vmem>> -> memref<512xi32, #tpu.memory_space<vmem>>
      %dma_start3A_219 = tpu.memref_slice %arg4[%add3A_48] : memref<327680xi32, #tpu.memory_space<hbm>> -> memref<512xi32, #tpu.memory_space<hbm>>
      %dma_start3A_220 = arith.constant 0 : i32
      %dma_start3A_221 = tpu.memref_slice %arg8[%run_scoped3A_49, %dma_start3A_220] : memref<20x512xi32, #tpu.memory_space<vmem>> -> memref<1x512xi32, #tpu.memory_space<vmem>>
      %dma_start3A_222 = tpu.memref_squeeze %dma_start3A_221 : memref<1x512xi32, #tpu.memory_space<vmem>> -> memref<512xi32, #tpu.memory_space<vmem>>
      %dma_start3A_223 = tpu.memref_slice %arg4[%add3A_48] : memref<327680xi32, #tpu.memory_space<hbm>> -> memref<512xi32, #tpu.memory_space<hbm>>
      tpu.enqueue_dma source(%dma_start3A_223 : memref<512xi32, #tpu.memory_space<hbm>>) target(%dma_start3A_222 : memref<512xi32, #tpu.memory_space<vmem>>) target_semaphore(%run_scoped3A_216 : memref<!tpu.dma_semaphore, #tpu.memory_space<semaphore_mem>>)
      %dma_wait3A = arith.constant 0 : i32
      %dma_wait3A_224 = tpu.memref_slice %arg8[%run_scoped3A_49, %dma_wait3A] : memref<20x512xi32, #tpu.memory_space<vmem>> -> memref<1x512xi32, #tpu.memory_space<vmem>>
      %dma_wait3A_225 = tpu.memref_squeeze %dma_wait3A_224 : memref<1x512xi32, #tpu.memory_space<vmem>> -> memref<512xi32, #tpu.memory_space<vmem>>
      %dma_wait3A_226 = tpu.memref_slice %arg4[%add3A_48] : memref<327680xi32, #tpu.memory_space<hbm>> -> memref<512xi32, #tpu.memory_space<hbm>>
      %dma_wait3A_227 = arith.constant 0 : i32
      %dma_wait3A_228 = tpu.memref_slice %arg8[%run_scoped3A_49, %dma_wait3A_227] : memref<20x512xi32, #tpu.memory_space<vmem>> -> memref<1x512xi32, #tpu.memory_space<vmem>>
      %dma_wait3A_229 = tpu.memref_squeeze %dma_wait3A_228 : memref<1x512xi32, #tpu.memory_space<vmem>> -> memref<512xi32, #tpu.memory_space<vmem>>
      %dma_wait3A_230 = tpu.memref_slice %arg4[%add3A_48] : memref<327680xi32, #tpu.memory_space<hbm>> -> memref<512xi32, #tpu.memory_space<hbm>>
      tpu.wait_dma2 semaphore(%run_scoped3A_216 : memref<!tpu.dma_semaphore, #tpu.memory_space<semaphore_mem>>) src(%dma_wait3A_230 : memref<512xi32, #tpu.memory_space<hbm>>) dst(%dma_wait3A_229 : memref<512xi32, #tpu.memory_space<vmem>>)
      tpu.yield
    }) : () -> ()
    %add3A_50 = arith.constant 262144 : i32
    %add3A_51 = arith.addi %add3A_50, %mul3A_2 : i32
    %run_scoped3A_52 = arith.constant 16 : i32
    "tpu.region"() ({
      %run_scoped3A_216 = tpu.sem_alloc : memref<!tpu.dma_semaphore, #tpu.memory_space<semaphore_mem>>
      %dma_start3A = arith.constant 0 : i32
      %dma_start3A_217 = tpu.memref_slice %arg8[%run_scoped3A_52, %dma_start3A] : memref<20x512xi32, #tpu.memory_space<vmem>> -> memref<1x512xi32, #tpu.memory_space<vmem>>
      %dma_start3A_218 = tpu.memref_squeeze %dma_start3A_217 : memref<1x512xi32, #tpu.memory_space<vmem>> -> memref<512xi32, #tpu.memory_space<vmem>>
      %dma_start3A_219 = tpu.memref_slice %arg4[%add3A_51] : memref<327680xi32, #tpu.memory_space<hbm>> -> memref<512xi32, #tpu.memory_space<hbm>>
      %dma_start3A_220 = arith.constant 0 : i32
      %dma_start3A_221 = tpu.memref_slice %arg8[%run_scoped3A_52, %dma_start3A_220] : memref<20x512xi32, #tpu.memory_space<vmem>> -> memref<1x512xi32, #tpu.memory_space<vmem>>
      %dma_start3A_222 = tpu.memref_squeeze %dma_start3A_221 : memref<1x512xi32, #tpu.memory_space<vmem>> -> memref<512xi32, #tpu.memory_space<vmem>>
      %dma_start3A_223 = tpu.memref_slice %arg4[%add3A_51] : memref<327680xi32, #tpu.memory_space<hbm>> -> memref<512xi32, #tpu.memory_space<hbm>>
      tpu.enqueue_dma source(%dma_start3A_223 : memref<512xi32, #tpu.memory_space<hbm>>) target(%dma_start3A_222 : memref<512xi32, #tpu.memory_space<vmem>>) target_semaphore(%run_scoped3A_216 : memref<!tpu.dma_semaphore, #tpu.memory_space<semaphore_mem>>)
      %dma_wait3A = arith.constant 0 : i32
      %dma_wait3A_224 = tpu.memref_slice %arg8[%run_scoped3A_52, %dma_wait3A] : memref<20x512xi32, #tpu.memory_space<vmem>> -> memref<1x512xi32, #tpu.memory_space<vmem>>
      %dma_wait3A_225 = tpu.memref_squeeze %dma_wait3A_224 : memref<1x512xi32, #tpu.memory_space<vmem>> -> memref<512xi32, #tpu.memory_space<vmem>>
      %dma_wait3A_226 = tpu.memref_slice %arg4[%add3A_51] : memref<327680xi32, #tpu.memory_space<hbm>> -> memref<512xi32, #tpu.memory_space<hbm>>
      %dma_wait3A_227 = arith.constant 0 : i32
      %dma_wait3A_228 = tpu.memref_slice %arg8[%run_scoped3A_52, %dma_wait3A_227] : memref<20x512xi32, #tpu.memory_space<vmem>> -> memref<1x512xi32, #tpu.memory_space<vmem>>
      %dma_wait3A_229 = tpu.memref_squeeze %dma_wait3A_228 : memref<1x512xi32, #tpu.memory_space<vmem>> -> memref<512xi32, #tpu.memory_space<vmem>>
      %dma_wait3A_230 = tpu.memref_slice %arg4[%add3A_51] : memref<327680xi32, #tpu.memory_space<hbm>> -> memref<512xi32, #tpu.memory_space<hbm>>
      tpu.wait_dma2 semaphore(%run_scoped3A_216 : memref<!tpu.dma_semaphore, #tpu.memory_space<semaphore_mem>>) src(%dma_wait3A_230 : memref<512xi32, #tpu.memory_space<hbm>>) dst(%dma_wait3A_229 : memref<512xi32, #tpu.memory_space<vmem>>)
      tpu.yield
    }) : () -> ()
    %add3A_53 = arith.constant 278528 : i32
    %add3A_54 = arith.addi %add3A_53, %mul3A_2 : i32
    %run_scoped3A_55 = arith.constant 17 : i32
    "tpu.region"() ({
      %run_scoped3A_216 = tpu.sem_alloc : memref<!tpu.dma_semaphore, #tpu.memory_space<semaphore_mem>>
      %dma_start3A = arith.constant 0 : i32
      %dma_start3A_217 = tpu.memref_slice %arg8[%run_scoped3A_55, %dma_start3A] : memref<20x512xi32, #tpu.memory_space<vmem>> -> memref<1x512xi32, #tpu.memory_space<vmem>>
      %dma_start3A_218 = tpu.memref_squeeze %dma_start3A_217 : memref<1x512xi32, #tpu.memory_space<vmem>> -> memref<512xi32, #tpu.memory_space<vmem>>
      %dma_start3A_219 = tpu.memref_slice %arg4[%add3A_54] : memref<327680xi32, #tpu.memory_space<hbm>> -> memref<512xi32, #tpu.memory_space<hbm>>
      %dma_start3A_220 = arith.constant 0 : i32
      %dma_start3A_221 = tpu.memref_slice %arg8[%run_scoped3A_55, %dma_start3A_220] : memref<20x512xi32, #tpu.memory_space<vmem>> -> memref<1x512xi32, #tpu.memory_space<vmem>>
      %dma_start3A_222 = tpu.memref_squeeze %dma_start3A_221 : memref<1x512xi32, #tpu.memory_space<vmem>> -> memref<512xi32, #tpu.memory_space<vmem>>
      %dma_start3A_223 = tpu.memref_slice %arg4[%add3A_54] : memref<327680xi32, #tpu.memory_space<hbm>> -> memref<512xi32, #tpu.memory_space<hbm>>
      tpu.enqueue_dma source(%dma_start3A_223 : memref<512xi32, #tpu.memory_space<hbm>>) target(%dma_start3A_222 : memref<512xi32, #tpu.memory_space<vmem>>) target_semaphore(%run_scoped3A_216 : memref<!tpu.dma_semaphore, #tpu.memory_space<semaphore_mem>>)
      %dma_wait3A = arith.constant 0 : i32
      %dma_wait3A_224 = tpu.memref_slice %arg8[%run_scoped3A_55, %dma_wait3A] : memref<20x512xi32, #tpu.memory_space<vmem>> -> memref<1x512xi32, #tpu.memory_space<vmem>>
      %dma_wait3A_225 = tpu.memref_squeeze %dma_wait3A_224 : memref<1x512xi32, #tpu.memory_space<vmem>> -> memref<512xi32, #tpu.memory_space<vmem>>
      %dma_wait3A_226 = tpu.memref_slice %arg4[%add3A_54] : memref<327680xi32, #tpu.memory_space<hbm>> -> memref<512xi32, #tpu.memory_space<hbm>>
      %dma_wait3A_227 = arith.constant 0 : i32
      %dma_wait3A_228 = tpu.memref_slice %arg8[%run_scoped3A_55, %dma_wait3A_227] : memref<20x512xi32, #tpu.memory_space<vmem>> -> memref<1x512xi32, #tpu.memory_space<vmem>>
      %dma_wait3A_229 = tpu.memref_squeeze %dma_wait3A_228 : memref<1x512xi32, #tpu.memory_space<vmem>> -> memref<512xi32, #tpu.memory_space<vmem>>
      %dma_wait3A_230 = tpu.memref_slice %arg4[%add3A_54] : memref<327680xi32, #tpu.memory_space<hbm>> -> memref<512xi32, #tpu.memory_space<hbm>>
      tpu.wait_dma2 semaphore(%run_scoped3A_216 : memref<!tpu.dma_semaphore, #tpu.memory_space<semaphore_mem>>) src(%dma_wait3A_230 : memref<512xi32, #tpu.memory_space<hbm>>) dst(%dma_wait3A_229 : memref<512xi32, #tpu.memory_space<vmem>>)
      tpu.yield
    }) : () -> ()
    %add3A_56 = arith.constant 294912 : i32
    %add3A_57 = arith.addi %add3A_56, %mul3A_2 : i32
    %run_scoped3A_58 = arith.constant 18 : i32
    "tpu.region"() ({
      %run_scoped3A_216 = tpu.sem_alloc : memref<!tpu.dma_semaphore, #tpu.memory_space<semaphore_mem>>
      %dma_start3A = arith.constant 0 : i32
      %dma_start3A_217 = tpu.memref_slice %arg8[%run_scoped3A_58, %dma_start3A] : memref<20x512xi32, #tpu.memory_space<vmem>> -> memref<1x512xi32, #tpu.memory_space<vmem>>
      %dma_start3A_218 = tpu.memref_squeeze %dma_start3A_217 : memref<1x512xi32, #tpu.memory_space<vmem>> -> memref<512xi32, #tpu.memory_space<vmem>>
      %dma_start3A_219 = tpu.memref_slice %arg4[%add3A_57] : memref<327680xi32, #tpu.memory_space<hbm>> -> memref<512xi32, #tpu.memory_space<hbm>>
      %dma_start3A_220 = arith.constant 0 : i32
      %dma_start3A_221 = tpu.memref_slice %arg8[%run_scoped3A_58, %dma_start3A_220] : memref<20x512xi32, #tpu.memory_space<vmem>> -> memref<1x512xi32, #tpu.memory_space<vmem>>
      %dma_start3A_222 = tpu.memref_squeeze %dma_start3A_221 : memref<1x512xi32, #tpu.memory_space<vmem>> -> memref<512xi32, #tpu.memory_space<vmem>>
      %dma_start3A_223 = tpu.memref_slice %arg4[%add3A_57] : memref<327680xi32, #tpu.memory_space<hbm>> -> memref<512xi32, #tpu.memory_space<hbm>>
      tpu.enqueue_dma source(%dma_start3A_223 : memref<512xi32, #tpu.memory_space<hbm>>) target(%dma_start3A_222 : memref<512xi32, #tpu.memory_space<vmem>>) target_semaphore(%run_scoped3A_216 : memref<!tpu.dma_semaphore, #tpu.memory_space<semaphore_mem>>)
      %dma_wait3A = arith.constant 0 : i32
      %dma_wait3A_224 = tpu.memref_slice %arg8[%run_scoped3A_58, %dma_wait3A] : memref<20x512xi32, #tpu.memory_space<vmem>> -> memref<1x512xi32, #tpu.memory_space<vmem>>
      %dma_wait3A_225 = tpu.memref_squeeze %dma_wait3A_224 : memref<1x512xi32, #tpu.memory_space<vmem>> -> memref<512xi32, #tpu.memory_space<vmem>>
      %dma_wait3A_226 = tpu.memref_slice %arg4[%add3A_57] : memref<327680xi32, #tpu.memory_space<hbm>> -> memref<512xi32, #tpu.memory_space<hbm>>
      %dma_wait3A_227 = arith.constant 0 : i32
      %dma_wait3A_228 = tpu.memref_slice %arg8[%run_scoped3A_58, %dma_wait3A_227] : memref<20x512xi32, #tpu.memory_space<vmem>> -> memref<1x512xi32, #tpu.memory_space<vmem>>
      %dma_wait3A_229 = tpu.memref_squeeze %dma_wait3A_228 : memref<1x512xi32, #tpu.memory_space<vmem>> -> memref<512xi32, #tpu.memory_space<vmem>>
      %dma_wait3A_230 = tpu.memref_slice %arg4[%add3A_57] : memref<327680xi32, #tpu.memory_space<hbm>> -> memref<512xi32, #tpu.memory_space<hbm>>
      tpu.wait_dma2 semaphore(%run_scoped3A_216 : memref<!tpu.dma_semaphore, #tpu.memory_space<semaphore_mem>>) src(%dma_wait3A_230 : memref<512xi32, #tpu.memory_space<hbm>>) dst(%dma_wait3A_229 : memref<512xi32, #tpu.memory_space<vmem>>)
      tpu.yield
    }) : () -> ()
    %add3A_59 = arith.constant 311296 : i32
    %add3A_60 = arith.addi %add3A_59, %mul3A_2 : i32
    %run_scoped3A_61 = arith.constant 19 : i32
    "tpu.region"() ({
      %run_scoped3A_216 = tpu.sem_alloc : memref<!tpu.dma_semaphore, #tpu.memory_space<semaphore_mem>>
      %dma_start3A = arith.constant 0 : i32
      %dma_start3A_217 = tpu.memref_slice %arg8[%run_scoped3A_61, %dma_start3A] : memref<20x512xi32, #tpu.memory_space<vmem>> -> memref<1x512xi32, #tpu.memory_space<vmem>>
      %dma_start3A_218 = tpu.memref_squeeze %dma_start3A_217 : memref<1x512xi32, #tpu.memory_space<vmem>> -> memref<512xi32, #tpu.memory_space<vmem>>
      %dma_start3A_219 = tpu.memref_slice %arg4[%add3A_60] : memref<327680xi32, #tpu.memory_space<hbm>> -> memref<512xi32, #tpu.memory_space<hbm>>
      %dma_start3A_220 = arith.constant 0 : i32
      %dma_start3A_221 = tpu.memref_slice %arg8[%run_scoped3A_61, %dma_start3A_220] : memref<20x512xi32, #tpu.memory_space<vmem>> -> memref<1x512xi32, #tpu.memory_space<vmem>>
      %dma_start3A_222 = tpu.memref_squeeze %dma_start3A_221 : memref<1x512xi32, #tpu.memory_space<vmem>> -> memref<512xi32, #tpu.memory_space<vmem>>
      %dma_start3A_223 = tpu.memref_slice %arg4[%add3A_60] : memref<327680xi32, #tpu.memory_space<hbm>> -> memref<512xi32, #tpu.memory_space<hbm>>
      tpu.enqueue_dma source(%dma_start3A_223 : memref<512xi32, #tpu.memory_space<hbm>>) target(%dma_start3A_222 : memref<512xi32, #tpu.memory_space<vmem>>) target_semaphore(%run_scoped3A_216 : memref<!tpu.dma_semaphore, #tpu.memory_space<semaphore_mem>>)
      %dma_wait3A = arith.constant 0 : i32
      %dma_wait3A_224 = tpu.memref_slice %arg8[%run_scoped3A_61, %dma_wait3A] : memref<20x512xi32, #tpu.memory_space<vmem>> -> memref<1x512xi32, #tpu.memory_space<vmem>>
      %dma_wait3A_225 = tpu.memref_squeeze %dma_wait3A_224 : memref<1x512xi32, #tpu.memory_space<vmem>> -> memref<512xi32, #tpu.memory_space<vmem>>
      %dma_wait3A_226 = tpu.memref_slice %arg4[%add3A_60] : memref<327680xi32, #tpu.memory_space<hbm>> -> memref<512xi32, #tpu.memory_space<hbm>>
      %dma_wait3A_227 = arith.constant 0 : i32
      %dma_wait3A_228 = tpu.memref_slice %arg8[%run_scoped3A_61, %dma_wait3A_227] : memref<20x512xi32, #tpu.memory_space<vmem>> -> memref<1x512xi32, #tpu.memory_space<vmem>>
      %dma_wait3A_229 = tpu.memref_squeeze %dma_wait3A_228 : memref<1x512xi32, #tpu.memory_space<vmem>> -> memref<512xi32, #tpu.memory_space<vmem>>
      %dma_wait3A_230 = tpu.memref_slice %arg4[%add3A_60] : memref<327680xi32, #tpu.memory_space<hbm>> -> memref<512xi32, #tpu.memory_space<hbm>>
      tpu.wait_dma2 semaphore(%run_scoped3A_216 : memref<!tpu.dma_semaphore, #tpu.memory_space<semaphore_mem>>) src(%dma_wait3A_230 : memref<512xi32, #tpu.memory_space<hbm>>) dst(%dma_wait3A_229 : memref<512xi32, #tpu.memory_space<vmem>>)
      tpu.yield
    }) : () -> ()
    %scan3A = arith.constant 0 : i32
    %scan3A_62 = arith.constant 0 : i32
    %scan3A_63 = arith.constant 32 : i32
    %scan3A_64 = arith.addi %scan3A_62, %scan3A_63 : i32
    %scan3A_65 = arith.constant 1 : i32
    %scan3A_66 = scf.for %scan3A_216 = %scan3A_62 to %scan3A_64 step %scan3A_65 iter_args(%scan3A_217 = %scan3A) -> (i32)  : i32 {
      %mul3A_218 = arith.constant 16 : i32
      %mul3A_219 = arith.muli %scan3A_216, %mul3A_218 : i32
      %get3A = arith.index_cast %mul3A_219 : i32 to index
      %get3A_220 = tpu.vector_load %arg7[%get3A] {strides = array<i32>} : memref<512xi32, #tpu.memory_space<vmem>>, vector<16xi32>,
      %ge3A = arith.constant 262144 : i32
      %ge3A_221 = vector.broadcast %ge3A : i32 to vector<16xi32>
      %ge3A_222 = arith.cmpi sge, %get3A_220, %ge3A_221 : vector<16xi32>
      %convert_element_type3A = arith.extui %ge3A_222 : vector<16xi1> to vector<16xi32>
      %ge3A_223 = arith.constant 524288 : i32
      %ge3A_224 = vector.broadcast %ge3A_223 : i32 to vector<16xi32>
      %ge3A_225 = arith.cmpi sge, %get3A_220, %ge3A_224 : vector<16xi32>
      %convert_element_type3A_226 = arith.extui %ge3A_225 : vector<16xi1> to vector<16xi32>
      %add3A_227 = arith.addi %convert_element_type3A, %convert_element_type3A_226 : vector<16xi32>
      %ge3A_228 = arith.constant 786432 : i32
      %ge3A_229 = vector.broadcast %ge3A_228 : i32 to vector<16xi32>
      %ge3A_230 = arith.cmpi sge, %get3A_220, %ge3A_229 : vector<16xi32>
      %convert_element_type3A_231 = arith.extui %ge3A_230 : vector<16xi1> to vector<16xi32>
      %add3A_232 = arith.addi %add3A_227, %convert_element_type3A_231 : vector<16xi32>
      %mul3A_233 = arith.constant 262144 : i32
      %mul3A_234 = vector.broadcast %mul3A_233 : i32 to vector<16xi32>
      %mul3A_235 = arith.muli %add3A_232, %mul3A_234 : vector<16xi32>
      %sub3A = arith.subi %get3A_220, %mul3A_235 : vector<16xi32>
      %mul3A_236 = arith.constant 4 : i32
      %mul3A_237 = vector.broadcast %mul3A_236 : i32 to vector<16xi32>
      %mul3A_238 = arith.muli %sub3A, %mul3A_237 : vector<16xi32>
      %add3A_239 = arith.addi %mul3A_238, %add3A_232 : vector<16xi32>
      %mul3A_240 = arith.constant 16 : i32
      %mul3A_241 = arith.muli %scan3A_216, %mul3A_240 : i32
      %swap3A = arith.index_cast %mul3A_241 : i32 to index
      %swap3A_242 = tpu.vector_load %arg7[%swap3A] {strides = array<i32>} : memref<512xi32, #tpu.memory_space<vmem>>, vector<16xi32>,
      tpu.vector_store %arg7[%swap3A], %add3A_239 {strides = array<i32>} : memref<512xi32, #tpu.memory_space<vmem>>, vector<16xi32>,
      %scan3A_243 = arith.constant 0 : i32
      scf.yield %scan3A_243 : i32
    }
    %scan3A_67 = arith.constant 32 : i32
    %scan3A_68 = arith.constant 0 : i32
    %scan3A_69 = arith.constant 0 : i32
    %scan3A_70 = arith.constant 32 : i32
    %scan3A_71 = arith.addi %scan3A_69, %scan3A_70 : i32
    %scan3A_72 = arith.constant 1 : i32
    %scan3A_73 = scf.for %scan3A_216 = %scan3A_69 to %scan3A_71 step %scan3A_72 iter_args(%scan3A_217 = %scan3A_68) -> (i32)  : i32 {
      %mul3A_218 = arith.constant 16 : i32
      %mul3A_219 = arith.muli %scan3A_216, %mul3A_218 : i32
      %get3A = arith.constant 0 : i32
      %get3A_220 = arith.index_cast %get3A : i32 to index
      %get3A_221 = arith.index_cast %mul3A_219 : i32 to index
      %get3A_222 = tpu.vector_load %arg8[%get3A_220, %get3A_221] {strides = array<i32>} : memref<20x512xi32, #tpu.memory_space<vmem>>, vector<16xi32>,
      %ge3A = arith.constant 262144 : i32
      %ge3A_223 = vector.broadcast %ge3A : i32 to vector<16xi32>
      %ge3A_224 = arith.cmpi sge, %get3A_222, %ge3A_223 : vector<16xi32>
      %convert_element_type3A = arith.extui %ge3A_224 : vector<16xi1> to vector<16xi32>
      %ge3A_225 = arith.constant 524288 : i32
      %ge3A_226 = vector.broadcast %ge3A_225 : i32 to vector<16xi32>
      %ge3A_227 = arith.cmpi sge, %get3A_222, %ge3A_226 : vector<16xi32>
      %convert_element_type3A_228 = arith.extui %ge3A_227 : vector<16xi1> to vector<16xi32>
      %add3A_229 = arith.addi %convert_element_type3A, %convert_element_type3A_228 : vector<16xi32>
      %ge3A_230 = arith.constant 786432 : i32
      %ge3A_231 = vector.broadcast %ge3A_230 : i32 to vector<16xi32>
      %ge3A_232 = arith.cmpi sge, %get3A_222, %ge3A_231 : vector<16xi32>
      %convert_element_type3A_233 = arith.extui %ge3A_232 : vector<16xi1> to vector<16xi32>
      %add3A_234 = arith.addi %add3A_229, %convert_element_type3A_233 : vector<16xi32>
      %mul3A_235 = arith.constant 262144 : i32
      %mul3A_236 = vector.broadcast %mul3A_235 : i32 to vector<16xi32>
      %mul3A_237 = arith.muli %add3A_234, %mul3A_236 : vector<16xi32>
      %sub3A = arith.subi %get3A_222, %mul3A_237 : vector<16xi32>
      %mul3A_238 = arith.constant 4 : i32
      %mul3A_239 = vector.broadcast %mul3A_238 : i32 to vector<16xi32>
      %mul3A_240 = arith.muli %sub3A, %mul3A_239 : vector<16xi32>
      %add3A_241 = arith.addi %mul3A_240, %add3A_234 : vector<16xi32>
      %mul3A_242 = arith.constant 16 : i32
      %mul3A_243 = arith.muli %scan3A_216, %mul3A_242 : i32
      %swap3A = arith.constant 0 : i32
      %swap3A_244 = arith.index_cast %swap3A : i32 to index
      %swap3A_245 = arith.index_cast %mul3A_243 : i32 to index
      %swap3A_246 = tpu.vector_load %arg8[%swap3A_244, %swap3A_245] {strides = array<i32>} : memref<20x512xi32, #tpu.memory_space<vmem>>, vector<16xi32>,
      tpu.vector_store %arg8[%swap3A_244, %swap3A_245], %add3A_241 {strides = array<i32>} : memref<20x512xi32, #tpu.memory_space<vmem>>, vector<16xi32>,
      %scan3A_247 = arith.constant 0 : i32
      scf.yield %scan3A_247 : i32
    }
    %scan3A_74 = arith.constant 32 : i32
    %scan3A_75 = arith.constant 0 : i32
    %scan3A_76 = arith.constant 0 : i32
    %scan3A_77 = arith.constant 32 : i32
    %scan3A_78 = arith.addi %scan3A_76, %scan3A_77 : i32
    %scan3A_79 = arith.constant 1 : i32
    %scan3A_80 = scf.for %scan3A_216 = %scan3A_76 to %scan3A_78 step %scan3A_79 iter_args(%scan3A_217 = %scan3A_75) -> (i32)  : i32 {
      %mul3A_218 = arith.constant 16 : i32
      %mul3A_219 = arith.muli %scan3A_216, %mul3A_218 : i32
      %get3A = arith.constant 1 : i32
      %get3A_220 = arith.index_cast %get3A : i32 to index
      %get3A_221 = arith.index_cast %mul3A_219 : i32 to index
      %get3A_222 = tpu.vector_load %arg8[%get3A_220, %get3A_221] {strides = array<i32>} : memref<20x512xi32, #tpu.memory_space<vmem>>, vector<16xi32>,
      %ge3A = arith.constant 262144 : i32
      %ge3A_223 = vector.broadcast %ge3A : i32 to vector<16xi32>
      %ge3A_224 = arith.cmpi sge, %get3A_222, %ge3A_223 : vector<16xi32>
      %convert_element_type3A = arith.extui %ge3A_224 : vector<16xi1> to vector<16xi32>
      %ge3A_225 = arith.constant 524288 : i32
      %ge3A_226 = vector.broadcast %ge3A_225 : i32 to vector<16xi32>
      %ge3A_227 = arith.cmpi sge, %get3A_222, %ge3A_226 : vector<16xi32>
      %convert_element_type3A_228 = arith.extui %ge3A_227 : vector<16xi1> to vector<16xi32>
      %add3A_229 = arith.addi %convert_element_type3A, %convert_element_type3A_228 : vector<16xi32>
      %ge3A_230 = arith.constant 786432 : i32
      %ge3A_231 = vector.broadcast %ge3A_230 : i32 to vector<16xi32>
      %ge3A_232 = arith.cmpi sge, %get3A_222, %ge3A_231 : vector<16xi32>
      %convert_element_type3A_233 = arith.extui %ge3A_232 : vector<16xi1> to vector<16xi32>
      %add3A_234 = arith.addi %add3A_229, %convert_element_type3A_233 : vector<16xi32>
      %mul3A_235 = arith.constant 262144 : i32
      %mul3A_236 = vector.broadcast %mul3A_235 : i32 to vector<16xi32>
      %mul3A_237 = arith.muli %add3A_234, %mul3A_236 : vector<16xi32>
      %sub3A = arith.subi %get3A_222, %mul3A_237 : vector<16xi32>
      %mul3A_238 = arith.constant 4 : i32
      %mul3A_239 = vector.broadcast %mul3A_238 : i32 to vector<16xi32>
      %mul3A_240 = arith.muli %sub3A, %mul3A_239 : vector<16xi32>
      %add3A_241 = arith.addi %mul3A_240, %add3A_234 : vector<16xi32>
      %mul3A_242 = arith.constant 16 : i32
      %mul3A_243 = arith.muli %scan3A_216, %mul3A_242 : i32
      %swap3A = arith.constant 1 : i32
      %swap3A_244 = arith.index_cast %swap3A : i32 to index
      %swap3A_245 = arith.index_cast %mul3A_243 : i32 to index
      %swap3A_246 = tpu.vector_load %arg8[%swap3A_244, %swap3A_245] {strides = array<i32>} : memref<20x512xi32, #tpu.memory_space<vmem>>, vector<16xi32>,
      tpu.vector_store %arg8[%swap3A_244, %swap3A_245], %add3A_241 {strides = array<i32>} : memref<20x512xi32, #tpu.memory_space<vmem>>, vector<16xi32>,
      %scan3A_247 = arith.constant 0 : i32
      scf.yield %scan3A_247 : i32
    }
    %scan3A_81 = arith.constant 32 : i32
    %scan3A_82 = arith.constant 0 : i32
    %scan3A_83 = arith.constant 0 : i32
    %scan3A_84 = arith.constant 32 : i32
    %scan3A_85 = arith.addi %scan3A_83, %scan3A_84 : i32
    %scan3A_86 = arith.constant 1 : i32
    %scan3A_87 = scf.for %scan3A_216 = %scan3A_83 to %scan3A_85 step %scan3A_86 iter_args(%scan3A_217 = %scan3A_82) -> (i32)  : i32 {
      %mul3A_218 = arith.constant 16 : i32
      %mul3A_219 = arith.muli %scan3A_216, %mul3A_218 : i32
      %get3A = arith.constant 2 : i32
      %get3A_220 = arith.index_cast %get3A : i32 to index
      %get3A_221 = arith.index_cast %mul3A_219 : i32 to index
      %get3A_222 = tpu.vector_load %arg8[%get3A_220, %get3A_221] {strides = array<i32>} : memref<20x512xi32, #tpu.memory_space<vmem>>, vector<16xi32>,
      %ge3A = arith.constant 262144 : i32
      %ge3A_223 = vector.broadcast %ge3A : i32 to vector<16xi32>
      %ge3A_224 = arith.cmpi sge, %get3A_222, %ge3A_223 : vector<16xi32>
      %convert_element_type3A = arith.extui %ge3A_224 : vector<16xi1> to vector<16xi32>
      %ge3A_225 = arith.constant 524288 : i32
      %ge3A_226 = vector.broadcast %ge3A_225 : i32 to vector<16xi32>
      %ge3A_227 = arith.cmpi sge, %get3A_222, %ge3A_226 : vector<16xi32>
      %convert_element_type3A_228 = arith.extui %ge3A_227 : vector<16xi1> to vector<16xi32>
      %add3A_229 = arith.addi %convert_element_type3A, %convert_element_type3A_228 : vector<16xi32>
      %ge3A_230 = arith.constant 786432 : i32
      %ge3A_231 = vector.broadcast %ge3A_230 : i32 to vector<16xi32>
      %ge3A_232 = arith.cmpi sge, %get3A_222, %ge3A_231 : vector<16xi32>
      %convert_element_type3A_233 = arith.extui %ge3A_232 : vector<16xi1> to vector<16xi32>
      %add3A_234 = arith.addi %add3A_229, %convert_element_type3A_233 : vector<16xi32>
      %mul3A_235 = arith.constant 262144 : i32
      %mul3A_236 = vector.broadcast %mul3A_235 : i32 to vector<16xi32>
      %mul3A_237 = arith.muli %add3A_234, %mul3A_236 : vector<16xi32>
      %sub3A = arith.subi %get3A_222, %mul3A_237 : vector<16xi32>
      %mul3A_238 = arith.constant 4 : i32
      %mul3A_239 = vector.broadcast %mul3A_238 : i32 to vector<16xi32>
      %mul3A_240 = arith.muli %sub3A, %mul3A_239 : vector<16xi32>
      %add3A_241 = arith.addi %mul3A_240, %add3A_234 : vector<16xi32>
      %mul3A_242 = arith.constant 16 : i32
      %mul3A_243 = arith.muli %scan3A_216, %mul3A_242 : i32
      %swap3A = arith.constant 2 : i32
      %swap3A_244 = arith.index_cast %swap3A : i32 to index
      %swap3A_245 = arith.index_cast %mul3A_243 : i32 to index
      %swap3A_246 = tpu.vector_load %arg8[%swap3A_244, %swap3A_245] {strides = array<i32>} : memref<20x512xi32, #tpu.memory_space<vmem>>, vector<16xi32>,
      tpu.vector_store %arg8[%swap3A_244, %swap3A_245], %add3A_241 {strides = array<i32>} : memref<20x512xi32, #tpu.memory_space<vmem>>, vector<16xi32>,
      %scan3A_247 = arith.constant 0 : i32
      scf.yield %scan3A_247 : i32
    }
    %scan3A_88 = arith.constant 32 : i32
    %scan3A_89 = arith.constant 0 : i32
    %scan3A_90 = arith.constant 0 : i32
    %scan3A_91 = arith.constant 32 : i32
    %scan3A_92 = arith.addi %scan3A_90, %scan3A_91 : i32
    %scan3A_93 = arith.constant 1 : i32
    %scan3A_94 = scf.for %scan3A_216 = %scan3A_90 to %scan3A_92 step %scan3A_93 iter_args(%scan3A_217 = %scan3A_89) -> (i32)  : i32 {
      %mul3A_218 = arith.constant 16 : i32
      %mul3A_219 = arith.muli %scan3A_216, %mul3A_218 : i32
      %get3A = arith.constant 3 : i32
      %get3A_220 = arith.index_cast %get3A : i32 to index
      %get3A_221 = arith.index_cast %mul3A_219 : i32 to index
      %get3A_222 = tpu.vector_load %arg8[%get3A_220, %get3A_221] {strides = array<i32>} : memref<20x512xi32, #tpu.memory_space<vmem>>, vector<16xi32>,
      %ge3A = arith.constant 262144 : i32
      %ge3A_223 = vector.broadcast %ge3A : i32 to vector<16xi32>
      %ge3A_224 = arith.cmpi sge, %get3A_222, %ge3A_223 : vector<16xi32>
      %convert_element_type3A = arith.extui %ge3A_224 : vector<16xi1> to vector<16xi32>
      %ge3A_225 = arith.constant 524288 : i32
      %ge3A_226 = vector.broadcast %ge3A_225 : i32 to vector<16xi32>
      %ge3A_227 = arith.cmpi sge, %get3A_222, %ge3A_226 : vector<16xi32>
      %convert_element_type3A_228 = arith.extui %ge3A_227 : vector<16xi1> to vector<16xi32>
      %add3A_229 = arith.addi %convert_element_type3A, %convert_element_type3A_228 : vector<16xi32>
      %ge3A_230 = arith.constant 786432 : i32
      %ge3A_231 = vector.broadcast %ge3A_230 : i32 to vector<16xi32>
      %ge3A_232 = arith.cmpi sge, %get3A_222, %ge3A_231 : vector<16xi32>
      %convert_element_type3A_233 = arith.extui %ge3A_232 : vector<16xi1> to vector<16xi32>
      %add3A_234 = arith.addi %add3A_229, %convert_element_type3A_233 : vector<16xi32>
      %mul3A_235 = arith.constant 262144 : i32
      %mul3A_236 = vector.broadcast %mul3A_235 : i32 to vector<16xi32>
      %mul3A_237 = arith.muli %add3A_234, %mul3A_236 : vector<16xi32>
      %sub3A = arith.subi %get3A_222, %mul3A_237 : vector<16xi32>
      %mul3A_238 = arith.constant 4 : i32
      %mul3A_239 = vector.broadcast %mul3A_238 : i32 to vector<16xi32>
      %mul3A_240 = arith.muli %sub3A, %mul3A_239 : vector<16xi32>
      %add3A_241 = arith.addi %mul3A_240, %add3A_234 : vector<16xi32>
      %mul3A_242 = arith.constant 16 : i32
      %mul3A_243 = arith.muli %scan3A_216, %mul3A_242 : i32
      %swap3A = arith.constant 3 : i32
      %swap3A_244 = arith.index_cast %swap3A : i32 to index
      %swap3A_245 = arith.index_cast %mul3A_243 : i32 to index
      %swap3A_246 = tpu.vector_load %arg8[%swap3A_244, %swap3A_245] {strides = array<i32>} : memref<20x512xi32, #tpu.memory_space<vmem>>, vector<16xi32>,
      tpu.vector_store %arg8[%swap3A_244, %swap3A_245], %add3A_241 {strides = array<i32>} : memref<20x512xi32, #tpu.memory_space<vmem>>, vector<16xi32>,
      %scan3A_247 = arith.constant 0 : i32
      scf.yield %scan3A_247 : i32
    }
    %scan3A_95 = arith.constant 32 : i32
    %scan3A_96 = arith.constant 0 : i32
    %scan3A_97 = arith.constant 0 : i32
    %scan3A_98 = arith.constant 32 : i32
    %scan3A_99 = arith.addi %scan3A_97, %scan3A_98 : i32
    %scan3A_100 = arith.constant 1 : i32
    %scan3A_101 = scf.for %scan3A_216 = %scan3A_97 to %scan3A_99 step %scan3A_100 iter_args(%scan3A_217 = %scan3A_96) -> (i32)  : i32 {
      %mul3A_218 = arith.constant 16 : i32
      %mul3A_219 = arith.muli %scan3A_216, %mul3A_218 : i32
      %get3A = arith.constant 4 : i32
      %get3A_220 = arith.index_cast %get3A : i32 to index
      %get3A_221 = arith.index_cast %mul3A_219 : i32 to index
      %get3A_222 = tpu.vector_load %arg8[%get3A_220, %get3A_221] {strides = array<i32>} : memref<20x512xi32, #tpu.memory_space<vmem>>, vector<16xi32>,
      %ge3A = arith.constant 262144 : i32
      %ge3A_223 = vector.broadcast %ge3A : i32 to vector<16xi32>
      %ge3A_224 = arith.cmpi sge, %get3A_222, %ge3A_223 : vector<16xi32>
      %convert_element_type3A = arith.extui %ge3A_224 : vector<16xi1> to vector<16xi32>
      %ge3A_225 = arith.constant 524288 : i32
      %ge3A_226 = vector.broadcast %ge3A_225 : i32 to vector<16xi32>
      %ge3A_227 = arith.cmpi sge, %get3A_222, %ge3A_226 : vector<16xi32>
      %convert_element_type3A_228 = arith.extui %ge3A_227 : vector<16xi1> to vector<16xi32>
      %add3A_229 = arith.addi %convert_element_type3A, %convert_element_type3A_228 : vector<16xi32>
      %ge3A_230 = arith.constant 786432 : i32
      %ge3A_231 = vector.broadcast %ge3A_230 : i32 to vector<16xi32>
      %ge3A_232 = arith.cmpi sge, %get3A_222, %ge3A_231 : vector<16xi32>
      %convert_element_type3A_233 = arith.extui %ge3A_232 : vector<16xi1> to vector<16xi32>
      %add3A_234 = arith.addi %add3A_229, %convert_element_type3A_233 : vector<16xi32>
      %mul3A_235 = arith.constant 262144 : i32
      %mul3A_236 = vector.broadcast %mul3A_235 : i32 to vector<16xi32>
      %mul3A_237 = arith.muli %add3A_234, %mul3A_236 : vector<16xi32>
      %sub3A = arith.subi %get3A_222, %mul3A_237 : vector<16xi32>
      %mul3A_238 = arith.constant 4 : i32
      %mul3A_239 = vector.broadcast %mul3A_238 : i32 to vector<16xi32>
      %mul3A_240 = arith.muli %sub3A, %mul3A_239 : vector<16xi32>
      %add3A_241 = arith.addi %mul3A_240, %add3A_234 : vector<16xi32>
      %mul3A_242 = arith.constant 16 : i32
      %mul3A_243 = arith.muli %scan3A_216, %mul3A_242 : i32
      %swap3A = arith.constant 4 : i32
      %swap3A_244 = arith.index_cast %swap3A : i32 to index
      %swap3A_245 = arith.index_cast %mul3A_243 : i32 to index
      %swap3A_246 = tpu.vector_load %arg8[%swap3A_244, %swap3A_245] {strides = array<i32>} : memref<20x512xi32, #tpu.memory_space<vmem>>, vector<16xi32>,
      tpu.vector_store %arg8[%swap3A_244, %swap3A_245], %add3A_241 {strides = array<i32>} : memref<20x512xi32, #tpu.memory_space<vmem>>, vector<16xi32>,
      %scan3A_247 = arith.constant 0 : i32
      scf.yield %scan3A_247 : i32
    }
    %scan3A_102 = arith.constant 32 : i32
    %scan3A_103 = arith.constant 0 : i32
    %scan3A_104 = arith.constant 0 : i32
    %scan3A_105 = arith.constant 32 : i32
    %scan3A_106 = arith.addi %scan3A_104, %scan3A_105 : i32
    %scan3A_107 = arith.constant 1 : i32
    %scan3A_108 = scf.for %scan3A_216 = %scan3A_104 to %scan3A_106 step %scan3A_107 iter_args(%scan3A_217 = %scan3A_103) -> (i32)  : i32 {
      %mul3A_218 = arith.constant 16 : i32
      %mul3A_219 = arith.muli %scan3A_216, %mul3A_218 : i32
      %get3A = arith.constant 5 : i32
      %get3A_220 = arith.index_cast %get3A : i32 to index
      %get3A_221 = arith.index_cast %mul3A_219 : i32 to index
      %get3A_222 = tpu.vector_load %arg8[%get3A_220, %get3A_221] {strides = array<i32>} : memref<20x512xi32, #tpu.memory_space<vmem>>, vector<16xi32>,
      %ge3A = arith.constant 262144 : i32
      %ge3A_223 = vector.broadcast %ge3A : i32 to vector<16xi32>
      %ge3A_224 = arith.cmpi sge, %get3A_222, %ge3A_223 : vector<16xi32>
      %convert_element_type3A = arith.extui %ge3A_224 : vector<16xi1> to vector<16xi32>
      %ge3A_225 = arith.constant 524288 : i32
      %ge3A_226 = vector.broadcast %ge3A_225 : i32 to vector<16xi32>
      %ge3A_227 = arith.cmpi sge, %get3A_222, %ge3A_226 : vector<16xi32>
      %convert_element_type3A_228 = arith.extui %ge3A_227 : vector<16xi1> to vector<16xi32>
      %add3A_229 = arith.addi %convert_element_type3A, %convert_element_type3A_228 : vector<16xi32>
      %ge3A_230 = arith.constant 786432 : i32
      %ge3A_231 = vector.broadcast %ge3A_230 : i32 to vector<16xi32>
      %ge3A_232 = arith.cmpi sge, %get3A_222, %ge3A_231 : vector<16xi32>
      %convert_element_type3A_233 = arith.extui %ge3A_232 : vector<16xi1> to vector<16xi32>
      %add3A_234 = arith.addi %add3A_229, %convert_element_type3A_233 : vector<16xi32>
      %mul3A_235 = arith.constant 262144 : i32
      %mul3A_236 = vector.broadcast %mul3A_235 : i32 to vector<16xi32>
      %mul3A_237 = arith.muli %add3A_234, %mul3A_236 : vector<16xi32>
      %sub3A = arith.subi %get3A_222, %mul3A_237 : vector<16xi32>
      %mul3A_238 = arith.constant 4 : i32
      %mul3A_239 = vector.broadcast %mul3A_238 : i32 to vector<16xi32>
      %mul3A_240 = arith.muli %sub3A, %mul3A_239 : vector<16xi32>
      %add3A_241 = arith.addi %mul3A_240, %add3A_234 : vector<16xi32>
      %mul3A_242 = arith.constant 16 : i32
      %mul3A_243 = arith.muli %scan3A_216, %mul3A_242 : i32
      %swap3A = arith.constant 5 : i32
      %swap3A_244 = arith.index_cast %swap3A : i32 to index
      %swap3A_245 = arith.index_cast %mul3A_243 : i32 to index
      %swap3A_246 = tpu.vector_load %arg8[%swap3A_244, %swap3A_245] {strides = array<i32>} : memref<20x512xi32, #tpu.memory_space<vmem>>, vector<16xi32>,
      tpu.vector_store %arg8[%swap3A_244, %swap3A_245], %add3A_241 {strides = array<i32>} : memref<20x512xi32, #tpu.memory_space<vmem>>, vector<16xi32>,
      %scan3A_247 = arith.constant 0 : i32
      scf.yield %scan3A_247 : i32
    }
    %scan3A_109 = arith.constant 32 : i32
    %scan3A_110 = arith.constant 0 : i32
    %scan3A_111 = arith.constant 0 : i32
    %scan3A_112 = arith.constant 32 : i32
    %scan3A_113 = arith.addi %scan3A_111, %scan3A_112 : i32
    %scan3A_114 = arith.constant 1 : i32
    %scan3A_115 = scf.for %scan3A_216 = %scan3A_111 to %scan3A_113 step %scan3A_114 iter_args(%scan3A_217 = %scan3A_110) -> (i32)  : i32 {
      %mul3A_218 = arith.constant 16 : i32
      %mul3A_219 = arith.muli %scan3A_216, %mul3A_218 : i32
      %get3A = arith.constant 6 : i32
      %get3A_220 = arith.index_cast %get3A : i32 to index
      %get3A_221 = arith.index_cast %mul3A_219 : i32 to index
      %get3A_222 = tpu.vector_load %arg8[%get3A_220, %get3A_221] {strides = array<i32>} : memref<20x512xi32, #tpu.memory_space<vmem>>, vector<16xi32>,
      %ge3A = arith.constant 262144 : i32
      %ge3A_223 = vector.broadcast %ge3A : i32 to vector<16xi32>
      %ge3A_224 = arith.cmpi sge, %get3A_222, %ge3A_223 : vector<16xi32>
      %convert_element_type3A = arith.extui %ge3A_224 : vector<16xi1> to vector<16xi32>
      %ge3A_225 = arith.constant 524288 : i32
      %ge3A_226 = vector.broadcast %ge3A_225 : i32 to vector<16xi32>
      %ge3A_227 = arith.cmpi sge, %get3A_222, %ge3A_226 : vector<16xi32>
      %convert_element_type3A_228 = arith.extui %ge3A_227 : vector<16xi1> to vector<16xi32>
      %add3A_229 = arith.addi %convert_element_type3A, %convert_element_type3A_228 : vector<16xi32>
      %ge3A_230 = arith.constant 786432 : i32
      %ge3A_231 = vector.broadcast %ge3A_230 : i32 to vector<16xi32>
      %ge3A_232 = arith.cmpi sge, %get3A_222, %ge3A_231 : vector<16xi32>
      %convert_element_type3A_233 = arith.extui %ge3A_232 : vector<16xi1> to vector<16xi32>
      %add3A_234 = arith.addi %add3A_229, %convert_element_type3A_233 : vector<16xi32>
      %mul3A_235 = arith.constant 262144 : i32
      %mul3A_236 = vector.broadcast %mul3A_235 : i32 to vector<16xi32>
      %mul3A_237 = arith.muli %add3A_234, %mul3A_236 : vector<16xi32>
      %sub3A = arith.subi %get3A_222, %mul3A_237 : vector<16xi32>
      %mul3A_238 = arith.constant 4 : i32
      %mul3A_239 = vector.broadcast %mul3A_238 : i32 to vector<16xi32>
      %mul3A_240 = arith.muli %sub3A, %mul3A_239 : vector<16xi32>
      %add3A_241 = arith.addi %mul3A_240, %add3A_234 : vector<16xi32>
      %mul3A_242 = arith.constant 16 : i32
      %mul3A_243 = arith.muli %scan3A_216, %mul3A_242 : i32
      %swap3A = arith.constant 6 : i32
      %swap3A_244 = arith.index_cast %swap3A : i32 to index
      %swap3A_245 = arith.index_cast %mul3A_243 : i32 to index
      %swap3A_246 = tpu.vector_load %arg8[%swap3A_244, %swap3A_245] {strides = array<i32>} : memref<20x512xi32, #tpu.memory_space<vmem>>, vector<16xi32>,
      tpu.vector_store %arg8[%swap3A_244, %swap3A_245], %add3A_241 {strides = array<i32>} : memref<20x512xi32, #tpu.memory_space<vmem>>, vector<16xi32>,
      %scan3A_247 = arith.constant 0 : i32
      scf.yield %scan3A_247 : i32
    }
    %scan3A_116 = arith.constant 32 : i32
    %scan3A_117 = arith.constant 0 : i32
    %scan3A_118 = arith.constant 0 : i32
    %scan3A_119 = arith.constant 32 : i32
    %scan3A_120 = arith.addi %scan3A_118, %scan3A_119 : i32
    %scan3A_121 = arith.constant 1 : i32
    %scan3A_122 = scf.for %scan3A_216 = %scan3A_118 to %scan3A_120 step %scan3A_121 iter_args(%scan3A_217 = %scan3A_117) -> (i32)  : i32 {
      %mul3A_218 = arith.constant 16 : i32
      %mul3A_219 = arith.muli %scan3A_216, %mul3A_218 : i32
      %get3A = arith.constant 7 : i32
      %get3A_220 = arith.index_cast %get3A : i32 to index
      %get3A_221 = arith.index_cast %mul3A_219 : i32 to index
      %get3A_222 = tpu.vector_load %arg8[%get3A_220, %get3A_221] {strides = array<i32>} : memref<20x512xi32, #tpu.memory_space<vmem>>, vector<16xi32>,
      %ge3A = arith.constant 262144 : i32
      %ge3A_223 = vector.broadcast %ge3A : i32 to vector<16xi32>
      %ge3A_224 = arith.cmpi sge, %get3A_222, %ge3A_223 : vector<16xi32>
      %convert_element_type3A = arith.extui %ge3A_224 : vector<16xi1> to vector<16xi32>
      %ge3A_225 = arith.constant 524288 : i32
      %ge3A_226 = vector.broadcast %ge3A_225 : i32 to vector<16xi32>
      %ge3A_227 = arith.cmpi sge, %get3A_222, %ge3A_226 : vector<16xi32>
      %convert_element_type3A_228 = arith.extui %ge3A_227 : vector<16xi1> to vector<16xi32>
      %add3A_229 = arith.addi %convert_element_type3A, %convert_element_type3A_228 : vector<16xi32>
      %ge3A_230 = arith.constant 786432 : i32
      %ge3A_231 = vector.broadcast %ge3A_230 : i32 to vector<16xi32>
      %ge3A_232 = arith.cmpi sge, %get3A_222, %ge3A_231 : vector<16xi32>
      %convert_element_type3A_233 = arith.extui %ge3A_232 : vector<16xi1> to vector<16xi32>
      %add3A_234 = arith.addi %add3A_229, %convert_element_type3A_233 : vector<16xi32>
      %mul3A_235 = arith.constant 262144 : i32
      %mul3A_236 = vector.broadcast %mul3A_235 : i32 to vector<16xi32>
      %mul3A_237 = arith.muli %add3A_234, %mul3A_236 : vector<16xi32>
      %sub3A = arith.subi %get3A_222, %mul3A_237 : vector<16xi32>
      %mul3A_238 = arith.constant 4 : i32
      %mul3A_239 = vector.broadcast %mul3A_238 : i32 to vector<16xi32>
      %mul3A_240 = arith.muli %sub3A, %mul3A_239 : vector<16xi32>
      %add3A_241 = arith.addi %mul3A_240, %add3A_234 : vector<16xi32>
      %mul3A_242 = arith.constant 16 : i32
      %mul3A_243 = arith.muli %scan3A_216, %mul3A_242 : i32
      %swap3A = arith.constant 7 : i32
      %swap3A_244 = arith.index_cast %swap3A : i32 to index
      %swap3A_245 = arith.index_cast %mul3A_243 : i32 to index
      %swap3A_246 = tpu.vector_load %arg8[%swap3A_244, %swap3A_245] {strides = array<i32>} : memref<20x512xi32, #tpu.memory_space<vmem>>, vector<16xi32>,
      tpu.vector_store %arg8[%swap3A_244, %swap3A_245], %add3A_241 {strides = array<i32>} : memref<20x512xi32, #tpu.memory_space<vmem>>, vector<16xi32>,
      %scan3A_247 = arith.constant 0 : i32
      scf.yield %scan3A_247 : i32
    }
    %scan3A_123 = arith.constant 32 : i32
    %scan3A_124 = arith.constant 0 : i32
    %scan3A_125 = arith.constant 0 : i32
    %scan3A_126 = arith.constant 32 : i32
    %scan3A_127 = arith.addi %scan3A_125, %scan3A_126 : i32
    %scan3A_128 = arith.constant 1 : i32
    %scan3A_129 = scf.for %scan3A_216 = %scan3A_125 to %scan3A_127 step %scan3A_128 iter_args(%scan3A_217 = %scan3A_124) -> (i32)  : i32 {
      %mul3A_218 = arith.constant 16 : i32
      %mul3A_219 = arith.muli %scan3A_216, %mul3A_218 : i32
      %get3A = arith.constant 8 : i32
      %get3A_220 = arith.index_cast %get3A : i32 to index
      %get3A_221 = arith.index_cast %mul3A_219 : i32 to index
      %get3A_222 = tpu.vector_load %arg8[%get3A_220, %get3A_221] {strides = array<i32>} : memref<20x512xi32, #tpu.memory_space<vmem>>, vector<16xi32>,
      %ge3A = arith.constant 262144 : i32
      %ge3A_223 = vector.broadcast %ge3A : i32 to vector<16xi32>
      %ge3A_224 = arith.cmpi sge, %get3A_222, %ge3A_223 : vector<16xi32>
      %convert_element_type3A = arith.extui %ge3A_224 : vector<16xi1> to vector<16xi32>
      %ge3A_225 = arith.constant 524288 : i32
      %ge3A_226 = vector.broadcast %ge3A_225 : i32 to vector<16xi32>
      %ge3A_227 = arith.cmpi sge, %get3A_222, %ge3A_226 : vector<16xi32>
      %convert_element_type3A_228 = arith.extui %ge3A_227 : vector<16xi1> to vector<16xi32>
      %add3A_229 = arith.addi %convert_element_type3A, %convert_element_type3A_228 : vector<16xi32>
      %ge3A_230 = arith.constant 786432 : i32
      %ge3A_231 = vector.broadcast %ge3A_230 : i32 to vector<16xi32>
      %ge3A_232 = arith.cmpi sge, %get3A_222, %ge3A_231 : vector<16xi32>
      %convert_element_type3A_233 = arith.extui %ge3A_232 : vector<16xi1> to vector<16xi32>
      %add3A_234 = arith.addi %add3A_229, %convert_element_type3A_233 : vector<16xi32>
      %mul3A_235 = arith.constant 262144 : i32
      %mul3A_236 = vector.broadcast %mul3A_235 : i32 to vector<16xi32>
      %mul3A_237 = arith.muli %add3A_234, %mul3A_236 : vector<16xi32>
      %sub3A = arith.subi %get3A_222, %mul3A_237 : vector<16xi32>
      %mul3A_238 = arith.constant 4 : i32
      %mul3A_239 = vector.broadcast %mul3A_238 : i32 to vector<16xi32>
      %mul3A_240 = arith.muli %sub3A, %mul3A_239 : vector<16xi32>
      %add3A_241 = arith.addi %mul3A_240, %add3A_234 : vector<16xi32>
      %mul3A_242 = arith.constant 16 : i32
      %mul3A_243 = arith.muli %scan3A_216, %mul3A_242 : i32
      %swap3A = arith.constant 8 : i32
      %swap3A_244 = arith.index_cast %swap3A : i32 to index
      %swap3A_245 = arith.index_cast %mul3A_243 : i32 to index
      %swap3A_246 = tpu.vector_load %arg8[%swap3A_244, %swap3A_245] {strides = array<i32>} : memref<20x512xi32, #tpu.memory_space<vmem>>, vector<16xi32>,
      tpu.vector_store %arg8[%swap3A_244, %swap3A_245], %add3A_241 {strides = array<i32>} : memref<20x512xi32, #tpu.memory_space<vmem>>, vector<16xi32>,
      %scan3A_247 = arith.constant 0 : i32
      scf.yield %scan3A_247 : i32
    }
    %scan3A_130 = arith.constant 32 : i32
    %scan3A_131 = arith.constant 0 : i32
    %scan3A_132 = arith.constant 0 : i32
    %scan3A_133 = arith.constant 32 : i32
    %scan3A_134 = arith.addi %scan3A_132, %scan3A_133 : i32
    %scan3A_135 = arith.constant 1 : i32
    %scan3A_136 = scf.for %scan3A_216 = %scan3A_132 to %scan3A_134 step %scan3A_135 iter_args(%scan3A_217 = %scan3A_131) -> (i32)  : i32 {
      %mul3A_218 = arith.constant 16 : i32
      %mul3A_219 = arith.muli %scan3A_216, %mul3A_218 : i32
      %get3A = arith.constant 9 : i32
      %get3A_220 = arith.index_cast %get3A : i32 to index
      %get3A_221 = arith.index_cast %mul3A_219 : i32 to index
      %get3A_222 = tpu.vector_load %arg8[%get3A_220, %get3A_221] {strides = array<i32>} : memref<20x512xi32, #tpu.memory_space<vmem>>, vector<16xi32>,
      %ge3A = arith.constant 262144 : i32
      %ge3A_223 = vector.broadcast %ge3A : i32 to vector<16xi32>
      %ge3A_224 = arith.cmpi sge, %get3A_222, %ge3A_223 : vector<16xi32>
      %convert_element_type3A = arith.extui %ge3A_224 : vector<16xi1> to vector<16xi32>
      %ge3A_225 = arith.constant 524288 : i32
      %ge3A_226 = vector.broadcast %ge3A_225 : i32 to vector<16xi32>
      %ge3A_227 = arith.cmpi sge, %get3A_222, %ge3A_226 : vector<16xi32>
      %convert_element_type3A_228 = arith.extui %ge3A_227 : vector<16xi1> to vector<16xi32>
      %add3A_229 = arith.addi %convert_element_type3A, %convert_element_type3A_228 : vector<16xi32>
      %ge3A_230 = arith.constant 786432 : i32
      %ge3A_231 = vector.broadcast %ge3A_230 : i32 to vector<16xi32>
      %ge3A_232 = arith.cmpi sge, %get3A_222, %ge3A_231 : vector<16xi32>
      %convert_element_type3A_233 = arith.extui %ge3A_232 : vector<16xi1> to vector<16xi32>
      %add3A_234 = arith.addi %add3A_229, %convert_element_type3A_233 : vector<16xi32>
      %mul3A_235 = arith.constant 262144 : i32
      %mul3A_236 = vector.broadcast %mul3A_235 : i32 to vector<16xi32>
      %mul3A_237 = arith.muli %add3A_234, %mul3A_236 : vector<16xi32>
      %sub3A = arith.subi %get3A_222, %mul3A_237 : vector<16xi32>
      %mul3A_238 = arith.constant 4 : i32
      %mul3A_239 = vector.broadcast %mul3A_238 : i32 to vector<16xi32>
      %mul3A_240 = arith.muli %sub3A, %mul3A_239 : vector<16xi32>
      %add3A_241 = arith.addi %mul3A_240, %add3A_234 : vector<16xi32>
      %mul3A_242 = arith.constant 16 : i32
      %mul3A_243 = arith.muli %scan3A_216, %mul3A_242 : i32
      %swap3A = arith.constant 9 : i32
      %swap3A_244 = arith.index_cast %swap3A : i32 to index
      %swap3A_245 = arith.index_cast %mul3A_243 : i32 to index
      %swap3A_246 = tpu.vector_load %arg8[%swap3A_244, %swap3A_245] {strides = array<i32>} : memref<20x512xi32, #tpu.memory_space<vmem>>, vector<16xi32>,
      tpu.vector_store %arg8[%swap3A_244, %swap3A_245], %add3A_241 {strides = array<i32>} : memref<20x512xi32, #tpu.memory_space<vmem>>, vector<16xi32>,
      %scan3A_247 = arith.constant 0 : i32
      scf.yield %scan3A_247 : i32
    }
    %scan3A_137 = arith.constant 32 : i32
    %scan3A_138 = arith.constant 0 : i32
    %scan3A_139 = arith.constant 0 : i32
    %scan3A_140 = arith.constant 32 : i32
    %scan3A_141 = arith.addi %scan3A_139, %scan3A_140 : i32
    %scan3A_142 = arith.constant 1 : i32
    %scan3A_143 = scf.for %scan3A_216 = %scan3A_139 to %scan3A_141 step %scan3A_142 iter_args(%scan3A_217 = %scan3A_138) -> (i32)  : i32 {
      %mul3A_218 = arith.constant 16 : i32
      %mul3A_219 = arith.muli %scan3A_216, %mul3A_218 : i32
      %get3A = arith.constant 10 : i32
      %get3A_220 = arith.index_cast %get3A : i32 to index
      %get3A_221 = arith.index_cast %mul3A_219 : i32 to index
      %get3A_222 = tpu.vector_load %arg8[%get3A_220, %get3A_221] {strides = array<i32>} : memref<20x512xi32, #tpu.memory_space<vmem>>, vector<16xi32>,
      %ge3A = arith.constant 262144 : i32
      %ge3A_223 = vector.broadcast %ge3A : i32 to vector<16xi32>
      %ge3A_224 = arith.cmpi sge, %get3A_222, %ge3A_223 : vector<16xi32>
      %convert_element_type3A = arith.extui %ge3A_224 : vector<16xi1> to vector<16xi32>
      %ge3A_225 = arith.constant 524288 : i32
      %ge3A_226 = vector.broadcast %ge3A_225 : i32 to vector<16xi32>
      %ge3A_227 = arith.cmpi sge, %get3A_222, %ge3A_226 : vector<16xi32>
      %convert_element_type3A_228 = arith.extui %ge3A_227 : vector<16xi1> to vector<16xi32>
      %add3A_229 = arith.addi %convert_element_type3A, %convert_element_type3A_228 : vector<16xi32>
      %ge3A_230 = arith.constant 786432 : i32
      %ge3A_231 = vector.broadcast %ge3A_230 : i32 to vector<16xi32>
      %ge3A_232 = arith.cmpi sge, %get3A_222, %ge3A_231 : vector<16xi32>
      %convert_element_type3A_233 = arith.extui %ge3A_232 : vector<16xi1> to vector<16xi32>
      %add3A_234 = arith.addi %add3A_229, %convert_element_type3A_233 : vector<16xi32>
      %mul3A_235 = arith.constant 262144 : i32
      %mul3A_236 = vector.broadcast %mul3A_235 : i32 to vector<16xi32>
      %mul3A_237 = arith.muli %add3A_234, %mul3A_236 : vector<16xi32>
      %sub3A = arith.subi %get3A_222, %mul3A_237 : vector<16xi32>
      %mul3A_238 = arith.constant 4 : i32
      %mul3A_239 = vector.broadcast %mul3A_238 : i32 to vector<16xi32>
      %mul3A_240 = arith.muli %sub3A, %mul3A_239 : vector<16xi32>
      %add3A_241 = arith.addi %mul3A_240, %add3A_234 : vector<16xi32>
      %mul3A_242 = arith.constant 16 : i32
      %mul3A_243 = arith.muli %scan3A_216, %mul3A_242 : i32
      %swap3A = arith.constant 10 : i32
      %swap3A_244 = arith.index_cast %swap3A : i32 to index
      %swap3A_245 = arith.index_cast %mul3A_243 : i32 to index
      %swap3A_246 = tpu.vector_load %arg8[%swap3A_244, %swap3A_245] {strides = array<i32>} : memref<20x512xi32, #tpu.memory_space<vmem>>, vector<16xi32>,
      tpu.vector_store %arg8[%swap3A_244, %swap3A_245], %add3A_241 {strides = array<i32>} : memref<20x512xi32, #tpu.memory_space<vmem>>, vector<16xi32>,
      %scan3A_247 = arith.constant 0 : i32
      scf.yield %scan3A_247 : i32
    }
    %scan3A_144 = arith.constant 32 : i32
    %scan3A_145 = arith.constant 0 : i32
    %scan3A_146 = arith.constant 0 : i32
    %scan3A_147 = arith.constant 32 : i32
    %scan3A_148 = arith.addi %scan3A_146, %scan3A_147 : i32
    %scan3A_149 = arith.constant 1 : i32
    %scan3A_150 = scf.for %scan3A_216 = %scan3A_146 to %scan3A_148 step %scan3A_149 iter_args(%scan3A_217 = %scan3A_145) -> (i32)  : i32 {
      %mul3A_218 = arith.constant 16 : i32
      %mul3A_219 = arith.muli %scan3A_216, %mul3A_218 : i32
      %get3A = arith.constant 11 : i32
      %get3A_220 = arith.index_cast %get3A : i32 to index
      %get3A_221 = arith.index_cast %mul3A_219 : i32 to index
      %get3A_222 = tpu.vector_load %arg8[%get3A_220, %get3A_221] {strides = array<i32>} : memref<20x512xi32, #tpu.memory_space<vmem>>, vector<16xi32>,
      %ge3A = arith.constant 262144 : i32
      %ge3A_223 = vector.broadcast %ge3A : i32 to vector<16xi32>
      %ge3A_224 = arith.cmpi sge, %get3A_222, %ge3A_223 : vector<16xi32>
      %convert_element_type3A = arith.extui %ge3A_224 : vector<16xi1> to vector<16xi32>
      %ge3A_225 = arith.constant 524288 : i32
      %ge3A_226 = vector.broadcast %ge3A_225 : i32 to vector<16xi32>
      %ge3A_227 = arith.cmpi sge, %get3A_222, %ge3A_226 : vector<16xi32>
      %convert_element_type3A_228 = arith.extui %ge3A_227 : vector<16xi1> to vector<16xi32>
      %add3A_229 = arith.addi %convert_element_type3A, %convert_element_type3A_228 : vector<16xi32>
      %ge3A_230 = arith.constant 786432 : i32
      %ge3A_231 = vector.broadcast %ge3A_230 : i32 to vector<16xi32>
      %ge3A_232 = arith.cmpi sge, %get3A_222, %ge3A_231 : vector<16xi32>
      %convert_element_type3A_233 = arith.extui %ge3A_232 : vector<16xi1> to vector<16xi32>
      %add3A_234 = arith.addi %add3A_229, %convert_element_type3A_233 : vector<16xi32>
      %mul3A_235 = arith.constant 262144 : i32
      %mul3A_236 = vector.broadcast %mul3A_235 : i32 to vector<16xi32>
      %mul3A_237 = arith.muli %add3A_234, %mul3A_236 : vector<16xi32>
      %sub3A = arith.subi %get3A_222, %mul3A_237 : vector<16xi32>
      %mul3A_238 = arith.constant 4 : i32
      %mul3A_239 = vector.broadcast %mul3A_238 : i32 to vector<16xi32>
      %mul3A_240 = arith.muli %sub3A, %mul3A_239 : vector<16xi32>
      %add3A_241 = arith.addi %mul3A_240, %add3A_234 : vector<16xi32>
      %mul3A_242 = arith.constant 16 : i32
      %mul3A_243 = arith.muli %scan3A_216, %mul3A_242 : i32
      %swap3A = arith.constant 11 : i32
      %swap3A_244 = arith.index_cast %swap3A : i32 to index
      %swap3A_245 = arith.index_cast %mul3A_243 : i32 to index
      %swap3A_246 = tpu.vector_load %arg8[%swap3A_244, %swap3A_245] {strides = array<i32>} : memref<20x512xi32, #tpu.memory_space<vmem>>, vector<16xi32>,
      tpu.vector_store %arg8[%swap3A_244, %swap3A_245], %add3A_241 {strides = array<i32>} : memref<20x512xi32, #tpu.memory_space<vmem>>, vector<16xi32>,
      %scan3A_247 = arith.constant 0 : i32
      scf.yield %scan3A_247 : i32
    }
    %scan3A_151 = arith.constant 32 : i32
    %scan3A_152 = arith.constant 0 : i32
    %scan3A_153 = arith.constant 0 : i32
    %scan3A_154 = arith.constant 32 : i32
    %scan3A_155 = arith.addi %scan3A_153, %scan3A_154 : i32
    %scan3A_156 = arith.constant 1 : i32
    %scan3A_157 = scf.for %scan3A_216 = %scan3A_153 to %scan3A_155 step %scan3A_156 iter_args(%scan3A_217 = %scan3A_152) -> (i32)  : i32 {
      %mul3A_218 = arith.constant 16 : i32
      %mul3A_219 = arith.muli %scan3A_216, %mul3A_218 : i32
      %get3A = arith.constant 12 : i32
      %get3A_220 = arith.index_cast %get3A : i32 to index
      %get3A_221 = arith.index_cast %mul3A_219 : i32 to index
      %get3A_222 = tpu.vector_load %arg8[%get3A_220, %get3A_221] {strides = array<i32>} : memref<20x512xi32, #tpu.memory_space<vmem>>, vector<16xi32>,
      %ge3A = arith.constant 262144 : i32
      %ge3A_223 = vector.broadcast %ge3A : i32 to vector<16xi32>
      %ge3A_224 = arith.cmpi sge, %get3A_222, %ge3A_223 : vector<16xi32>
      %convert_element_type3A = arith.extui %ge3A_224 : vector<16xi1> to vector<16xi32>
      %ge3A_225 = arith.constant 524288 : i32
      %ge3A_226 = vector.broadcast %ge3A_225 : i32 to vector<16xi32>
      %ge3A_227 = arith.cmpi sge, %get3A_222, %ge3A_226 : vector<16xi32>
      %convert_element_type3A_228 = arith.extui %ge3A_227 : vector<16xi1> to vector<16xi32>
      %add3A_229 = arith.addi %convert_element_type3A, %convert_element_type3A_228 : vector<16xi32>
      %ge3A_230 = arith.constant 786432 : i32
      %ge3A_231 = vector.broadcast %ge3A_230 : i32 to vector<16xi32>
      %ge3A_232 = arith.cmpi sge, %get3A_222, %ge3A_231 : vector<16xi32>
      %convert_element_type3A_233 = arith.extui %ge3A_232 : vector<16xi1> to vector<16xi32>
      %add3A_234 = arith.addi %add3A_229, %convert_element_type3A_233 : vector<16xi32>
      %mul3A_235 = arith.constant 262144 : i32
      %mul3A_236 = vector.broadcast %mul3A_235 : i32 to vector<16xi32>
      %mul3A_237 = arith.muli %add3A_234, %mul3A_236 : vector<16xi32>
      %sub3A = arith.subi %get3A_222, %mul3A_237 : vector<16xi32>
      %mul3A_238 = arith.constant 4 : i32
      %mul3A_239 = vector.broadcast %mul3A_238 : i32 to vector<16xi32>
      %mul3A_240 = arith.muli %sub3A, %mul3A_239 : vector<16xi32>
      %add3A_241 = arith.addi %mul3A_240, %add3A_234 : vector<16xi32>
      %mul3A_242 = arith.constant 16 : i32
      %mul3A_243 = arith.muli %scan3A_216, %mul3A_242 : i32
      %swap3A = arith.constant 12 : i32
      %swap3A_244 = arith.index_cast %swap3A : i32 to index
      %swap3A_245 = arith.index_cast %mul3A_243 : i32 to index
      %swap3A_246 = tpu.vector_load %arg8[%swap3A_244, %swap3A_245] {strides = array<i32>} : memref<20x512xi32, #tpu.memory_space<vmem>>, vector<16xi32>,
      tpu.vector_store %arg8[%swap3A_244, %swap3A_245], %add3A_241 {strides = array<i32>} : memref<20x512xi32, #tpu.memory_space<vmem>>, vector<16xi32>,
      %scan3A_247 = arith.constant 0 : i32
      scf.yield %scan3A_247 : i32
    }
    %scan3A_158 = arith.constant 32 : i32
    %scan3A_159 = arith.constant 0 : i32
    %scan3A_160 = arith.constant 0 : i32
    %scan3A_161 = arith.constant 32 : i32
    %scan3A_162 = arith.addi %scan3A_160, %scan3A_161 : i32
    %scan3A_163 = arith.constant 1 : i32
    %scan3A_164 = scf.for %scan3A_216 = %scan3A_160 to %scan3A_162 step %scan3A_163 iter_args(%scan3A_217 = %scan3A_159) -> (i32)  : i32 {
      %mul3A_218 = arith.constant 16 : i32
      %mul3A_219 = arith.muli %scan3A_216, %mul3A_218 : i32
      %get3A = arith.constant 13 : i32
      %get3A_220 = arith.index_cast %get3A : i32 to index
      %get3A_221 = arith.index_cast %mul3A_219 : i32 to index
      %get3A_222 = tpu.vector_load %arg8[%get3A_220, %get3A_221] {strides = array<i32>} : memref<20x512xi32, #tpu.memory_space<vmem>>, vector<16xi32>,
      %ge3A = arith.constant 262144 : i32
      %ge3A_223 = vector.broadcast %ge3A : i32 to vector<16xi32>
      %ge3A_224 = arith.cmpi sge, %get3A_222, %ge3A_223 : vector<16xi32>
      %convert_element_type3A = arith.extui %ge3A_224 : vector<16xi1> to vector<16xi32>
      %ge3A_225 = arith.constant 524288 : i32
      %ge3A_226 = vector.broadcast %ge3A_225 : i32 to vector<16xi32>
      %ge3A_227 = arith.cmpi sge, %get3A_222, %ge3A_226 : vector<16xi32>
      %convert_element_type3A_228 = arith.extui %ge3A_227 : vector<16xi1> to vector<16xi32>
      %add3A_229 = arith.addi %convert_element_type3A, %convert_element_type3A_228 : vector<16xi32>
      %ge3A_230 = arith.constant 786432 : i32
      %ge3A_231 = vector.broadcast %ge3A_230 : i32 to vector<16xi32>
      %ge3A_232 = arith.cmpi sge, %get3A_222, %ge3A_231 : vector<16xi32>
      %convert_element_type3A_233 = arith.extui %ge3A_232 : vector<16xi1> to vector<16xi32>
      %add3A_234 = arith.addi %add3A_229, %convert_element_type3A_233 : vector<16xi32>
      %mul3A_235 = arith.constant 262144 : i32
      %mul3A_236 = vector.broadcast %mul3A_235 : i32 to vector<16xi32>
      %mul3A_237 = arith.muli %add3A_234, %mul3A_236 : vector<16xi32>
      %sub3A = arith.subi %get3A_222, %mul3A_237 : vector<16xi32>
      %mul3A_238 = arith.constant 4 : i32
      %mul3A_239 = vector.broadcast %mul3A_238 : i32 to vector<16xi32>
      %mul3A_240 = arith.muli %sub3A, %mul3A_239 : vector<16xi32>
      %add3A_241 = arith.addi %mul3A_240, %add3A_234 : vector<16xi32>
      %mul3A_242 = arith.constant 16 : i32
      %mul3A_243 = arith.muli %scan3A_216, %mul3A_242 : i32
      %swap3A = arith.constant 13 : i32
      %swap3A_244 = arith.index_cast %swap3A : i32 to index
      %swap3A_245 = arith.index_cast %mul3A_243 : i32 to index
      %swap3A_246 = tpu.vector_load %arg8[%swap3A_244, %swap3A_245] {strides = array<i32>} : memref<20x512xi32, #tpu.memory_space<vmem>>, vector<16xi32>,
      tpu.vector_store %arg8[%swap3A_244, %swap3A_245], %add3A_241 {strides = array<i32>} : memref<20x512xi32, #tpu.memory_space<vmem>>, vector<16xi32>,
      %scan3A_247 = arith.constant 0 : i32
      scf.yield %scan3A_247 : i32
    }
    %scan3A_165 = arith.constant 32 : i32
    %scan3A_166 = arith.constant 0 : i32
    %scan3A_167 = arith.constant 0 : i32
    %scan3A_168 = arith.constant 32 : i32
    %scan3A_169 = arith.addi %scan3A_167, %scan3A_168 : i32
    %scan3A_170 = arith.constant 1 : i32
    %scan3A_171 = scf.for %scan3A_216 = %scan3A_167 to %scan3A_169 step %scan3A_170 iter_args(%scan3A_217 = %scan3A_166) -> (i32)  : i32 {
      %mul3A_218 = arith.constant 16 : i32
      %mul3A_219 = arith.muli %scan3A_216, %mul3A_218 : i32
      %get3A = arith.constant 14 : i32
      %get3A_220 = arith.index_cast %get3A : i32 to index
      %get3A_221 = arith.index_cast %mul3A_219 : i32 to index
      %get3A_222 = tpu.vector_load %arg8[%get3A_220, %get3A_221] {strides = array<i32>} : memref<20x512xi32, #tpu.memory_space<vmem>>, vector<16xi32>,
      %ge3A = arith.constant 262144 : i32
      %ge3A_223 = vector.broadcast %ge3A : i32 to vector<16xi32>
      %ge3A_224 = arith.cmpi sge, %get3A_222, %ge3A_223 : vector<16xi32>
      %convert_element_type3A = arith.extui %ge3A_224 : vector<16xi1> to vector<16xi32>
      %ge3A_225 = arith.constant 524288 : i32
      %ge3A_226 = vector.broadcast %ge3A_225 : i32 to vector<16xi32>
      %ge3A_227 = arith.cmpi sge, %get3A_222, %ge3A_226 : vector<16xi32>
      %convert_element_type3A_228 = arith.extui %ge3A_227 : vector<16xi1> to vector<16xi32>
      %add3A_229 = arith.addi %convert_element_type3A, %convert_element_type3A_228 : vector<16xi32>
      %ge3A_230 = arith.constant 786432 : i32
      %ge3A_231 = vector.broadcast %ge3A_230 : i32 to vector<16xi32>
      %ge3A_232 = arith.cmpi sge, %get3A_222, %ge3A_231 : vector<16xi32>
      %convert_element_type3A_233 = arith.extui %ge3A_232 : vector<16xi1> to vector<16xi32>
      %add3A_234 = arith.addi %add3A_229, %convert_element_type3A_233 : vector<16xi32>
      %mul3A_235 = arith.constant 262144 : i32
      %mul3A_236 = vector.broadcast %mul3A_235 : i32 to vector<16xi32>
      %mul3A_237 = arith.muli %add3A_234, %mul3A_236 : vector<16xi32>
      %sub3A = arith.subi %get3A_222, %mul3A_237 : vector<16xi32>
      %mul3A_238 = arith.constant 4 : i32
      %mul3A_239 = vector.broadcast %mul3A_238 : i32 to vector<16xi32>
      %mul3A_240 = arith.muli %sub3A, %mul3A_239 : vector<16xi32>
      %add3A_241 = arith.addi %mul3A_240, %add3A_234 : vector<16xi32>
      %mul3A_242 = arith.constant 16 : i32
      %mul3A_243 = arith.muli %scan3A_216, %mul3A_242 : i32
      %swap3A = arith.constant 14 : i32
      %swap3A_244 = arith.index_cast %swap3A : i32 to index
      %swap3A_245 = arith.index_cast %mul3A_243 : i32 to index
      %swap3A_246 = tpu.vector_load %arg8[%swap3A_244, %swap3A_245] {strides = array<i32>} : memref<20x512xi32, #tpu.memory_space<vmem>>, vector<16xi32>,
      tpu.vector_store %arg8[%swap3A_244, %swap3A_245], %add3A_241 {strides = array<i32>} : memref<20x512xi32, #tpu.memory_space<vmem>>, vector<16xi32>,
      %scan3A_247 = arith.constant 0 : i32
      scf.yield %scan3A_247 : i32
    }
    %scan3A_172 = arith.constant 32 : i32
    %scan3A_173 = arith.constant 0 : i32
    %scan3A_174 = arith.constant 0 : i32
    %scan3A_175 = arith.constant 32 : i32
    %scan3A_176 = arith.addi %scan3A_174, %scan3A_175 : i32
    %scan3A_177 = arith.constant 1 : i32
    %scan3A_178 = scf.for %scan3A_216 = %scan3A_174 to %scan3A_176 step %scan3A_177 iter_args(%scan3A_217 = %scan3A_173) -> (i32)  : i32 {
      %mul3A_218 = arith.constant 16 : i32
      %mul3A_219 = arith.muli %scan3A_216, %mul3A_218 : i32
      %get3A = arith.constant 15 : i32
      %get3A_220 = arith.index_cast %get3A : i32 to index
      %get3A_221 = arith.index_cast %mul3A_219 : i32 to index
      %get3A_222 = tpu.vector_load %arg8[%get3A_220, %get3A_221] {strides = array<i32>} : memref<20x512xi32, #tpu.memory_space<vmem>>, vector<16xi32>,
      %ge3A = arith.constant 262144 : i32
      %ge3A_223 = vector.broadcast %ge3A : i32 to vector<16xi32>
      %ge3A_224 = arith.cmpi sge, %get3A_222, %ge3A_223 : vector<16xi32>
      %convert_element_type3A = arith.extui %ge3A_224 : vector<16xi1> to vector<16xi32>
      %ge3A_225 = arith.constant 524288 : i32
      %ge3A_226 = vector.broadcast %ge3A_225 : i32 to vector<16xi32>
      %ge3A_227 = arith.cmpi sge, %get3A_222, %ge3A_226 : vector<16xi32>
      %convert_element_type3A_228 = arith.extui %ge3A_227 : vector<16xi1> to vector<16xi32>
      %add3A_229 = arith.addi %convert_element_type3A, %convert_element_type3A_228 : vector<16xi32>
      %ge3A_230 = arith.constant 786432 : i32
      %ge3A_231 = vector.broadcast %ge3A_230 : i32 to vector<16xi32>
      %ge3A_232 = arith.cmpi sge, %get3A_222, %ge3A_231 : vector<16xi32>
      %convert_element_type3A_233 = arith.extui %ge3A_232 : vector<16xi1> to vector<16xi32>
      %add3A_234 = arith.addi %add3A_229, %convert_element_type3A_233 : vector<16xi32>
      %mul3A_235 = arith.constant 262144 : i32
      %mul3A_236 = vector.broadcast %mul3A_235 : i32 to vector<16xi32>
      %mul3A_237 = arith.muli %add3A_234, %mul3A_236 : vector<16xi32>
      %sub3A = arith.subi %get3A_222, %mul3A_237 : vector<16xi32>
      %mul3A_238 = arith.constant 4 : i32
      %mul3A_239 = vector.broadcast %mul3A_238 : i32 to vector<16xi32>
      %mul3A_240 = arith.muli %sub3A, %mul3A_239 : vector<16xi32>
      %add3A_241 = arith.addi %mul3A_240, %add3A_234 : vector<16xi32>
      %mul3A_242 = arith.constant 16 : i32
      %mul3A_243 = arith.muli %scan3A_216, %mul3A_242 : i32
      %swap3A = arith.constant 15 : i32
      %swap3A_244 = arith.index_cast %swap3A : i32 to index
      %swap3A_245 = arith.index_cast %mul3A_243 : i32 to index
      %swap3A_246 = tpu.vector_load %arg8[%swap3A_244, %swap3A_245] {strides = array<i32>} : memref<20x512xi32, #tpu.memory_space<vmem>>, vector<16xi32>,
      tpu.vector_store %arg8[%swap3A_244, %swap3A_245], %add3A_241 {strides = array<i32>} : memref<20x512xi32, #tpu.memory_space<vmem>>, vector<16xi32>,
      %scan3A_247 = arith.constant 0 : i32
      scf.yield %scan3A_247 : i32
    }
    %scan3A_179 = arith.constant 32 : i32
    %scan3A_180 = arith.constant 0 : i32
    %scan3A_181 = arith.constant 0 : i32
    %scan3A_182 = arith.constant 32 : i32
    %scan3A_183 = arith.addi %scan3A_181, %scan3A_182 : i32
    %scan3A_184 = arith.constant 1 : i32
    %scan3A_185 = scf.for %scan3A_216 = %scan3A_181 to %scan3A_183 step %scan3A_184 iter_args(%scan3A_217 = %scan3A_180) -> (i32)  : i32 {
      %mul3A_218 = arith.constant 16 : i32
      %mul3A_219 = arith.muli %scan3A_216, %mul3A_218 : i32
      %get3A = arith.constant 16 : i32
      %get3A_220 = arith.index_cast %get3A : i32 to index
      %get3A_221 = arith.index_cast %mul3A_219 : i32 to index
      %get3A_222 = tpu.vector_load %arg8[%get3A_220, %get3A_221] {strides = array<i32>} : memref<20x512xi32, #tpu.memory_space<vmem>>, vector<16xi32>,
      %ge3A = arith.constant 262144 : i32
      %ge3A_223 = vector.broadcast %ge3A : i32 to vector<16xi32>
      %ge3A_224 = arith.cmpi sge, %get3A_222, %ge3A_223 : vector<16xi32>
      %convert_element_type3A = arith.extui %ge3A_224 : vector<16xi1> to vector<16xi32>
      %ge3A_225 = arith.constant 524288 : i32
      %ge3A_226 = vector.broadcast %ge3A_225 : i32 to vector<16xi32>
      %ge3A_227 = arith.cmpi sge, %get3A_222, %ge3A_226 : vector<16xi32>
      %convert_element_type3A_228 = arith.extui %ge3A_227 : vector<16xi1> to vector<16xi32>
      %add3A_229 = arith.addi %convert_element_type3A, %convert_element_type3A_228 : vector<16xi32>
      %ge3A_230 = arith.constant 786432 : i32
      %ge3A_231 = vector.broadcast %ge3A_230 : i32 to vector<16xi32>
      %ge3A_232 = arith.cmpi sge, %get3A_222, %ge3A_231 : vector<16xi32>
      %convert_element_type3A_233 = arith.extui %ge3A_232 : vector<16xi1> to vector<16xi32>
      %add3A_234 = arith.addi %add3A_229, %convert_element_type3A_233 : vector<16xi32>
      %mul3A_235 = arith.constant 262144 : i32
      %mul3A_236 = vector.broadcast %mul3A_235 : i32 to vector<16xi32>
      %mul3A_237 = arith.muli %add3A_234, %mul3A_236 : vector<16xi32>
      %sub3A = arith.subi %get3A_222, %mul3A_237 : vector<16xi32>
      %mul3A_238 = arith.constant 4 : i32
      %mul3A_239 = vector.broadcast %mul3A_238 : i32 to vector<16xi32>
      %mul3A_240 = arith.muli %sub3A, %mul3A_239 : vector<16xi32>
      %add3A_241 = arith.addi %mul3A_240, %add3A_234 : vector<16xi32>
      %mul3A_242 = arith.constant 16 : i32
      %mul3A_243 = arith.muli %scan3A_216, %mul3A_242 : i32
      %swap3A = arith.constant 16 : i32
      %swap3A_244 = arith.index_cast %swap3A : i32 to index
      %swap3A_245 = arith.index_cast %mul3A_243 : i32 to index
      %swap3A_246 = tpu.vector_load %arg8[%swap3A_244, %swap3A_245] {strides = array<i32>} : memref<20x512xi32, #tpu.memory_space<vmem>>, vector<16xi32>,
      tpu.vector_store %arg8[%swap3A_244, %swap3A_245], %add3A_241 {strides = array<i32>} : memref<20x512xi32, #tpu.memory_space<vmem>>, vector<16xi32>,
      %scan3A_247 = arith.constant 0 : i32
      scf.yield %scan3A_247 : i32
    }
    %scan3A_186 = arith.constant 32 : i32
    %scan3A_187 = arith.constant 0 : i32
    %scan3A_188 = arith.constant 0 : i32
    %scan3A_189 = arith.constant 32 : i32
    %scan3A_190 = arith.addi %scan3A_188, %scan3A_189 : i32
    %scan3A_191 = arith.constant 1 : i32
    %scan3A_192 = scf.for %scan3A_216 = %scan3A_188 to %scan3A_190 step %scan3A_191 iter_args(%scan3A_217 = %scan3A_187) -> (i32)  : i32 {
      %mul3A_218 = arith.constant 16 : i32
      %mul3A_219 = arith.muli %scan3A_216, %mul3A_218 : i32
      %get3A = arith.constant 17 : i32
      %get3A_220 = arith.index_cast %get3A : i32 to index
      %get3A_221 = arith.index_cast %mul3A_219 : i32 to index
      %get3A_222 = tpu.vector_load %arg8[%get3A_220, %get3A_221] {strides = array<i32>} : memref<20x512xi32, #tpu.memory_space<vmem>>, vector<16xi32>,
      %ge3A = arith.constant 262144 : i32
      %ge3A_223 = vector.broadcast %ge3A : i32 to vector<16xi32>
      %ge3A_224 = arith.cmpi sge, %get3A_222, %ge3A_223 : vector<16xi32>
      %convert_element_type3A = arith.extui %ge3A_224 : vector<16xi1> to vector<16xi32>
      %ge3A_225 = arith.constant 524288 : i32
      %ge3A_226 = vector.broadcast %ge3A_225 : i32 to vector<16xi32>
      %ge3A_227 = arith.cmpi sge, %get3A_222, %ge3A_226 : vector<16xi32>
      %convert_element_type3A_228 = arith.extui %ge3A_227 : vector<16xi1> to vector<16xi32>
      %add3A_229 = arith.addi %convert_element_type3A, %convert_element_type3A_228 : vector<16xi32>
      %ge3A_230 = arith.constant 786432 : i32
      %ge3A_231 = vector.broadcast %ge3A_230 : i32 to vector<16xi32>
      %ge3A_232 = arith.cmpi sge, %get3A_222, %ge3A_231 : vector<16xi32>
      %convert_element_type3A_233 = arith.extui %ge3A_232 : vector<16xi1> to vector<16xi32>
      %add3A_234 = arith.addi %add3A_229, %convert_element_type3A_233 : vector<16xi32>
      %mul3A_235 = arith.constant 262144 : i32
      %mul3A_236 = vector.broadcast %mul3A_235 : i32 to vector<16xi32>
      %mul3A_237 = arith.muli %add3A_234, %mul3A_236 : vector<16xi32>
      %sub3A = arith.subi %get3A_222, %mul3A_237 : vector<16xi32>
      %mul3A_238 = arith.constant 4 : i32
      %mul3A_239 = vector.broadcast %mul3A_238 : i32 to vector<16xi32>
      %mul3A_240 = arith.muli %sub3A, %mul3A_239 : vector<16xi32>
      %add3A_241 = arith.addi %mul3A_240, %add3A_234 : vector<16xi32>
      %mul3A_242 = arith.constant 16 : i32
      %mul3A_243 = arith.muli %scan3A_216, %mul3A_242 : i32
      %swap3A = arith.constant 17 : i32
      %swap3A_244 = arith.index_cast %swap3A : i32 to index
      %swap3A_245 = arith.index_cast %mul3A_243 : i32 to index
      %swap3A_246 = tpu.vector_load %arg8[%swap3A_244, %swap3A_245] {strides = array<i32>} : memref<20x512xi32, #tpu.memory_space<vmem>>, vector<16xi32>,
      tpu.vector_store %arg8[%swap3A_244, %swap3A_245], %add3A_241 {strides = array<i32>} : memref<20x512xi32, #tpu.memory_space<vmem>>, vector<16xi32>,
      %scan3A_247 = arith.constant 0 : i32
      scf.yield %scan3A_247 : i32
    }
    %scan3A_193 = arith.constant 32 : i32
    %scan3A_194 = arith.constant 0 : i32
    %scan3A_195 = arith.constant 0 : i32
    %scan3A_196 = arith.constant 32 : i32
    %scan3A_197 = arith.addi %scan3A_195, %scan3A_196 : i32
    %scan3A_198 = arith.constant 1 : i32
    %scan3A_199 = scf.for %scan3A_216 = %scan3A_195 to %scan3A_197 step %scan3A_198 iter_args(%scan3A_217 = %scan3A_194) -> (i32)  : i32 {
      %mul3A_218 = arith.constant 16 : i32
      %mul3A_219 = arith.muli %scan3A_216, %mul3A_218 : i32
      %get3A = arith.constant 18 : i32
      %get3A_220 = arith.index_cast %get3A : i32 to index
      %get3A_221 = arith.index_cast %mul3A_219 : i32 to index
      %get3A_222 = tpu.vector_load %arg8[%get3A_220, %get3A_221] {strides = array<i32>} : memref<20x512xi32, #tpu.memory_space<vmem>>, vector<16xi32>,
      %ge3A = arith.constant 262144 : i32
      %ge3A_223 = vector.broadcast %ge3A : i32 to vector<16xi32>
      %ge3A_224 = arith.cmpi sge, %get3A_222, %ge3A_223 : vector<16xi32>
      %convert_element_type3A = arith.extui %ge3A_224 : vector<16xi1> to vector<16xi32>
      %ge3A_225 = arith.constant 524288 : i32
      %ge3A_226 = vector.broadcast %ge3A_225 : i32 to vector<16xi32>
      %ge3A_227 = arith.cmpi sge, %get3A_222, %ge3A_226 : vector<16xi32>
      %convert_element_type3A_228 = arith.extui %ge3A_227 : vector<16xi1> to vector<16xi32>
      %add3A_229 = arith.addi %convert_element_type3A, %convert_element_type3A_228 : vector<16xi32>
      %ge3A_230 = arith.constant 786432 : i32
      %ge3A_231 = vector.broadcast %ge3A_230 : i32 to vector<16xi32>
      %ge3A_232 = arith.cmpi sge, %get3A_222, %ge3A_231 : vector<16xi32>
      %convert_element_type3A_233 = arith.extui %ge3A_232 : vector<16xi1> to vector<16xi32>
      %add3A_234 = arith.addi %add3A_229, %convert_element_type3A_233 : vector<16xi32>
      %mul3A_235 = arith.constant 262144 : i32
      %mul3A_236 = vector.broadcast %mul3A_235 : i32 to vector<16xi32>
      %mul3A_237 = arith.muli %add3A_234, %mul3A_236 : vector<16xi32>
      %sub3A = arith.subi %get3A_222, %mul3A_237 : vector<16xi32>
      %mul3A_238 = arith.constant 4 : i32
      %mul3A_239 = vector.broadcast %mul3A_238 : i32 to vector<16xi32>
      %mul3A_240 = arith.muli %sub3A, %mul3A_239 : vector<16xi32>
      %add3A_241 = arith.addi %mul3A_240, %add3A_234 : vector<16xi32>
      %mul3A_242 = arith.constant 16 : i32
      %mul3A_243 = arith.muli %scan3A_216, %mul3A_242 : i32
      %swap3A = arith.constant 18 : i32
      %swap3A_244 = arith.index_cast %swap3A : i32 to index
      %swap3A_245 = arith.index_cast %mul3A_243 : i32 to index
      %swap3A_246 = tpu.vector_load %arg8[%swap3A_244, %swap3A_245] {strides = array<i32>} : memref<20x512xi32, #tpu.memory_space<vmem>>, vector<16xi32>,
      tpu.vector_store %arg8[%swap3A_244, %swap3A_245], %add3A_241 {strides = array<i32>} : memref<20x512xi32, #tpu.memory_space<vmem>>, vector<16xi32>,
      %scan3A_247 = arith.constant 0 : i32
      scf.yield %scan3A_247 : i32
    }
    %scan3A_200 = arith.constant 32 : i32
    %scan3A_201 = arith.constant 0 : i32
    %scan3A_202 = arith.constant 0 : i32
    %scan3A_203 = arith.constant 32 : i32
    %scan3A_204 = arith.addi %scan3A_202, %scan3A_203 : i32
    %scan3A_205 = arith.constant 1 : i32
    %scan3A_206 = scf.for %scan3A_216 = %scan3A_202 to %scan3A_204 step %scan3A_205 iter_args(%scan3A_217 = %scan3A_201) -> (i32)  : i32 {
      %mul3A_218 = arith.constant 16 : i32
      %mul3A_219 = arith.muli %scan3A_216, %mul3A_218 : i32
      %get3A = arith.constant 19 : i32
      %get3A_220 = arith.index_cast %get3A : i32 to index
      %get3A_221 = arith.index_cast %mul3A_219 : i32 to index
      %get3A_222 = tpu.vector_load %arg8[%get3A_220, %get3A_221] {strides = array<i32>} : memref<20x512xi32, #tpu.memory_space<vmem>>, vector<16xi32>,
      %ge3A = arith.constant 262144 : i32
      %ge3A_223 = vector.broadcast %ge3A : i32 to vector<16xi32>
      %ge3A_224 = arith.cmpi sge, %get3A_222, %ge3A_223 : vector<16xi32>
      %convert_element_type3A = arith.extui %ge3A_224 : vector<16xi1> to vector<16xi32>
      %ge3A_225 = arith.constant 524288 : i32
      %ge3A_226 = vector.broadcast %ge3A_225 : i32 to vector<16xi32>
      %ge3A_227 = arith.cmpi sge, %get3A_222, %ge3A_226 : vector<16xi32>
      %convert_element_type3A_228 = arith.extui %ge3A_227 : vector<16xi1> to vector<16xi32>
      %add3A_229 = arith.addi %convert_element_type3A, %convert_element_type3A_228 : vector<16xi32>
      %ge3A_230 = arith.constant 786432 : i32
      %ge3A_231 = vector.broadcast %ge3A_230 : i32 to vector<16xi32>
      %ge3A_232 = arith.cmpi sge, %get3A_222, %ge3A_231 : vector<16xi32>
      %convert_element_type3A_233 = arith.extui %ge3A_232 : vector<16xi1> to vector<16xi32>
      %add3A_234 = arith.addi %add3A_229, %convert_element_type3A_233 : vector<16xi32>
      %mul3A_235 = arith.constant 262144 : i32
      %mul3A_236 = vector.broadcast %mul3A_235 : i32 to vector<16xi32>
      %mul3A_237 = arith.muli %add3A_234, %mul3A_236 : vector<16xi32>
      %sub3A = arith.subi %get3A_222, %mul3A_237 : vector<16xi32>
      %mul3A_238 = arith.constant 4 : i32
      %mul3A_239 = vector.broadcast %mul3A_238 : i32 to vector<16xi32>
      %mul3A_240 = arith.muli %sub3A, %mul3A_239 : vector<16xi32>
      %add3A_241 = arith.addi %mul3A_240, %add3A_234 : vector<16xi32>
      %mul3A_242 = arith.constant 16 : i32
      %mul3A_243 = arith.muli %scan3A_216, %mul3A_242 : i32
      %swap3A = arith.constant 19 : i32
      %swap3A_244 = arith.index_cast %swap3A : i32 to index
      %swap3A_245 = arith.index_cast %mul3A_243 : i32 to index
      %swap3A_246 = tpu.vector_load %arg8[%swap3A_244, %swap3A_245] {strides = array<i32>} : memref<20x512xi32, #tpu.memory_space<vmem>>, vector<16xi32>,
      tpu.vector_store %arg8[%swap3A_244, %swap3A_245], %add3A_241 {strides = array<i32>} : memref<20x512xi32, #tpu.memory_space<vmem>>, vector<16xi32>,
      %scan3A_247 = arith.constant 0 : i32
      scf.yield %scan3A_247 : i32
    }
    %scan3A_207 = arith.constant 32 : i32
    %broadcast_in_dim3A = arith.constant 0.000000e+00 : f32
    %broadcast_in_dim3A_208 = vector.broadcast %broadcast_in_dim3A : f32 to vector<16xf32>
    %scan3A_209 = arith.constant 0 : i32
    %scan3A_210 = arith.constant 0 : i32
    %scan3A_211 = arith.constant 4 : i32
    %scan3A_212 = arith.addi %scan3A_210, %scan3A_211 : i32
    %scan3A_213 = arith.constant 1 : i32
    %scan3A_214 = scf.for %scan3A_216 = %scan3A_210 to %scan3A_212 step %scan3A_213 iter_args(%scan3A_217 = %scan3A_209) -> (i32)  : i32 {
      %mul3A_218 = arith.constant 128 : i32
      %mul3A_219 = arith.muli %scan3A_216, %mul3A_218 : i32
      %scan3A_220 = arith.constant 0 : i32
      %scan3A_221 = arith.constant 0 : i32
      %scan3A_222 = arith.constant 128 : i32
      %scan3A_223 = arith.addi %scan3A_221, %scan3A_222 : i32
      %scan3A_224 = arith.constant 1 : i32
      %scan3A_225 = scf.for %scan3A_476 = %scan3A_221 to %scan3A_223 step %scan3A_224 iter_args(%scan3A_477 = %scan3A_220) -> (i32)  : i32 {
        %swap3A = arith.index_cast %scan3A_476 : i32 to index
        %swap3A_478 = arith.constant 0 : index
        %swap3A_479 = tpu.vector_load %arg10[%swap3A, %swap3A_478] {strides = array<i32>} : memref<128x32xf32, #tpu.memory_space<vmem>>, vector<16xf32>,
        tpu.vector_store %arg10[%swap3A, %swap3A_478], %broadcast_in_dim3A_208 {strides = array<i32>} : memref<128x32xf32, #tpu.memory_space<vmem>>, vector<16xf32>,
        %swap3A_480 = arith.index_cast %scan3A_476 : i32 to index
        %swap3A_481 = arith.constant 16 : index
        %swap3A_482 = tpu.vector_load %arg10[%swap3A_480, %swap3A_481] {strides = array<i32>} : memref<128x32xf32, #tpu.memory_space<vmem>>, vector<16xf32>,
        tpu.vector_store %arg10[%swap3A_480, %swap3A_481], %broadcast_in_dim3A_208 {strides = array<i32>} : memref<128x32xf32, #tpu.memory_space<vmem>>, vector<16xf32>,
        %scan3A_483 = arith.constant 0 : i32
        scf.yield %scan3A_483 : i32
      }
      %scan3A_226 = arith.constant 128 : i32
      %dma_start3A = tpu.memref_slice %arg7[%mul3A_219] : memref<512xi32, #tpu.memory_space<vmem>> -> memref<128xi32, #tpu.memory_space<vmem>>
      %dma_start3A_227 = arith.constant 0 : i32
      %dma_start3A_228 = arith.constant 0 : i32
      %dma_start3A_229 = tpu.memref_slice %arg2[%dma_start3A_227, %dma_start3A_228] : memref<1048576x32xf32, #tpu.memory_space<hbm>> -> memref<1048576x32xf32, #tpu.memory_space<hbm>>
      tpu.enqueue_indirect_dma source(%dma_start3A_229 : memref<1048576x32xf32, #tpu.memory_space<hbm>>) target(%arg9 : memref<128x32xf32, #tpu.memory_space<vmem>>) offsets(%dma_start3A : memref<128xi32, #tpu.memory_space<vmem>>) semaphore(%arg11 : memref<!tpu.dma_semaphore, #tpu.memory_space<semaphore_mem>>)
      %dma_start3A_230 = arith.constant 0 : i32
      %dma_start3A_231 = tpu.memref_slice %arg8[%dma_start3A_230, %mul3A_219] : memref<20x512xi32, #tpu.memory_space<vmem>> -> memref<1x128xi32, #tpu.memory_space<vmem>>
      %dma_start3A_232 = tpu.memref_squeeze %dma_start3A_231 : memref<1x128xi32, #tpu.memory_space<vmem>> -> memref<128xi32, #tpu.memory_space<vmem>>
      %dma_start3A_233 = arith.constant 0 : i32
      %dma_start3A_234 = arith.constant 0 : i32
      %dma_start3A_235 = tpu.memref_slice %arg2[%dma_start3A_233, %dma_start3A_234] : memref<1048576x32xf32, #tpu.memory_space<hbm>> -> memref<1048576x32xf32, #tpu.memory_space<hbm>>
      tpu.enqueue_indirect_dma source(%dma_start3A_235 : memref<1048576x32xf32, #tpu.memory_space<hbm>>) target(%arg10 : memref<128x32xf32, #tpu.memory_space<vmem>>) offsets(%dma_start3A_232 : memref<128xi32, #tpu.memory_space<vmem>>) semaphore(%arg11 : memref<!tpu.dma_semaphore, #tpu.memory_space<semaphore_mem>>) {add = true}
      %dma_start3A_236 = arith.constant 1 : i32
      %dma_start3A_237 = tpu.memref_slice %arg8[%dma_start3A_236, %mul3A_219] : memref<20x512xi32, #tpu.memory_space<vmem>> -> memref<1x128xi32, #tpu.memory_space<vmem>>
      %dma_start3A_238 = tpu.memref_squeeze %dma_start3A_237 : memref<1x128xi32, #tpu.memory_space<vmem>> -> memref<128xi32, #tpu.memory_space<vmem>>
      %dma_start3A_239 = arith.constant 0 : i32
      %dma_start3A_240 = arith.constant 0 : i32
      %dma_start3A_241 = tpu.memref_slice %arg2[%dma_start3A_239, %dma_start3A_240] : memref<1048576x32xf32, #tpu.memory_space<hbm>> -> memref<1048576x32xf32, #tpu.memory_space<hbm>>
      tpu.enqueue_indirect_dma source(%dma_start3A_241 : memref<1048576x32xf32, #tpu.memory_space<hbm>>) target(%arg10 : memref<128x32xf32, #tpu.memory_space<vmem>>) offsets(%dma_start3A_238 : memref<128xi32, #tpu.memory_space<vmem>>) semaphore(%arg11 : memref<!tpu.dma_semaphore, #tpu.memory_space<semaphore_mem>>) {add = true}
      %dma_start3A_242 = arith.constant 2 : i32
      %dma_start3A_243 = tpu.memref_slice %arg8[%dma_start3A_242, %mul3A_219] : memref<20x512xi32, #tpu.memory_space<vmem>> -> memref<1x128xi32, #tpu.memory_space<vmem>>
      %dma_start3A_244 = tpu.memref_squeeze %dma_start3A_243 : memref<1x128xi32, #tpu.memory_space<vmem>> -> memref<128xi32, #tpu.memory_space<vmem>>
      %dma_start3A_245 = arith.constant 0 : i32
      %dma_start3A_246 = arith.constant 0 : i32
      %dma_start3A_247 = tpu.memref_slice %arg2[%dma_start3A_245, %dma_start3A_246] : memref<1048576x32xf32, #tpu.memory_space<hbm>> -> memref<1048576x32xf32, #tpu.memory_space<hbm>>
      tpu.enqueue_indirect_dma source(%dma_start3A_247 : memref<1048576x32xf32, #tpu.memory_space<hbm>>) target(%arg10 : memref<128x32xf32, #tpu.memory_space<vmem>>) offsets(%dma_start3A_244 : memref<128xi32, #tpu.memory_space<vmem>>) semaphore(%arg11 : memref<!tpu.dma_semaphore, #tpu.memory_space<semaphore_mem>>) {add = true}
      %dma_start3A_248 = arith.constant 3 : i32
      %dma_start3A_249 = tpu.memref_slice %arg8[%dma_start3A_248, %mul3A_219] : memref<20x512xi32, #tpu.memory_space<vmem>> -> memref<1x128xi32, #tpu.memory_space<vmem>>
      %dma_start3A_250 = tpu.memref_squeeze %dma_start3A_249 : memref<1x128xi32, #tpu.memory_space<vmem>> -> memref<128xi32, #tpu.memory_space<vmem>>
      %dma_start3A_251 = arith.constant 0 : i32
      %dma_start3A_252 = arith.constant 0 : i32
      %dma_start3A_253 = tpu.memref_slice %arg2[%dma_start3A_251, %dma_start3A_252] : memref<1048576x32xf32, #tpu.memory_space<hbm>> -> memref<1048576x32xf32, #tpu.memory_space<hbm>>
      tpu.enqueue_indirect_dma source(%dma_start3A_253 : memref<1048576x32xf32, #tpu.memory_space<hbm>>) target(%arg10 : memref<128x32xf32, #tpu.memory_space<vmem>>) offsets(%dma_start3A_250 : memref<128xi32, #tpu.memory_space<vmem>>) semaphore(%arg11 : memref<!tpu.dma_semaphore, #tpu.memory_space<semaphore_mem>>) {add = true}
      %dma_start3A_254 = arith.constant 4 : i32
      %dma_start3A_255 = tpu.memref_slice %arg8[%dma_start3A_254, %mul3A_219] : memref<20x512xi32, #tpu.memory_space<vmem>> -> memref<1x128xi32, #tpu.memory_space<vmem>>
      %dma_start3A_256 = tpu.memref_squeeze %dma_start3A_255 : memref<1x128xi32, #tpu.memory_space<vmem>> -> memref<128xi32, #tpu.memory_space<vmem>>
      %dma_start3A_257 = arith.constant 0 : i32
      %dma_start3A_258 = arith.constant 0 : i32
      %dma_start3A_259 = tpu.memref_slice %arg2[%dma_start3A_257, %dma_start3A_258] : memref<1048576x32xf32, #tpu.memory_space<hbm>> -> memref<1048576x32xf32, #tpu.memory_space<hbm>>
      tpu.enqueue_indirect_dma source(%dma_start3A_259 : memref<1048576x32xf32, #tpu.memory_space<hbm>>) target(%arg10 : memref<128x32xf32, #tpu.memory_space<vmem>>) offsets(%dma_start3A_256 : memref<128xi32, #tpu.memory_space<vmem>>) semaphore(%arg11 : memref<!tpu.dma_semaphore, #tpu.memory_space<semaphore_mem>>) {add = true}
      %dma_start3A_260 = arith.constant 5 : i32
      %dma_start3A_261 = tpu.memref_slice %arg8[%dma_start3A_260, %mul3A_219] : memref<20x512xi32, #tpu.memory_space<vmem>> -> memref<1x128xi32, #tpu.memory_space<vmem>>
      %dma_start3A_262 = tpu.memref_squeeze %dma_start3A_261 : memref<1x128xi32, #tpu.memory_space<vmem>> -> memref<128xi32, #tpu.memory_space<vmem>>
      %dma_start3A_263 = arith.constant 0 : i32
      %dma_start3A_264 = arith.constant 0 : i32
      %dma_start3A_265 = tpu.memref_slice %arg2[%dma_start3A_263, %dma_start3A_264] : memref<1048576x32xf32, #tpu.memory_space<hbm>> -> memref<1048576x32xf32, #tpu.memory_space<hbm>>
      tpu.enqueue_indirect_dma source(%dma_start3A_265 : memref<1048576x32xf32, #tpu.memory_space<hbm>>) target(%arg10 : memref<128x32xf32, #tpu.memory_space<vmem>>) offsets(%dma_start3A_262 : memref<128xi32, #tpu.memory_space<vmem>>) semaphore(%arg11 : memref<!tpu.dma_semaphore, #tpu.memory_space<semaphore_mem>>) {add = true}
      %dma_start3A_266 = arith.constant 6 : i32
      %dma_start3A_267 = tpu.memref_slice %arg8[%dma_start3A_266, %mul3A_219] : memref<20x512xi32, #tpu.memory_space<vmem>> -> memref<1x128xi32, #tpu.memory_space<vmem>>
      %dma_start3A_268 = tpu.memref_squeeze %dma_start3A_267 : memref<1x128xi32, #tpu.memory_space<vmem>> -> memref<128xi32, #tpu.memory_space<vmem>>
      %dma_start3A_269 = arith.constant 0 : i32
      %dma_start3A_270 = arith.constant 0 : i32
      %dma_start3A_271 = tpu.memref_slice %arg2[%dma_start3A_269, %dma_start3A_270] : memref<1048576x32xf32, #tpu.memory_space<hbm>> -> memref<1048576x32xf32, #tpu.memory_space<hbm>>
      tpu.enqueue_indirect_dma source(%dma_start3A_271 : memref<1048576x32xf32, #tpu.memory_space<hbm>>) target(%arg10 : memref<128x32xf32, #tpu.memory_space<vmem>>) offsets(%dma_start3A_268 : memref<128xi32, #tpu.memory_space<vmem>>) semaphore(%arg11 : memref<!tpu.dma_semaphore, #tpu.memory_space<semaphore_mem>>) {add = true}
      %dma_start3A_272 = arith.constant 7 : i32
      %dma_start3A_273 = tpu.memref_slice %arg8[%dma_start3A_272, %mul3A_219] : memref<20x512xi32, #tpu.memory_space<vmem>> -> memref<1x128xi32, #tpu.memory_space<vmem>>
      %dma_start3A_274 = tpu.memref_squeeze %dma_start3A_273 : memref<1x128xi32, #tpu.memory_space<vmem>> -> memref<128xi32, #tpu.memory_space<vmem>>
      %dma_start3A_275 = arith.constant 0 : i32
      %dma_start3A_276 = arith.constant 0 : i32
      %dma_start3A_277 = tpu.memref_slice %arg2[%dma_start3A_275, %dma_start3A_276] : memref<1048576x32xf32, #tpu.memory_space<hbm>> -> memref<1048576x32xf32, #tpu.memory_space<hbm>>
      tpu.enqueue_indirect_dma source(%dma_start3A_277 : memref<1048576x32xf32, #tpu.memory_space<hbm>>) target(%arg10 : memref<128x32xf32, #tpu.memory_space<vmem>>) offsets(%dma_start3A_274 : memref<128xi32, #tpu.memory_space<vmem>>) semaphore(%arg11 : memref<!tpu.dma_semaphore, #tpu.memory_space<semaphore_mem>>) {add = true}
      %dma_start3A_278 = arith.constant 8 : i32
      %dma_start3A_279 = tpu.memref_slice %arg8[%dma_start3A_278, %mul3A_219] : memref<20x512xi32, #tpu.memory_space<vmem>> -> memref<1x128xi32, #tpu.memory_space<vmem>>
      %dma_start3A_280 = tpu.memref_squeeze %dma_start3A_279 : memref<1x128xi32, #tpu.memory_space<vmem>> -> memref<128xi32, #tpu.memory_space<vmem>>
      %dma_start3A_281 = arith.constant 0 : i32
      %dma_start3A_282 = arith.constant 0 : i32
      %dma_start3A_283 = tpu.memref_slice %arg2[%dma_start3A_281, %dma_start3A_282] : memref<1048576x32xf32, #tpu.memory_space<hbm>> -> memref<1048576x32xf32, #tpu.memory_space<hbm>>
      tpu.enqueue_indirect_dma source(%dma_start3A_283 : memref<1048576x32xf32, #tpu.memory_space<hbm>>) target(%arg10 : memref<128x32xf32, #tpu.memory_space<vmem>>) offsets(%dma_start3A_280 : memref<128xi32, #tpu.memory_space<vmem>>) semaphore(%arg11 : memref<!tpu.dma_semaphore, #tpu.memory_space<semaphore_mem>>) {add = true}
      %dma_start3A_284 = arith.constant 9 : i32
      %dma_start3A_285 = tpu.memref_slice %arg8[%dma_start3A_284, %mul3A_219] : memref<20x512xi32, #tpu.memory_space<vmem>> -> memref<1x128xi32, #tpu.memory_space<vmem>>
      %dma_start3A_286 = tpu.memref_squeeze %dma_start3A_285 : memref<1x128xi32, #tpu.memory_space<vmem>> -> memref<128xi32, #tpu.memory_space<vmem>>
      %dma_start3A_287 = arith.constant 0 : i32
      %dma_start3A_288 = arith.constant 0 : i32
      %dma_start3A_289 = tpu.memref_slice %arg2[%dma_start3A_287, %dma_start3A_288] : memref<1048576x32xf32, #tpu.memory_space<hbm>> -> memref<1048576x32xf32, #tpu.memory_space<hbm>>
      tpu.enqueue_indirect_dma source(%dma_start3A_289 : memref<1048576x32xf32, #tpu.memory_space<hbm>>) target(%arg10 : memref<128x32xf32, #tpu.memory_space<vmem>>) offsets(%dma_start3A_286 : memref<128xi32, #tpu.memory_space<vmem>>) semaphore(%arg11 : memref<!tpu.dma_semaphore, #tpu.memory_space<semaphore_mem>>) {add = true}
      %dma_start3A_290 = arith.constant 10 : i32
      %dma_start3A_291 = tpu.memref_slice %arg8[%dma_start3A_290, %mul3A_219] : memref<20x512xi32, #tpu.memory_space<vmem>> -> memref<1x128xi32, #tpu.memory_space<vmem>>
      %dma_start3A_292 = tpu.memref_squeeze %dma_start3A_291 : memref<1x128xi32, #tpu.memory_space<vmem>> -> memref<128xi32, #tpu.memory_space<vmem>>
      %dma_start3A_293 = arith.constant 0 : i32
      %dma_start3A_294 = arith.constant 0 : i32
      %dma_start3A_295 = tpu.memref_slice %arg2[%dma_start3A_293, %dma_start3A_294] : memref<1048576x32xf32, #tpu.memory_space<hbm>> -> memref<1048576x32xf32, #tpu.memory_space<hbm>>
      tpu.enqueue_indirect_dma source(%dma_start3A_295 : memref<1048576x32xf32, #tpu.memory_space<hbm>>) target(%arg10 : memref<128x32xf32, #tpu.memory_space<vmem>>) offsets(%dma_start3A_292 : memref<128xi32, #tpu.memory_space<vmem>>) semaphore(%arg11 : memref<!tpu.dma_semaphore, #tpu.memory_space<semaphore_mem>>) {add = true}
      %dma_start3A_296 = arith.constant 11 : i32
      %dma_start3A_297 = tpu.memref_slice %arg8[%dma_start3A_296, %mul3A_219] : memref<20x512xi32, #tpu.memory_space<vmem>> -> memref<1x128xi32, #tpu.memory_space<vmem>>
      %dma_start3A_298 = tpu.memref_squeeze %dma_start3A_297 : memref<1x128xi32, #tpu.memory_space<vmem>> -> memref<128xi32, #tpu.memory_space<vmem>>
      %dma_start3A_299 = arith.constant 0 : i32
      %dma_start3A_300 = arith.constant 0 : i32
      %dma_start3A_301 = tpu.memref_slice %arg2[%dma_start3A_299, %dma_start3A_300] : memref<1048576x32xf32, #tpu.memory_space<hbm>> -> memref<1048576x32xf32, #tpu.memory_space<hbm>>
      tpu.enqueue_indirect_dma source(%dma_start3A_301 : memref<1048576x32xf32, #tpu.memory_space<hbm>>) target(%arg10 : memref<128x32xf32, #tpu.memory_space<vmem>>) offsets(%dma_start3A_298 : memref<128xi32, #tpu.memory_space<vmem>>) semaphore(%arg11 : memref<!tpu.dma_semaphore, #tpu.memory_space<semaphore_mem>>) {add = true}
      %dma_start3A_302 = arith.constant 12 : i32
      %dma_start3A_303 = tpu.memref_slice %arg8[%dma_start3A_302, %mul3A_219] : memref<20x512xi32, #tpu.memory_space<vmem>> -> memref<1x128xi32, #tpu.memory_space<vmem>>
      %dma_start3A_304 = tpu.memref_squeeze %dma_start3A_303 : memref<1x128xi32, #tpu.memory_space<vmem>> -> memref<128xi32, #tpu.memory_space<vmem>>
      %dma_start3A_305 = arith.constant 0 : i32
      %dma_start3A_306 = arith.constant 0 : i32
      %dma_start3A_307 = tpu.memref_slice %arg2[%dma_start3A_305, %dma_start3A_306] : memref<1048576x32xf32, #tpu.memory_space<hbm>> -> memref<1048576x32xf32, #tpu.memory_space<hbm>>
      tpu.enqueue_indirect_dma source(%dma_start3A_307 : memref<1048576x32xf32, #tpu.memory_space<hbm>>) target(%arg10 : memref<128x32xf32, #tpu.memory_space<vmem>>) offsets(%dma_start3A_304 : memref<128xi32, #tpu.memory_space<vmem>>) semaphore(%arg11 : memref<!tpu.dma_semaphore, #tpu.memory_space<semaphore_mem>>) {add = true}
      %dma_start3A_308 = arith.constant 13 : i32
      %dma_start3A_309 = tpu.memref_slice %arg8[%dma_start3A_308, %mul3A_219] : memref<20x512xi32, #tpu.memory_space<vmem>> -> memref<1x128xi32, #tpu.memory_space<vmem>>
      %dma_start3A_310 = tpu.memref_squeeze %dma_start3A_309 : memref<1x128xi32, #tpu.memory_space<vmem>> -> memref<128xi32, #tpu.memory_space<vmem>>
      %dma_start3A_311 = arith.constant 0 : i32
      %dma_start3A_312 = arith.constant 0 : i32
      %dma_start3A_313 = tpu.memref_slice %arg2[%dma_start3A_311, %dma_start3A_312] : memref<1048576x32xf32, #tpu.memory_space<hbm>> -> memref<1048576x32xf32, #tpu.memory_space<hbm>>
      tpu.enqueue_indirect_dma source(%dma_start3A_313 : memref<1048576x32xf32, #tpu.memory_space<hbm>>) target(%arg10 : memref<128x32xf32, #tpu.memory_space<vmem>>) offsets(%dma_start3A_310 : memref<128xi32, #tpu.memory_space<vmem>>) semaphore(%arg11 : memref<!tpu.dma_semaphore, #tpu.memory_space<semaphore_mem>>) {add = true}
      %dma_start3A_314 = arith.constant 14 : i32
      %dma_start3A_315 = tpu.memref_slice %arg8[%dma_start3A_314, %mul3A_219] : memref<20x512xi32, #tpu.memory_space<vmem>> -> memref<1x128xi32, #tpu.memory_space<vmem>>
      %dma_start3A_316 = tpu.memref_squeeze %dma_start3A_315 : memref<1x128xi32, #tpu.memory_space<vmem>> -> memref<128xi32, #tpu.memory_space<vmem>>
      %dma_start3A_317 = arith.constant 0 : i32
      %dma_start3A_318 = arith.constant 0 : i32
      %dma_start3A_319 = tpu.memref_slice %arg2[%dma_start3A_317, %dma_start3A_318] : memref<1048576x32xf32, #tpu.memory_space<hbm>> -> memref<1048576x32xf32, #tpu.memory_space<hbm>>
      tpu.enqueue_indirect_dma source(%dma_start3A_319 : memref<1048576x32xf32, #tpu.memory_space<hbm>>) target(%arg10 : memref<128x32xf32, #tpu.memory_space<vmem>>) offsets(%dma_start3A_316 : memref<128xi32, #tpu.memory_space<vmem>>) semaphore(%arg11 : memref<!tpu.dma_semaphore, #tpu.memory_space<semaphore_mem>>) {add = true}
      %dma_start3A_320 = arith.constant 15 : i32
      %dma_start3A_321 = tpu.memref_slice %arg8[%dma_start3A_320, %mul3A_219] : memref<20x512xi32, #tpu.memory_space<vmem>> -> memref<1x128xi32, #tpu.memory_space<vmem>>
      %dma_start3A_322 = tpu.memref_squeeze %dma_start3A_321 : memref<1x128xi32, #tpu.memory_space<vmem>> -> memref<128xi32, #tpu.memory_space<vmem>>
      %dma_start3A_323 = arith.constant 0 : i32
      %dma_start3A_324 = arith.constant 0 : i32
      %dma_start3A_325 = tpu.memref_slice %arg2[%dma_start3A_323, %dma_start3A_324] : memref<1048576x32xf32, #tpu.memory_space<hbm>> -> memref<1048576x32xf32, #tpu.memory_space<hbm>>
      tpu.enqueue_indirect_dma source(%dma_start3A_325 : memref<1048576x32xf32, #tpu.memory_space<hbm>>) target(%arg10 : memref<128x32xf32, #tpu.memory_space<vmem>>) offsets(%dma_start3A_322 : memref<128xi32, #tpu.memory_space<vmem>>) semaphore(%arg11 : memref<!tpu.dma_semaphore, #tpu.memory_space<semaphore_mem>>) {add = true}
      %dma_start3A_326 = arith.constant 16 : i32
      %dma_start3A_327 = tpu.memref_slice %arg8[%dma_start3A_326, %mul3A_219] : memref<20x512xi32, #tpu.memory_space<vmem>> -> memref<1x128xi32, #tpu.memory_space<vmem>>
      %dma_start3A_328 = tpu.memref_squeeze %dma_start3A_327 : memref<1x128xi32, #tpu.memory_space<vmem>> -> memref<128xi32, #tpu.memory_space<vmem>>
      %dma_start3A_329 = arith.constant 0 : i32
      %dma_start3A_330 = arith.constant 0 : i32
      %dma_start3A_331 = tpu.memref_slice %arg2[%dma_start3A_329, %dma_start3A_330] : memref<1048576x32xf32, #tpu.memory_space<hbm>> -> memref<1048576x32xf32, #tpu.memory_space<hbm>>
      tpu.enqueue_indirect_dma source(%dma_start3A_331 : memref<1048576x32xf32, #tpu.memory_space<hbm>>) target(%arg10 : memref<128x32xf32, #tpu.memory_space<vmem>>) offsets(%dma_start3A_328 : memref<128xi32, #tpu.memory_space<vmem>>) semaphore(%arg11 : memref<!tpu.dma_semaphore, #tpu.memory_space<semaphore_mem>>) {add = true}
      %dma_start3A_332 = arith.constant 17 : i32
      %dma_start3A_333 = tpu.memref_slice %arg8[%dma_start3A_332, %mul3A_219] : memref<20x512xi32, #tpu.memory_space<vmem>> -> memref<1x128xi32, #tpu.memory_space<vmem>>
      %dma_start3A_334 = tpu.memref_squeeze %dma_start3A_333 : memref<1x128xi32, #tpu.memory_space<vmem>> -> memref<128xi32, #tpu.memory_space<vmem>>
      %dma_start3A_335 = arith.constant 0 : i32
      %dma_start3A_336 = arith.constant 0 : i32
      %dma_start3A_337 = tpu.memref_slice %arg2[%dma_start3A_335, %dma_start3A_336] : memref<1048576x32xf32, #tpu.memory_space<hbm>> -> memref<1048576x32xf32, #tpu.memory_space<hbm>>
      tpu.enqueue_indirect_dma source(%dma_start3A_337 : memref<1048576x32xf32, #tpu.memory_space<hbm>>) target(%arg10 : memref<128x32xf32, #tpu.memory_space<vmem>>) offsets(%dma_start3A_334 : memref<128xi32, #tpu.memory_space<vmem>>) semaphore(%arg11 : memref<!tpu.dma_semaphore, #tpu.memory_space<semaphore_mem>>) {add = true}
      %dma_start3A_338 = arith.constant 18 : i32
      %dma_start3A_339 = tpu.memref_slice %arg8[%dma_start3A_338, %mul3A_219] : memref<20x512xi32, #tpu.memory_space<vmem>> -> memref<1x128xi32, #tpu.memory_space<vmem>>
      %dma_start3A_340 = tpu.memref_squeeze %dma_start3A_339 : memref<1x128xi32, #tpu.memory_space<vmem>> -> memref<128xi32, #tpu.memory_space<vmem>>
      %dma_start3A_341 = arith.constant 0 : i32
      %dma_start3A_342 = arith.constant 0 : i32
      %dma_start3A_343 = tpu.memref_slice %arg2[%dma_start3A_341, %dma_start3A_342] : memref<1048576x32xf32, #tpu.memory_space<hbm>> -> memref<1048576x32xf32, #tpu.memory_space<hbm>>
      tpu.enqueue_indirect_dma source(%dma_start3A_343 : memref<1048576x32xf32, #tpu.memory_space<hbm>>) target(%arg10 : memref<128x32xf32, #tpu.memory_space<vmem>>) offsets(%dma_start3A_340 : memref<128xi32, #tpu.memory_space<vmem>>) semaphore(%arg11 : memref<!tpu.dma_semaphore, #tpu.memory_space<semaphore_mem>>) {add = true}
      %dma_start3A_344 = arith.constant 19 : i32
      %dma_start3A_345 = tpu.memref_slice %arg8[%dma_start3A_344, %mul3A_219] : memref<20x512xi32, #tpu.memory_space<vmem>> -> memref<1x128xi32, #tpu.memory_space<vmem>>
      %dma_start3A_346 = tpu.memref_squeeze %dma_start3A_345 : memref<1x128xi32, #tpu.memory_space<vmem>> -> memref<128xi32, #tpu.memory_space<vmem>>
      %dma_start3A_347 = arith.constant 0 : i32
      %dma_start3A_348 = arith.constant 0 : i32
      %dma_start3A_349 = tpu.memref_slice %arg2[%dma_start3A_347, %dma_start3A_348] : memref<1048576x32xf32, #tpu.memory_space<hbm>> -> memref<1048576x32xf32, #tpu.memory_space<hbm>>
      tpu.enqueue_indirect_dma source(%dma_start3A_349 : memref<1048576x32xf32, #tpu.memory_space<hbm>>) target(%arg10 : memref<128x32xf32, #tpu.memory_space<vmem>>) offsets(%dma_start3A_346 : memref<128xi32, #tpu.memory_space<vmem>>) semaphore(%arg11 : memref<!tpu.dma_semaphore, #tpu.memory_space<semaphore_mem>>) {add = true}
      %dma_wait3A = tpu.memref_slice %arg7[%mul3A_219] : memref<512xi32, #tpu.memory_space<vmem>> -> memref<128xi32, #tpu.memory_space<vmem>>
      %dma_wait3A_350 = arith.constant 0 : i32
      %dma_wait3A_351 = arith.constant 0 : i32
      %dma_wait3A_352 = tpu.memref_slice %arg2[%dma_wait3A_350, %dma_wait3A_351] : memref<1048576x32xf32, #tpu.memory_space<hbm>> -> memref<1048576x32xf32, #tpu.memory_space<hbm>>
      tpu.wait_indirect_dma semaphore(%arg11 : memref<!tpu.dma_semaphore, #tpu.memory_space<semaphore_mem>>) src(%dma_wait3A_352 : memref<1048576x32xf32, #tpu.memory_space<hbm>>) dst(%arg9 : memref<128x32xf32, #tpu.memory_space<vmem>>)
      %dma_wait3A_353 = arith.constant 0 : i32
      %dma_wait3A_354 = tpu.memref_slice %arg8[%dma_wait3A_353, %mul3A_219] : memref<20x512xi32, #tpu.memory_space<vmem>> -> memref<1x128xi32, #tpu.memory_space<vmem>>
      %dma_wait3A_355 = tpu.memref_squeeze %dma_wait3A_354 : memref<1x128xi32, #tpu.memory_space<vmem>> -> memref<128xi32, #tpu.memory_space<vmem>>
      %dma_wait3A_356 = arith.constant 0 : i32
      %dma_wait3A_357 = arith.constant 0 : i32
      %dma_wait3A_358 = tpu.memref_slice %arg2[%dma_wait3A_356, %dma_wait3A_357] : memref<1048576x32xf32, #tpu.memory_space<hbm>> -> memref<1048576x32xf32, #tpu.memory_space<hbm>>
      tpu.wait_indirect_dma semaphore(%arg11 : memref<!tpu.dma_semaphore, #tpu.memory_space<semaphore_mem>>) src(%dma_wait3A_358 : memref<1048576x32xf32, #tpu.memory_space<hbm>>) dst(%arg10 : memref<128x32xf32, #tpu.memory_space<vmem>>)
      %dma_wait3A_359 = arith.constant 1 : i32
      %dma_wait3A_360 = tpu.memref_slice %arg8[%dma_wait3A_359, %mul3A_219] : memref<20x512xi32, #tpu.memory_space<vmem>> -> memref<1x128xi32, #tpu.memory_space<vmem>>
      %dma_wait3A_361 = tpu.memref_squeeze %dma_wait3A_360 : memref<1x128xi32, #tpu.memory_space<vmem>> -> memref<128xi32, #tpu.memory_space<vmem>>
      %dma_wait3A_362 = arith.constant 0 : i32
      %dma_wait3A_363 = arith.constant 0 : i32
      %dma_wait3A_364 = tpu.memref_slice %arg2[%dma_wait3A_362, %dma_wait3A_363] : memref<1048576x32xf32, #tpu.memory_space<hbm>> -> memref<1048576x32xf32, #tpu.memory_space<hbm>>
      tpu.wait_indirect_dma semaphore(%arg11 : memref<!tpu.dma_semaphore, #tpu.memory_space<semaphore_mem>>) src(%dma_wait3A_364 : memref<1048576x32xf32, #tpu.memory_space<hbm>>) dst(%arg10 : memref<128x32xf32, #tpu.memory_space<vmem>>)
      %dma_wait3A_365 = arith.constant 2 : i32
      %dma_wait3A_366 = tpu.memref_slice %arg8[%dma_wait3A_365, %mul3A_219] : memref<20x512xi32, #tpu.memory_space<vmem>> -> memref<1x128xi32, #tpu.memory_space<vmem>>
      %dma_wait3A_367 = tpu.memref_squeeze %dma_wait3A_366 : memref<1x128xi32, #tpu.memory_space<vmem>> -> memref<128xi32, #tpu.memory_space<vmem>>
      %dma_wait3A_368 = arith.constant 0 : i32
      %dma_wait3A_369 = arith.constant 0 : i32
      %dma_wait3A_370 = tpu.memref_slice %arg2[%dma_wait3A_368, %dma_wait3A_369] : memref<1048576x32xf32, #tpu.memory_space<hbm>> -> memref<1048576x32xf32, #tpu.memory_space<hbm>>
      tpu.wait_indirect_dma semaphore(%arg11 : memref<!tpu.dma_semaphore, #tpu.memory_space<semaphore_mem>>) src(%dma_wait3A_370 : memref<1048576x32xf32, #tpu.memory_space<hbm>>) dst(%arg10 : memref<128x32xf32, #tpu.memory_space<vmem>>)
      %dma_wait3A_371 = arith.constant 3 : i32
      %dma_wait3A_372 = tpu.memref_slice %arg8[%dma_wait3A_371, %mul3A_219] : memref<20x512xi32, #tpu.memory_space<vmem>> -> memref<1x128xi32, #tpu.memory_space<vmem>>
      %dma_wait3A_373 = tpu.memref_squeeze %dma_wait3A_372 : memref<1x128xi32, #tpu.memory_space<vmem>> -> memref<128xi32, #tpu.memory_space<vmem>>
      %dma_wait3A_374 = arith.constant 0 : i32
      %dma_wait3A_375 = arith.constant 0 : i32
      %dma_wait3A_376 = tpu.memref_slice %arg2[%dma_wait3A_374, %dma_wait3A_375] : memref<1048576x32xf32, #tpu.memory_space<hbm>> -> memref<1048576x32xf32, #tpu.memory_space<hbm>>
      tpu.wait_indirect_dma semaphore(%arg11 : memref<!tpu.dma_semaphore, #tpu.memory_space<semaphore_mem>>) src(%dma_wait3A_376 : memref<1048576x32xf32, #tpu.memory_space<hbm>>) dst(%arg10 : memref<128x32xf32, #tpu.memory_space<vmem>>)
      %dma_wait3A_377 = arith.constant 4 : i32
      %dma_wait3A_378 = tpu.memref_slice %arg8[%dma_wait3A_377, %mul3A_219] : memref<20x512xi32, #tpu.memory_space<vmem>> -> memref<1x128xi32, #tpu.memory_space<vmem>>
      %dma_wait3A_379 = tpu.memref_squeeze %dma_wait3A_378 : memref<1x128xi32, #tpu.memory_space<vmem>> -> memref<128xi32, #tpu.memory_space<vmem>>
      %dma_wait3A_380 = arith.constant 0 : i32
      %dma_wait3A_381 = arith.constant 0 : i32
      %dma_wait3A_382 = tpu.memref_slice %arg2[%dma_wait3A_380, %dma_wait3A_381] : memref<1048576x32xf32, #tpu.memory_space<hbm>> -> memref<1048576x32xf32, #tpu.memory_space<hbm>>
      tpu.wait_indirect_dma semaphore(%arg11 : memref<!tpu.dma_semaphore, #tpu.memory_space<semaphore_mem>>) src(%dma_wait3A_382 : memref<1048576x32xf32, #tpu.memory_space<hbm>>) dst(%arg10 : memref<128x32xf32, #tpu.memory_space<vmem>>)
      %dma_wait3A_383 = arith.constant 5 : i32
      %dma_wait3A_384 = tpu.memref_slice %arg8[%dma_wait3A_383, %mul3A_219] : memref<20x512xi32, #tpu.memory_space<vmem>> -> memref<1x128xi32, #tpu.memory_space<vmem>>
      %dma_wait3A_385 = tpu.memref_squeeze %dma_wait3A_384 : memref<1x128xi32, #tpu.memory_space<vmem>> -> memref<128xi32, #tpu.memory_space<vmem>>
      %dma_wait3A_386 = arith.constant 0 : i32
      %dma_wait3A_387 = arith.constant 0 : i32
      %dma_wait3A_388 = tpu.memref_slice %arg2[%dma_wait3A_386, %dma_wait3A_387] : memref<1048576x32xf32, #tpu.memory_space<hbm>> -> memref<1048576x32xf32, #tpu.memory_space<hbm>>
      tpu.wait_indirect_dma semaphore(%arg11 : memref<!tpu.dma_semaphore, #tpu.memory_space<semaphore_mem>>) src(%dma_wait3A_388 : memref<1048576x32xf32, #tpu.memory_space<hbm>>) dst(%arg10 : memref<128x32xf32, #tpu.memory_space<vmem>>)
      %dma_wait3A_389 = arith.constant 6 : i32
      %dma_wait3A_390 = tpu.memref_slice %arg8[%dma_wait3A_389, %mul3A_219] : memref<20x512xi32, #tpu.memory_space<vmem>> -> memref<1x128xi32, #tpu.memory_space<vmem>>
      %dma_wait3A_391 = tpu.memref_squeeze %dma_wait3A_390 : memref<1x128xi32, #tpu.memory_space<vmem>> -> memref<128xi32, #tpu.memory_space<vmem>>
      %dma_wait3A_392 = arith.constant 0 : i32
      %dma_wait3A_393 = arith.constant 0 : i32
      %dma_wait3A_394 = tpu.memref_slice %arg2[%dma_wait3A_392, %dma_wait3A_393] : memref<1048576x32xf32, #tpu.memory_space<hbm>> -> memref<1048576x32xf32, #tpu.memory_space<hbm>>
      tpu.wait_indirect_dma semaphore(%arg11 : memref<!tpu.dma_semaphore, #tpu.memory_space<semaphore_mem>>) src(%dma_wait3A_394 : memref<1048576x32xf32, #tpu.memory_space<hbm>>) dst(%arg10 : memref<128x32xf32, #tpu.memory_space<vmem>>)
      %dma_wait3A_395 = arith.constant 7 : i32
      %dma_wait3A_396 = tpu.memref_slice %arg8[%dma_wait3A_395, %mul3A_219] : memref<20x512xi32, #tpu.memory_space<vmem>> -> memref<1x128xi32, #tpu.memory_space<vmem>>
      %dma_wait3A_397 = tpu.memref_squeeze %dma_wait3A_396 : memref<1x128xi32, #tpu.memory_space<vmem>> -> memref<128xi32, #tpu.memory_space<vmem>>
      %dma_wait3A_398 = arith.constant 0 : i32
      %dma_wait3A_399 = arith.constant 0 : i32
      %dma_wait3A_400 = tpu.memref_slice %arg2[%dma_wait3A_398, %dma_wait3A_399] : memref<1048576x32xf32, #tpu.memory_space<hbm>> -> memref<1048576x32xf32, #tpu.memory_space<hbm>>
      tpu.wait_indirect_dma semaphore(%arg11 : memref<!tpu.dma_semaphore, #tpu.memory_space<semaphore_mem>>) src(%dma_wait3A_400 : memref<1048576x32xf32, #tpu.memory_space<hbm>>) dst(%arg10 : memref<128x32xf32, #tpu.memory_space<vmem>>)
      %dma_wait3A_401 = arith.constant 8 : i32
      %dma_wait3A_402 = tpu.memref_slice %arg8[%dma_wait3A_401, %mul3A_219] : memref<20x512xi32, #tpu.memory_space<vmem>> -> memref<1x128xi32, #tpu.memory_space<vmem>>
      %dma_wait3A_403 = tpu.memref_squeeze %dma_wait3A_402 : memref<1x128xi32, #tpu.memory_space<vmem>> -> memref<128xi32, #tpu.memory_space<vmem>>
      %dma_wait3A_404 = arith.constant 0 : i32
      %dma_wait3A_405 = arith.constant 0 : i32
      %dma_wait3A_406 = tpu.memref_slice %arg2[%dma_wait3A_404, %dma_wait3A_405] : memref<1048576x32xf32, #tpu.memory_space<hbm>> -> memref<1048576x32xf32, #tpu.memory_space<hbm>>
      tpu.wait_indirect_dma semaphore(%arg11 : memref<!tpu.dma_semaphore, #tpu.memory_space<semaphore_mem>>) src(%dma_wait3A_406 : memref<1048576x32xf32, #tpu.memory_space<hbm>>) dst(%arg10 : memref<128x32xf32, #tpu.memory_space<vmem>>)
      %dma_wait3A_407 = arith.constant 9 : i32
      %dma_wait3A_408 = tpu.memref_slice %arg8[%dma_wait3A_407, %mul3A_219] : memref<20x512xi32, #tpu.memory_space<vmem>> -> memref<1x128xi32, #tpu.memory_space<vmem>>
      %dma_wait3A_409 = tpu.memref_squeeze %dma_wait3A_408 : memref<1x128xi32, #tpu.memory_space<vmem>> -> memref<128xi32, #tpu.memory_space<vmem>>
      %dma_wait3A_410 = arith.constant 0 : i32
      %dma_wait3A_411 = arith.constant 0 : i32
      %dma_wait3A_412 = tpu.memref_slice %arg2[%dma_wait3A_410, %dma_wait3A_411] : memref<1048576x32xf32, #tpu.memory_space<hbm>> -> memref<1048576x32xf32, #tpu.memory_space<hbm>>
      tpu.wait_indirect_dma semaphore(%arg11 : memref<!tpu.dma_semaphore, #tpu.memory_space<semaphore_mem>>) src(%dma_wait3A_412 : memref<1048576x32xf32, #tpu.memory_space<hbm>>) dst(%arg10 : memref<128x32xf32, #tpu.memory_space<vmem>>)
      %dma_wait3A_413 = arith.constant 10 : i32
      %dma_wait3A_414 = tpu.memref_slice %arg8[%dma_wait3A_413, %mul3A_219] : memref<20x512xi32, #tpu.memory_space<vmem>> -> memref<1x128xi32, #tpu.memory_space<vmem>>
      %dma_wait3A_415 = tpu.memref_squeeze %dma_wait3A_414 : memref<1x128xi32, #tpu.memory_space<vmem>> -> memref<128xi32, #tpu.memory_space<vmem>>
      %dma_wait3A_416 = arith.constant 0 : i32
      %dma_wait3A_417 = arith.constant 0 : i32
      %dma_wait3A_418 = tpu.memref_slice %arg2[%dma_wait3A_416, %dma_wait3A_417] : memref<1048576x32xf32, #tpu.memory_space<hbm>> -> memref<1048576x32xf32, #tpu.memory_space<hbm>>
      tpu.wait_indirect_dma semaphore(%arg11 : memref<!tpu.dma_semaphore, #tpu.memory_space<semaphore_mem>>) src(%dma_wait3A_418 : memref<1048576x32xf32, #tpu.memory_space<hbm>>) dst(%arg10 : memref<128x32xf32, #tpu.memory_space<vmem>>)
      %dma_wait3A_419 = arith.constant 11 : i32
      %dma_wait3A_420 = tpu.memref_slice %arg8[%dma_wait3A_419, %mul3A_219] : memref<20x512xi32, #tpu.memory_space<vmem>> -> memref<1x128xi32, #tpu.memory_space<vmem>>
      %dma_wait3A_421 = tpu.memref_squeeze %dma_wait3A_420 : memref<1x128xi32, #tpu.memory_space<vmem>> -> memref<128xi32, #tpu.memory_space<vmem>>
      %dma_wait3A_422 = arith.constant 0 : i32
      %dma_wait3A_423 = arith.constant 0 : i32
      %dma_wait3A_424 = tpu.memref_slice %arg2[%dma_wait3A_422, %dma_wait3A_423] : memref<1048576x32xf32, #tpu.memory_space<hbm>> -> memref<1048576x32xf32, #tpu.memory_space<hbm>>
      tpu.wait_indirect_dma semaphore(%arg11 : memref<!tpu.dma_semaphore, #tpu.memory_space<semaphore_mem>>) src(%dma_wait3A_424 : memref<1048576x32xf32, #tpu.memory_space<hbm>>) dst(%arg10 : memref<128x32xf32, #tpu.memory_space<vmem>>)
      %dma_wait3A_425 = arith.constant 12 : i32
      %dma_wait3A_426 = tpu.memref_slice %arg8[%dma_wait3A_425, %mul3A_219] : memref<20x512xi32, #tpu.memory_space<vmem>> -> memref<1x128xi32, #tpu.memory_space<vmem>>
      %dma_wait3A_427 = tpu.memref_squeeze %dma_wait3A_426 : memref<1x128xi32, #tpu.memory_space<vmem>> -> memref<128xi32, #tpu.memory_space<vmem>>
      %dma_wait3A_428 = arith.constant 0 : i32
      %dma_wait3A_429 = arith.constant 0 : i32
      %dma_wait3A_430 = tpu.memref_slice %arg2[%dma_wait3A_428, %dma_wait3A_429] : memref<1048576x32xf32, #tpu.memory_space<hbm>> -> memref<1048576x32xf32, #tpu.memory_space<hbm>>
      tpu.wait_indirect_dma semaphore(%arg11 : memref<!tpu.dma_semaphore, #tpu.memory_space<semaphore_mem>>) src(%dma_wait3A_430 : memref<1048576x32xf32, #tpu.memory_space<hbm>>) dst(%arg10 : memref<128x32xf32, #tpu.memory_space<vmem>>)
      %dma_wait3A_431 = arith.constant 13 : i32
      %dma_wait3A_432 = tpu.memref_slice %arg8[%dma_wait3A_431, %mul3A_219] : memref<20x512xi32, #tpu.memory_space<vmem>> -> memref<1x128xi32, #tpu.memory_space<vmem>>
      %dma_wait3A_433 = tpu.memref_squeeze %dma_wait3A_432 : memref<1x128xi32, #tpu.memory_space<vmem>> -> memref<128xi32, #tpu.memory_space<vmem>>
      %dma_wait3A_434 = arith.constant 0 : i32
      %dma_wait3A_435 = arith.constant 0 : i32
      %dma_wait3A_436 = tpu.memref_slice %arg2[%dma_wait3A_434, %dma_wait3A_435] : memref<1048576x32xf32, #tpu.memory_space<hbm>> -> memref<1048576x32xf32, #tpu.memory_space<hbm>>
      tpu.wait_indirect_dma semaphore(%arg11 : memref<!tpu.dma_semaphore, #tpu.memory_space<semaphore_mem>>) src(%dma_wait3A_436 : memref<1048576x32xf32, #tpu.memory_space<hbm>>) dst(%arg10 : memref<128x32xf32, #tpu.memory_space<vmem>>)
      %dma_wait3A_437 = arith.constant 14 : i32
      %dma_wait3A_438 = tpu.memref_slice %arg8[%dma_wait3A_437, %mul3A_219] : memref<20x512xi32, #tpu.memory_space<vmem>> -> memref<1x128xi32, #tpu.memory_space<vmem>>
      %dma_wait3A_439 = tpu.memref_squeeze %dma_wait3A_438 : memref<1x128xi32, #tpu.memory_space<vmem>> -> memref<128xi32, #tpu.memory_space<vmem>>
      %dma_wait3A_440 = arith.constant 0 : i32
      %dma_wait3A_441 = arith.constant 0 : i32
      %dma_wait3A_442 = tpu.memref_slice %arg2[%dma_wait3A_440, %dma_wait3A_441] : memref<1048576x32xf32, #tpu.memory_space<hbm>> -> memref<1048576x32xf32, #tpu.memory_space<hbm>>
      tpu.wait_indirect_dma semaphore(%arg11 : memref<!tpu.dma_semaphore, #tpu.memory_space<semaphore_mem>>) src(%dma_wait3A_442 : memref<1048576x32xf32, #tpu.memory_space<hbm>>) dst(%arg10 : memref<128x32xf32, #tpu.memory_space<vmem>>)
      %dma_wait3A_443 = arith.constant 15 : i32
      %dma_wait3A_444 = tpu.memref_slice %arg8[%dma_wait3A_443, %mul3A_219] : memref<20x512xi32, #tpu.memory_space<vmem>> -> memref<1x128xi32, #tpu.memory_space<vmem>>
      %dma_wait3A_445 = tpu.memref_squeeze %dma_wait3A_444 : memref<1x128xi32, #tpu.memory_space<vmem>> -> memref<128xi32, #tpu.memory_space<vmem>>
      %dma_wait3A_446 = arith.constant 0 : i32
      %dma_wait3A_447 = arith.constant 0 : i32
      %dma_wait3A_448 = tpu.memref_slice %arg2[%dma_wait3A_446, %dma_wait3A_447] : memref<1048576x32xf32, #tpu.memory_space<hbm>> -> memref<1048576x32xf32, #tpu.memory_space<hbm>>
      tpu.wait_indirect_dma semaphore(%arg11 : memref<!tpu.dma_semaphore, #tpu.memory_space<semaphore_mem>>) src(%dma_wait3A_448 : memref<1048576x32xf32, #tpu.memory_space<hbm>>) dst(%arg10 : memref<128x32xf32, #tpu.memory_space<vmem>>)
      %dma_wait3A_449 = arith.constant 16 : i32
      %dma_wait3A_450 = tpu.memref_slice %arg8[%dma_wait3A_449, %mul3A_219] : memref<20x512xi32, #tpu.memory_space<vmem>> -> memref<1x128xi32, #tpu.memory_space<vmem>>
      %dma_wait3A_451 = tpu.memref_squeeze %dma_wait3A_450 : memref<1x128xi32, #tpu.memory_space<vmem>> -> memref<128xi32, #tpu.memory_space<vmem>>
      %dma_wait3A_452 = arith.constant 0 : i32
      %dma_wait3A_453 = arith.constant 0 : i32
      %dma_wait3A_454 = tpu.memref_slice %arg2[%dma_wait3A_452, %dma_wait3A_453] : memref<1048576x32xf32, #tpu.memory_space<hbm>> -> memref<1048576x32xf32, #tpu.memory_space<hbm>>
      tpu.wait_indirect_dma semaphore(%arg11 : memref<!tpu.dma_semaphore, #tpu.memory_space<semaphore_mem>>) src(%dma_wait3A_454 : memref<1048576x32xf32, #tpu.memory_space<hbm>>) dst(%arg10 : memref<128x32xf32, #tpu.memory_space<vmem>>)
      %dma_wait3A_455 = arith.constant 17 : i32
      %dma_wait3A_456 = tpu.memref_slice %arg8[%dma_wait3A_455, %mul3A_219] : memref<20x512xi32, #tpu.memory_space<vmem>> -> memref<1x128xi32, #tpu.memory_space<vmem>>
      %dma_wait3A_457 = tpu.memref_squeeze %dma_wait3A_456 : memref<1x128xi32, #tpu.memory_space<vmem>> -> memref<128xi32, #tpu.memory_space<vmem>>
      %dma_wait3A_458 = arith.constant 0 : i32
      %dma_wait3A_459 = arith.constant 0 : i32
      %dma_wait3A_460 = tpu.memref_slice %arg2[%dma_wait3A_458, %dma_wait3A_459] : memref<1048576x32xf32, #tpu.memory_space<hbm>> -> memref<1048576x32xf32, #tpu.memory_space<hbm>>
      tpu.wait_indirect_dma semaphore(%arg11 : memref<!tpu.dma_semaphore, #tpu.memory_space<semaphore_mem>>) src(%dma_wait3A_460 : memref<1048576x32xf32, #tpu.memory_space<hbm>>) dst(%arg10 : memref<128x32xf32, #tpu.memory_space<vmem>>)
      %dma_wait3A_461 = arith.constant 18 : i32
      %dma_wait3A_462 = tpu.memref_slice %arg8[%dma_wait3A_461, %mul3A_219] : memref<20x512xi32, #tpu.memory_space<vmem>> -> memref<1x128xi32, #tpu.memory_space<vmem>>
      %dma_wait3A_463 = tpu.memref_squeeze %dma_wait3A_462 : memref<1x128xi32, #tpu.memory_space<vmem>> -> memref<128xi32, #tpu.memory_space<vmem>>
      %dma_wait3A_464 = arith.constant 0 : i32
      %dma_wait3A_465 = arith.constant 0 : i32
      %dma_wait3A_466 = tpu.memref_slice %arg2[%dma_wait3A_464, %dma_wait3A_465] : memref<1048576x32xf32, #tpu.memory_space<hbm>> -> memref<1048576x32xf32, #tpu.memory_space<hbm>>
      tpu.wait_indirect_dma semaphore(%arg11 : memref<!tpu.dma_semaphore, #tpu.memory_space<semaphore_mem>>) src(%dma_wait3A_466 : memref<1048576x32xf32, #tpu.memory_space<hbm>>) dst(%arg10 : memref<128x32xf32, #tpu.memory_space<vmem>>)
      %dma_wait3A_467 = arith.constant 19 : i32
      %dma_wait3A_468 = tpu.memref_slice %arg8[%dma_wait3A_467, %mul3A_219] : memref<20x512xi32, #tpu.memory_space<vmem>> -> memref<1x128xi32, #tpu.memory_space<vmem>>
      %dma_wait3A_469 = tpu.memref_squeeze %dma_wait3A_468 : memref<1x128xi32, #tpu.memory_space<vmem>> -> memref<128xi32, #tpu.memory_space<vmem>>
      %dma_wait3A_470 = arith.constant 0 : i32
      %dma_wait3A_471 = arith.constant 0 : i32
      %dma_wait3A_472 = tpu.memref_slice %arg2[%dma_wait3A_470, %dma_wait3A_471] : memref<1048576x32xf32, #tpu.memory_space<hbm>> -> memref<1048576x32xf32, #tpu.memory_space<hbm>>
      tpu.wait_indirect_dma semaphore(%arg11 : memref<!tpu.dma_semaphore, #tpu.memory_space<semaphore_mem>>) src(%dma_wait3A_472 : memref<1048576x32xf32, #tpu.memory_space<hbm>>) dst(%arg10 : memref<128x32xf32, #tpu.memory_space<vmem>>)
      %add3A_473 = arith.addi %mul3A_2, %mul3A_219 : i32
      "tpu.region"() ({
        %run_scoped3A_476 = tpu.sem_alloc : memref<!tpu.dma_semaphore, #tpu.memory_space<semaphore_mem>>
        %dma_start3A_477 = arith.constant 0 : i32
        %dma_start3A_478 = tpu.memref_slice %arg5[%add3A_473, %dma_start3A_477] : memref<16384x32xf32, #tpu.memory_space<hbm>> -> memref<128x32xf32, #tpu.memory_space<hbm>>
        %dma_start3A_479 = arith.constant 0 : i32
        %dma_start3A_480 = tpu.memref_slice %arg5[%add3A_473, %dma_start3A_479] : memref<16384x32xf32, #tpu.memory_space<hbm>> -> memref<128x32xf32, #tpu.memory_space<hbm>>
        tpu.enqueue_dma source(%arg9 : memref<128x32xf32, #tpu.memory_space<vmem>>) target(%dma_start3A_480 : memref<128x32xf32, #tpu.memory_space<hbm>>) target_semaphore(%run_scoped3A_476 : memref<!tpu.dma_semaphore, #tpu.memory_space<semaphore_mem>>)
        %dma_wait3A_481 = arith.constant 0 : i32
        %dma_wait3A_482 = tpu.memref_slice %arg5[%add3A_473, %dma_wait3A_481] : memref<16384x32xf32, #tpu.memory_space<hbm>> -> memref<128x32xf32, #tpu.memory_space<hbm>>
        %dma_wait3A_483 = arith.constant 0 : i32
        %dma_wait3A_484 = tpu.memref_slice %arg5[%add3A_473, %dma_wait3A_483] : memref<16384x32xf32, #tpu.memory_space<hbm>> -> memref<128x32xf32, #tpu.memory_space<hbm>>
        tpu.wait_dma2 semaphore(%run_scoped3A_476 : memref<!tpu.dma_semaphore, #tpu.memory_space<semaphore_mem>>) src(%arg9 : memref<128x32xf32, #tpu.memory_space<vmem>>) dst(%dma_wait3A_484 : memref<128x32xf32, #tpu.memory_space<hbm>>)
        tpu.yield
      }) : () -> ()
      %add3A_474 = arith.addi %mul3A_2, %mul3A_219 : i32
      "tpu.region"() ({
        %run_scoped3A_476 = tpu.sem_alloc : memref<!tpu.dma_semaphore, #tpu.memory_space<semaphore_mem>>
        %dma_start3A_477 = arith.constant 0 : i32
        %dma_start3A_478 = tpu.memref_slice %arg6[%add3A_474, %dma_start3A_477] : memref<16384x32xf32, #tpu.memory_space<hbm>> -> memref<128x32xf32, #tpu.memory_space<hbm>>
        %dma_start3A_479 = arith.constant 0 : i32
        %dma_start3A_480 = tpu.memref_slice %arg6[%add3A_474, %dma_start3A_479] : memref<16384x32xf32, #tpu.memory_space<hbm>> -> memref<128x32xf32, #tpu.memory_space<hbm>>
        tpu.enqueue_dma source(%arg10 : memref<128x32xf32, #tpu.memory_space<vmem>>) target(%dma_start3A_480 : memref<128x32xf32, #tpu.memory_space<hbm>>) target_semaphore(%run_scoped3A_476 : memref<!tpu.dma_semaphore, #tpu.memory_space<semaphore_mem>>)
        %dma_wait3A_481 = arith.constant 0 : i32
        %dma_wait3A_482 = tpu.memref_slice %arg6[%add3A_474, %dma_wait3A_481] : memref<16384x32xf32, #tpu.memory_space<hbm>> -> memref<128x32xf32, #tpu.memory_space<hbm>>
        %dma_wait3A_483 = arith.constant 0 : i32
        %dma_wait3A_484 = tpu.memref_slice %arg6[%add3A_474, %dma_wait3A_483] : memref<16384x32xf32, #tpu.memory_space<hbm>> -> memref<128x32xf32, #tpu.memory_space<hbm>>
        tpu.wait_dma2 semaphore(%run_scoped3A_476 : memref<!tpu.dma_semaphore, #tpu.memory_space<semaphore_mem>>) src(%arg10 : memref<128x32xf32, #tpu.memory_space<vmem>>) dst(%dma_wait3A_484 : memref<128x32xf32, #tpu.memory_space<hbm>>)
        tpu.yield
      }) : () -> ()
      %scan3A_475 = arith.constant 0 : i32
      scf.yield %scan3A_475 : i32
    }
    %scan3A_215 = arith.constant 4 : i32
    return
  }
}

#map = affine_map<(d0, d1) -> (0, 0)>
#map1 = affine_map<(d0, d1) -> (0)>
module attributes {stable_mosaic.version = 14 : i64} {
  func.func @sc_dots(%arg0: i32, %arg1: i32, %arg2: memref<1048576x32xf32, #tpu.memory_space<hbm>>, %arg3: memref<16384xi32, #tpu.memory_space<hbm>>, %arg4: memref<16384x32xf32, #tpu.memory_space<hbm>>, %arg5: memref<16384x32xf32, #tpu.memory_space<hbm>>, %arg6: memref<16384xf32, #tpu.memory_space<hbm>>, %arg7: memref<16384xf32, #tpu.memory_space<hbm>>, %arg8: memref<512xi32, #tpu.memory_space<vmem>>, %arg9: memref<128x32xf32, #tpu.memory_space<vmem>>, %arg10: memref<128x32xf32, #tpu.memory_space<vmem>>, %arg11: memref<128x32xf32, #tpu.memory_space<vmem>>, %arg12: memref<512xf32, #tpu.memory_space<vmem>>, %arg13: memref<512xf32, #tpu.memory_space<vmem>>, %arg14: memref<!tpu.dma_semaphore, #tpu.memory_space<semaphore_mem>>) attributes {dimension_semantics = [#tpu.dimension_semantics<core_parallel>, #tpu.dimension_semantics<subcore_parallel>], iteration_bounds = array<i64: 2, 16>, scalar_prefetch = 0 : i64, scratch_operands = 7 : i64, tpu.core_type = #tpu.core_type<sc_vector_subcore>, window_params = [{transform_indices = #map}, {transform_indices = #map1}, {transform_indices = #map}, {transform_indices = #map}, {transform_indices = #map1}, {transform_indices = #map1}]} {
    %mul3A = arith.constant 2 : i32
    %mul3A_0 = arith.muli %arg1, %mul3A : i32
    %add3A = arith.addi %mul3A_0, %arg0 : i32
    %mul3A_1 = arith.constant 512 : i32
    %mul3A_2 = arith.muli %add3A, %mul3A_1 : i32
    "tpu.region"() ({
      %run_scoped3A = tpu.sem_alloc : memref<!tpu.dma_semaphore, #tpu.memory_space<semaphore_mem>>
      %dma_start3A = tpu.memref_slice %arg3[%mul3A_2] : memref<16384xi32, #tpu.memory_space<hbm>> -> memref<512xi32, #tpu.memory_space<hbm>>
      %dma_start3A_17 = tpu.memref_slice %arg3[%mul3A_2] : memref<16384xi32, #tpu.memory_space<hbm>> -> memref<512xi32, #tpu.memory_space<hbm>>
      tpu.enqueue_dma source(%dma_start3A_17 : memref<512xi32, #tpu.memory_space<hbm>>) target(%arg8 : memref<512xi32, #tpu.memory_space<vmem>>) target_semaphore(%run_scoped3A : memref<!tpu.dma_semaphore, #tpu.memory_space<semaphore_mem>>)
      %dma_wait3A = tpu.memref_slice %arg3[%mul3A_2] : memref<16384xi32, #tpu.memory_space<hbm>> -> memref<512xi32, #tpu.memory_space<hbm>>
      %dma_wait3A_18 = tpu.memref_slice %arg3[%mul3A_2] : memref<16384xi32, #tpu.memory_space<hbm>> -> memref<512xi32, #tpu.memory_space<hbm>>
      tpu.wait_dma2 semaphore(%run_scoped3A : memref<!tpu.dma_semaphore, #tpu.memory_space<semaphore_mem>>) src(%dma_wait3A_18 : memref<512xi32, #tpu.memory_space<hbm>>) dst(%arg8 : memref<512xi32, #tpu.memory_space<vmem>>)
      tpu.yield
    }) : () -> ()
    %scan3A = arith.constant 0 : i32
    %scan3A_3 = arith.constant 0 : i32
    %scan3A_4 = arith.constant 32 : i32
    %scan3A_5 = arith.addi %scan3A_3, %scan3A_4 : i32
    %scan3A_6 = arith.constant 1 : i32
    %scan3A_7 = scf.for %scan3A_17 = %scan3A_3 to %scan3A_5 step %scan3A_6 iter_args(%scan3A_18 = %scan3A) -> (i32)  : i32 {
      %mul3A_19 = arith.constant 16 : i32
      %mul3A_20 = arith.muli %scan3A_17, %mul3A_19 : i32
      %get3A = arith.index_cast %mul3A_20 : i32 to index
      %get3A_21 = tpu.vector_load %arg8[%get3A] {strides = array<i32>} : memref<512xi32, #tpu.memory_space<vmem>>, vector<16xi32>,
      %ge3A = arith.constant 262144 : i32
      %ge3A_22 = vector.broadcast %ge3A : i32 to vector<16xi32>
      %ge3A_23 = arith.cmpi sge, %get3A_21, %ge3A_22 : vector<16xi32>
      %convert_element_type3A = arith.extui %ge3A_23 : vector<16xi1> to vector<16xi32>
      %ge3A_24 = arith.constant 524288 : i32
      %ge3A_25 = vector.broadcast %ge3A_24 : i32 to vector<16xi32>
      %ge3A_26 = arith.cmpi sge, %get3A_21, %ge3A_25 : vector<16xi32>
      %convert_element_type3A_27 = arith.extui %ge3A_26 : vector<16xi1> to vector<16xi32>
      %add3A_28 = arith.addi %convert_element_type3A, %convert_element_type3A_27 : vector<16xi32>
      %ge3A_29 = arith.constant 786432 : i32
      %ge3A_30 = vector.broadcast %ge3A_29 : i32 to vector<16xi32>
      %ge3A_31 = arith.cmpi sge, %get3A_21, %ge3A_30 : vector<16xi32>
      %convert_element_type3A_32 = arith.extui %ge3A_31 : vector<16xi1> to vector<16xi32>
      %add3A_33 = arith.addi %add3A_28, %convert_element_type3A_32 : vector<16xi32>
      %mul3A_34 = arith.constant 262144 : i32
      %mul3A_35 = vector.broadcast %mul3A_34 : i32 to vector<16xi32>
      %mul3A_36 = arith.muli %add3A_33, %mul3A_35 : vector<16xi32>
      %sub3A = arith.subi %get3A_21, %mul3A_36 : vector<16xi32>
      %mul3A_37 = arith.constant 4 : i32
      %mul3A_38 = vector.broadcast %mul3A_37 : i32 to vector<16xi32>
      %mul3A_39 = arith.muli %sub3A, %mul3A_38 : vector<16xi32>
      %add3A_40 = arith.addi %mul3A_39, %add3A_33 : vector<16xi32>
      %mul3A_41 = arith.constant 16 : i32
      %mul3A_42 = arith.muli %scan3A_17, %mul3A_41 : i32
      %swap3A = arith.index_cast %mul3A_42 : i32 to index
      %swap3A_43 = tpu.vector_load %arg8[%swap3A] {strides = array<i32>} : memref<512xi32, #tpu.memory_space<vmem>>, vector<16xi32>,
      tpu.vector_store %arg8[%swap3A], %add3A_40 {strides = array<i32>} : memref<512xi32, #tpu.memory_space<vmem>>, vector<16xi32>,
      %scan3A_44 = arith.constant 0 : i32
      scf.yield %scan3A_44 : i32
    }
    %scan3A_8 = arith.constant 32 : i32
    %iota3A = tpu.iota {dimensions = array<i32: 0>} : vector<16xi32>
    %broadcast_in_dim3A = arith.constant 0.000000e+00 : f32
    %broadcast_in_dim3A_9 = vector.broadcast %broadcast_in_dim3A : f32 to vector<16xf32>
    %scan3A_10 = arith.constant 0 : i32
    %scan3A_11 = arith.constant 0 : i32
    %scan3A_12 = arith.constant 4 : i32
    %scan3A_13 = arith.addi %scan3A_11, %scan3A_12 : i32
    %scan3A_14 = arith.constant 1 : i32
    %scan3A_15 = scf.for %scan3A_17 = %scan3A_11 to %scan3A_13 step %scan3A_14 iter_args(%scan3A_18 = %scan3A_10) -> (i32)  : i32 {
      %mul3A_19 = arith.constant 128 : i32
      %mul3A_20 = arith.muli %scan3A_17, %mul3A_19 : i32
      %dma_start3A = tpu.memref_slice %arg8[%mul3A_20] : memref<512xi32, #tpu.memory_space<vmem>> -> memref<128xi32, #tpu.memory_space<vmem>>
      %dma_start3A_21 = arith.constant 0 : i32
      %dma_start3A_22 = arith.constant 0 : i32
      %dma_start3A_23 = tpu.memref_slice %arg2[%dma_start3A_21, %dma_start3A_22] : memref<1048576x32xf32, #tpu.memory_space<hbm>> -> memref<1048576x32xf32, #tpu.memory_space<hbm>>
      tpu.enqueue_indirect_dma source(%dma_start3A_23 : memref<1048576x32xf32, #tpu.memory_space<hbm>>) target(%arg9 : memref<128x32xf32, #tpu.memory_space<vmem>>) offsets(%dma_start3A : memref<128xi32, #tpu.memory_space<vmem>>) semaphore(%arg14 : memref<!tpu.dma_semaphore, #tpu.memory_space<semaphore_mem>>)
      %add3A_24 = arith.addi %mul3A_2, %mul3A_20 : i32
      %dma_start3A_25 = arith.constant 0 : i32
      %dma_start3A_26 = tpu.memref_slice %arg4[%add3A_24, %dma_start3A_25] : memref<16384x32xf32, #tpu.memory_space<hbm>> -> memref<128x32xf32, #tpu.memory_space<hbm>>
      %dma_start3A_27 = arith.constant 0 : i32
      %dma_start3A_28 = tpu.memref_slice %arg4[%add3A_24, %dma_start3A_27] : memref<16384x32xf32, #tpu.memory_space<hbm>> -> memref<128x32xf32, #tpu.memory_space<hbm>>
      tpu.enqueue_dma source(%dma_start3A_28 : memref<128x32xf32, #tpu.memory_space<hbm>>) target(%arg10 : memref<128x32xf32, #tpu.memory_space<vmem>>) target_semaphore(%arg14 : memref<!tpu.dma_semaphore, #tpu.memory_space<semaphore_mem>>)
      %add3A_29 = arith.addi %mul3A_2, %mul3A_20 : i32
      %dma_start3A_30 = arith.constant 0 : i32
      %dma_start3A_31 = tpu.memref_slice %arg5[%add3A_29, %dma_start3A_30] : memref<16384x32xf32, #tpu.memory_space<hbm>> -> memref<128x32xf32, #tpu.memory_space<hbm>>
      %dma_start3A_32 = arith.constant 0 : i32
      %dma_start3A_33 = tpu.memref_slice %arg5[%add3A_29, %dma_start3A_32] : memref<16384x32xf32, #tpu.memory_space<hbm>> -> memref<128x32xf32, #tpu.memory_space<hbm>>
      tpu.enqueue_dma source(%dma_start3A_33 : memref<128x32xf32, #tpu.memory_space<hbm>>) target(%arg11 : memref<128x32xf32, #tpu.memory_space<vmem>>) target_semaphore(%arg14 : memref<!tpu.dma_semaphore, #tpu.memory_space<semaphore_mem>>)
      %dma_wait3A = tpu.memref_slice %arg8[%mul3A_20] : memref<512xi32, #tpu.memory_space<vmem>> -> memref<128xi32, #tpu.memory_space<vmem>>
      %dma_wait3A_34 = arith.constant 0 : i32
      %dma_wait3A_35 = arith.constant 0 : i32
      %dma_wait3A_36 = tpu.memref_slice %arg2[%dma_wait3A_34, %dma_wait3A_35] : memref<1048576x32xf32, #tpu.memory_space<hbm>> -> memref<1048576x32xf32, #tpu.memory_space<hbm>>
      tpu.wait_indirect_dma semaphore(%arg14 : memref<!tpu.dma_semaphore, #tpu.memory_space<semaphore_mem>>) src(%dma_wait3A_36 : memref<1048576x32xf32, #tpu.memory_space<hbm>>) dst(%arg9 : memref<128x32xf32, #tpu.memory_space<vmem>>)
      %dma_wait3A_37 = arith.constant 0 : i32
      %dma_wait3A_38 = tpu.memref_slice %arg4[%add3A_24, %dma_wait3A_37] : memref<16384x32xf32, #tpu.memory_space<hbm>> -> memref<128x32xf32, #tpu.memory_space<hbm>>
      %dma_wait3A_39 = arith.constant 0 : i32
      %dma_wait3A_40 = tpu.memref_slice %arg4[%add3A_24, %dma_wait3A_39] : memref<16384x32xf32, #tpu.memory_space<hbm>> -> memref<128x32xf32, #tpu.memory_space<hbm>>
      tpu.wait_dma2 semaphore(%arg14 : memref<!tpu.dma_semaphore, #tpu.memory_space<semaphore_mem>>) src(%dma_wait3A_40 : memref<128x32xf32, #tpu.memory_space<hbm>>) dst(%arg10 : memref<128x32xf32, #tpu.memory_space<vmem>>)
      %dma_wait3A_41 = arith.constant 0 : i32
      %dma_wait3A_42 = tpu.memref_slice %arg5[%add3A_29, %dma_wait3A_41] : memref<16384x32xf32, #tpu.memory_space<hbm>> -> memref<128x32xf32, #tpu.memory_space<hbm>>
      %dma_wait3A_43 = arith.constant 0 : i32
      %dma_wait3A_44 = tpu.memref_slice %arg5[%add3A_29, %dma_wait3A_43] : memref<16384x32xf32, #tpu.memory_space<hbm>> -> memref<128x32xf32, #tpu.memory_space<hbm>>
      tpu.wait_dma2 semaphore(%arg14 : memref<!tpu.dma_semaphore, #tpu.memory_space<semaphore_mem>>) src(%dma_wait3A_44 : memref<128x32xf32, #tpu.memory_space<hbm>>) dst(%arg11 : memref<128x32xf32, #tpu.memory_space<vmem>>)
      %add3A_45 = arith.constant 0 : i32
      %add3A_46 = vector.broadcast %add3A_45 : i32 to vector<16xi32>
      %add3A_47 = arith.addi %iota3A, %add3A_46 : vector<16xi32>
      %scan3A_48 = arith.constant 0 : i32
      %scan3A_49 = arith.constant 32 : i32
      %scan3A_50 = arith.addi %scan3A_48, %scan3A_49 : i32
      %scan3A_51 = arith.constant 1 : i32
      %scan3A_52:2 = scf.for %scan3A_181 = %scan3A_48 to %scan3A_50 step %scan3A_51 iter_args(%scan3A_182 = %broadcast_in_dim3A_9, %scan3A_183 = %broadcast_in_dim3A_9) -> (vector<16xf32>, vector<16xf32>)  : i32 {
        %broadcast_in_dim3A_184 = vector.broadcast %scan3A_181 : i32 to vector<16xi32>
        %gather3A = tpu.vector_load_idx %arg9[%add3A_47, %broadcast_in_dim3A_184] : memref<128x32xf32, #tpu.memory_space<vmem>>[vector<16xi32>, vector<16xi32>], vector<16xf32>,
        %gather3A_185 = tpu.vector_load_idx %arg10[%add3A_47, %broadcast_in_dim3A_184] : memref<128x32xf32, #tpu.memory_space<vmem>>[vector<16xi32>, vector<16xi32>], vector<16xf32>,
        %gather3A_186 = tpu.vector_load_idx %arg11[%add3A_47, %broadcast_in_dim3A_184] : memref<128x32xf32, #tpu.memory_space<vmem>>[vector<16xi32>, vector<16xi32>], vector<16xf32>,
        %mul3A_187 = arith.mulf %gather3A, %gather3A_185 : vector<16xf32>
        %add3A_188 = arith.addf %scan3A_182, %mul3A_187 : vector<16xf32>
        %mul3A_189 = arith.mulf %gather3A, %gather3A_186 : vector<16xf32>
        %add3A_190 = arith.addf %scan3A_183, %mul3A_189 : vector<16xf32>
        scf.yield %add3A_188, %add3A_190 : vector<16xf32>, vector<16xf32>
      }
      %scan3A_53 = arith.constant 32 : i32
      %add3A_54 = arith.constant 0 : i32
      %add3A_55 = arith.addi %mul3A_20, %add3A_54 : i32
      %swap3A = arith.index_cast %add3A_55 : i32 to index
      %swap3A_56 = tpu.vector_load %arg12[%swap3A] {strides = array<i32>} : memref<512xf32, #tpu.memory_space<vmem>>, vector<16xf32>,
      tpu.vector_store %arg12[%swap3A], %scan3A_52#0 {strides = array<i32>} : memref<512xf32, #tpu.memory_space<vmem>>, vector<16xf32>,
      %add3A_57 = arith.constant 0 : i32
      %add3A_58 = arith.addi %mul3A_20, %add3A_57 : i32
      %swap3A_59 = arith.index_cast %add3A_58 : i32 to index
      %swap3A_60 = tpu.vector_load %arg13[%swap3A_59] {strides = array<i32>} : memref<512xf32, #tpu.memory_space<vmem>>, vector<16xf32>,
      tpu.vector_store %arg13[%swap3A_59], %scan3A_52#1 {strides = array<i32>} : memref<512xf32, #tpu.memory_space<vmem>>, vector<16xf32>,
      %add3A_61 = arith.constant 16 : i32
      %add3A_62 = vector.broadcast %add3A_61 : i32 to vector<16xi32>
      %add3A_63 = arith.addi %iota3A, %add3A_62 : vector<16xi32>
      %scan3A_64 = arith.constant 0 : i32
      %scan3A_65 = arith.constant 32 : i32
      %scan3A_66 = arith.addi %scan3A_64, %scan3A_65 : i32
      %scan3A_67 = arith.constant 1 : i32
      %scan3A_68:2 = scf.for %scan3A_181 = %scan3A_64 to %scan3A_66 step %scan3A_67 iter_args(%scan3A_182 = %broadcast_in_dim3A_9, %scan3A_183 = %broadcast_in_dim3A_9) -> (vector<16xf32>, vector<16xf32>)  : i32 {
        %broadcast_in_dim3A_184 = vector.broadcast %scan3A_181 : i32 to vector<16xi32>
        %gather3A = tpu.vector_load_idx %arg9[%add3A_63, %broadcast_in_dim3A_184] : memref<128x32xf32, #tpu.memory_space<vmem>>[vector<16xi32>, vector<16xi32>], vector<16xf32>,
        %gather3A_185 = tpu.vector_load_idx %arg10[%add3A_63, %broadcast_in_dim3A_184] : memref<128x32xf32, #tpu.memory_space<vmem>>[vector<16xi32>, vector<16xi32>], vector<16xf32>,
        %gather3A_186 = tpu.vector_load_idx %arg11[%add3A_63, %broadcast_in_dim3A_184] : memref<128x32xf32, #tpu.memory_space<vmem>>[vector<16xi32>, vector<16xi32>], vector<16xf32>,
        %mul3A_187 = arith.mulf %gather3A, %gather3A_185 : vector<16xf32>
        %add3A_188 = arith.addf %scan3A_182, %mul3A_187 : vector<16xf32>
        %mul3A_189 = arith.mulf %gather3A, %gather3A_186 : vector<16xf32>
        %add3A_190 = arith.addf %scan3A_183, %mul3A_189 : vector<16xf32>
        scf.yield %add3A_188, %add3A_190 : vector<16xf32>, vector<16xf32>
      }
      %scan3A_69 = arith.constant 32 : i32
      %add3A_70 = arith.constant 16 : i32
      %add3A_71 = arith.addi %mul3A_20, %add3A_70 : i32
      %swap3A_72 = arith.index_cast %add3A_71 : i32 to index
      %swap3A_73 = tpu.vector_load %arg12[%swap3A_72] {strides = array<i32>} : memref<512xf32, #tpu.memory_space<vmem>>, vector<16xf32>,
      tpu.vector_store %arg12[%swap3A_72], %scan3A_68#0 {strides = array<i32>} : memref<512xf32, #tpu.memory_space<vmem>>, vector<16xf32>,
      %add3A_74 = arith.constant 16 : i32
      %add3A_75 = arith.addi %mul3A_20, %add3A_74 : i32
      %swap3A_76 = arith.index_cast %add3A_75 : i32 to index
      %swap3A_77 = tpu.vector_load %arg13[%swap3A_76] {strides = array<i32>} : memref<512xf32, #tpu.memory_space<vmem>>, vector<16xf32>,
      tpu.vector_store %arg13[%swap3A_76], %scan3A_68#1 {strides = array<i32>} : memref<512xf32, #tpu.memory_space<vmem>>, vector<16xf32>,
      %add3A_78 = arith.constant 32 : i32
      %add3A_79 = vector.broadcast %add3A_78 : i32 to vector<16xi32>
      %add3A_80 = arith.addi %iota3A, %add3A_79 : vector<16xi32>
      %scan3A_81 = arith.constant 0 : i32
      %scan3A_82 = arith.constant 32 : i32
      %scan3A_83 = arith.addi %scan3A_81, %scan3A_82 : i32
      %scan3A_84 = arith.constant 1 : i32
      %scan3A_85:2 = scf.for %scan3A_181 = %scan3A_81 to %scan3A_83 step %scan3A_84 iter_args(%scan3A_182 = %broadcast_in_dim3A_9, %scan3A_183 = %broadcast_in_dim3A_9) -> (vector<16xf32>, vector<16xf32>)  : i32 {
        %broadcast_in_dim3A_184 = vector.broadcast %scan3A_181 : i32 to vector<16xi32>
        %gather3A = tpu.vector_load_idx %arg9[%add3A_80, %broadcast_in_dim3A_184] : memref<128x32xf32, #tpu.memory_space<vmem>>[vector<16xi32>, vector<16xi32>], vector<16xf32>,
        %gather3A_185 = tpu.vector_load_idx %arg10[%add3A_80, %broadcast_in_dim3A_184] : memref<128x32xf32, #tpu.memory_space<vmem>>[vector<16xi32>, vector<16xi32>], vector<16xf32>,
        %gather3A_186 = tpu.vector_load_idx %arg11[%add3A_80, %broadcast_in_dim3A_184] : memref<128x32xf32, #tpu.memory_space<vmem>>[vector<16xi32>, vector<16xi32>], vector<16xf32>,
        %mul3A_187 = arith.mulf %gather3A, %gather3A_185 : vector<16xf32>
        %add3A_188 = arith.addf %scan3A_182, %mul3A_187 : vector<16xf32>
        %mul3A_189 = arith.mulf %gather3A, %gather3A_186 : vector<16xf32>
        %add3A_190 = arith.addf %scan3A_183, %mul3A_189 : vector<16xf32>
        scf.yield %add3A_188, %add3A_190 : vector<16xf32>, vector<16xf32>
      }
      %scan3A_86 = arith.constant 32 : i32
      %add3A_87 = arith.constant 32 : i32
      %add3A_88 = arith.addi %mul3A_20, %add3A_87 : i32
      %swap3A_89 = arith.index_cast %add3A_88 : i32 to index
      %swap3A_90 = tpu.vector_load %arg12[%swap3A_89] {strides = array<i32>} : memref<512xf32, #tpu.memory_space<vmem>>, vector<16xf32>,
      tpu.vector_store %arg12[%swap3A_89], %scan3A_85#0 {strides = array<i32>} : memref<512xf32, #tpu.memory_space<vmem>>, vector<16xf32>,
      %add3A_91 = arith.constant 32 : i32
      %add3A_92 = arith.addi %mul3A_20, %add3A_91 : i32
      %swap3A_93 = arith.index_cast %add3A_92 : i32 to index
      %swap3A_94 = tpu.vector_load %arg13[%swap3A_93] {strides = array<i32>} : memref<512xf32, #tpu.memory_space<vmem>>, vector<16xf32>,
      tpu.vector_store %arg13[%swap3A_93], %scan3A_85#1 {strides = array<i32>} : memref<512xf32, #tpu.memory_space<vmem>>, vector<16xf32>,
      %add3A_95 = arith.constant 48 : i32
      %add3A_96 = vector.broadcast %add3A_95 : i32 to vector<16xi32>
      %add3A_97 = arith.addi %iota3A, %add3A_96 : vector<16xi32>
      %scan3A_98 = arith.constant 0 : i32
      %scan3A_99 = arith.constant 32 : i32
      %scan3A_100 = arith.addi %scan3A_98, %scan3A_99 : i32
      %scan3A_101 = arith.constant 1 : i32
      %scan3A_102:2 = scf.for %scan3A_181 = %scan3A_98 to %scan3A_100 step %scan3A_101 iter_args(%scan3A_182 = %broadcast_in_dim3A_9, %scan3A_183 = %broadcast_in_dim3A_9) -> (vector<16xf32>, vector<16xf32>)  : i32 {
        %broadcast_in_dim3A_184 = vector.broadcast %scan3A_181 : i32 to vector<16xi32>
        %gather3A = tpu.vector_load_idx %arg9[%add3A_97, %broadcast_in_dim3A_184] : memref<128x32xf32, #tpu.memory_space<vmem>>[vector<16xi32>, vector<16xi32>], vector<16xf32>,
        %gather3A_185 = tpu.vector_load_idx %arg10[%add3A_97, %broadcast_in_dim3A_184] : memref<128x32xf32, #tpu.memory_space<vmem>>[vector<16xi32>, vector<16xi32>], vector<16xf32>,
        %gather3A_186 = tpu.vector_load_idx %arg11[%add3A_97, %broadcast_in_dim3A_184] : memref<128x32xf32, #tpu.memory_space<vmem>>[vector<16xi32>, vector<16xi32>], vector<16xf32>,
        %mul3A_187 = arith.mulf %gather3A, %gather3A_185 : vector<16xf32>
        %add3A_188 = arith.addf %scan3A_182, %mul3A_187 : vector<16xf32>
        %mul3A_189 = arith.mulf %gather3A, %gather3A_186 : vector<16xf32>
        %add3A_190 = arith.addf %scan3A_183, %mul3A_189 : vector<16xf32>
        scf.yield %add3A_188, %add3A_190 : vector<16xf32>, vector<16xf32>
      }
      %scan3A_103 = arith.constant 32 : i32
      %add3A_104 = arith.constant 48 : i32
      %add3A_105 = arith.addi %mul3A_20, %add3A_104 : i32
      %swap3A_106 = arith.index_cast %add3A_105 : i32 to index
      %swap3A_107 = tpu.vector_load %arg12[%swap3A_106] {strides = array<i32>} : memref<512xf32, #tpu.memory_space<vmem>>, vector<16xf32>,
      tpu.vector_store %arg12[%swap3A_106], %scan3A_102#0 {strides = array<i32>} : memref<512xf32, #tpu.memory_space<vmem>>, vector<16xf32>,
      %add3A_108 = arith.constant 48 : i32
      %add3A_109 = arith.addi %mul3A_20, %add3A_108 : i32
      %swap3A_110 = arith.index_cast %add3A_109 : i32 to index
      %swap3A_111 = tpu.vector_load %arg13[%swap3A_110] {strides = array<i32>} : memref<512xf32, #tpu.memory_space<vmem>>, vector<16xf32>,
      tpu.vector_store %arg13[%swap3A_110], %scan3A_102#1 {strides = array<i32>} : memref<512xf32, #tpu.memory_space<vmem>>, vector<16xf32>,
      %add3A_112 = arith.constant 64 : i32
      %add3A_113 = vector.broadcast %add3A_112 : i32 to vector<16xi32>
      %add3A_114 = arith.addi %iota3A, %add3A_113 : vector<16xi32>
      %scan3A_115 = arith.constant 0 : i32
      %scan3A_116 = arith.constant 32 : i32
      %scan3A_117 = arith.addi %scan3A_115, %scan3A_116 : i32
      %scan3A_118 = arith.constant 1 : i32
      %scan3A_119:2 = scf.for %scan3A_181 = %scan3A_115 to %scan3A_117 step %scan3A_118 iter_args(%scan3A_182 = %broadcast_in_dim3A_9, %scan3A_183 = %broadcast_in_dim3A_9) -> (vector<16xf32>, vector<16xf32>)  : i32 {
        %broadcast_in_dim3A_184 = vector.broadcast %scan3A_181 : i32 to vector<16xi32>
        %gather3A = tpu.vector_load_idx %arg9[%add3A_114, %broadcast_in_dim3A_184] : memref<128x32xf32, #tpu.memory_space<vmem>>[vector<16xi32>, vector<16xi32>], vector<16xf32>,
        %gather3A_185 = tpu.vector_load_idx %arg10[%add3A_114, %broadcast_in_dim3A_184] : memref<128x32xf32, #tpu.memory_space<vmem>>[vector<16xi32>, vector<16xi32>], vector<16xf32>,
        %gather3A_186 = tpu.vector_load_idx %arg11[%add3A_114, %broadcast_in_dim3A_184] : memref<128x32xf32, #tpu.memory_space<vmem>>[vector<16xi32>, vector<16xi32>], vector<16xf32>,
        %mul3A_187 = arith.mulf %gather3A, %gather3A_185 : vector<16xf32>
        %add3A_188 = arith.addf %scan3A_182, %mul3A_187 : vector<16xf32>
        %mul3A_189 = arith.mulf %gather3A, %gather3A_186 : vector<16xf32>
        %add3A_190 = arith.addf %scan3A_183, %mul3A_189 : vector<16xf32>
        scf.yield %add3A_188, %add3A_190 : vector<16xf32>, vector<16xf32>
      }
      %scan3A_120 = arith.constant 32 : i32
      %add3A_121 = arith.constant 64 : i32
      %add3A_122 = arith.addi %mul3A_20, %add3A_121 : i32
      %swap3A_123 = arith.index_cast %add3A_122 : i32 to index
      %swap3A_124 = tpu.vector_load %arg12[%swap3A_123] {strides = array<i32>} : memref<512xf32, #tpu.memory_space<vmem>>, vector<16xf32>,
      tpu.vector_store %arg12[%swap3A_123], %scan3A_119#0 {strides = array<i32>} : memref<512xf32, #tpu.memory_space<vmem>>, vector<16xf32>,
      %add3A_125 = arith.constant 64 : i32
      %add3A_126 = arith.addi %mul3A_20, %add3A_125 : i32
      %swap3A_127 = arith.index_cast %add3A_126 : i32 to index
      %swap3A_128 = tpu.vector_load %arg13[%swap3A_127] {strides = array<i32>} : memref<512xf32, #tpu.memory_space<vmem>>, vector<16xf32>,
      tpu.vector_store %arg13[%swap3A_127], %scan3A_119#1 {strides = array<i32>} : memref<512xf32, #tpu.memory_space<vmem>>, vector<16xf32>,
      %add3A_129 = arith.constant 80 : i32
      %add3A_130 = vector.broadcast %add3A_129 : i32 to vector<16xi32>
      %add3A_131 = arith.addi %iota3A, %add3A_130 : vector<16xi32>
      %scan3A_132 = arith.constant 0 : i32
      %scan3A_133 = arith.constant 32 : i32
      %scan3A_134 = arith.addi %scan3A_132, %scan3A_133 : i32
      %scan3A_135 = arith.constant 1 : i32
      %scan3A_136:2 = scf.for %scan3A_181 = %scan3A_132 to %scan3A_134 step %scan3A_135 iter_args(%scan3A_182 = %broadcast_in_dim3A_9, %scan3A_183 = %broadcast_in_dim3A_9) -> (vector<16xf32>, vector<16xf32>)  : i32 {
        %broadcast_in_dim3A_184 = vector.broadcast %scan3A_181 : i32 to vector<16xi32>
        %gather3A = tpu.vector_load_idx %arg9[%add3A_131, %broadcast_in_dim3A_184] : memref<128x32xf32, #tpu.memory_space<vmem>>[vector<16xi32>, vector<16xi32>], vector<16xf32>,
        %gather3A_185 = tpu.vector_load_idx %arg10[%add3A_131, %broadcast_in_dim3A_184] : memref<128x32xf32, #tpu.memory_space<vmem>>[vector<16xi32>, vector<16xi32>], vector<16xf32>,
        %gather3A_186 = tpu.vector_load_idx %arg11[%add3A_131, %broadcast_in_dim3A_184] : memref<128x32xf32, #tpu.memory_space<vmem>>[vector<16xi32>, vector<16xi32>], vector<16xf32>,
        %mul3A_187 = arith.mulf %gather3A, %gather3A_185 : vector<16xf32>
        %add3A_188 = arith.addf %scan3A_182, %mul3A_187 : vector<16xf32>
        %mul3A_189 = arith.mulf %gather3A, %gather3A_186 : vector<16xf32>
        %add3A_190 = arith.addf %scan3A_183, %mul3A_189 : vector<16xf32>
        scf.yield %add3A_188, %add3A_190 : vector<16xf32>, vector<16xf32>
      }
      %scan3A_137 = arith.constant 32 : i32
      %add3A_138 = arith.constant 80 : i32
      %add3A_139 = arith.addi %mul3A_20, %add3A_138 : i32
      %swap3A_140 = arith.index_cast %add3A_139 : i32 to index
      %swap3A_141 = tpu.vector_load %arg12[%swap3A_140] {strides = array<i32>} : memref<512xf32, #tpu.memory_space<vmem>>, vector<16xf32>,
      tpu.vector_store %arg12[%swap3A_140], %scan3A_136#0 {strides = array<i32>} : memref<512xf32, #tpu.memory_space<vmem>>, vector<16xf32>,
      %add3A_142 = arith.constant 80 : i32
      %add3A_143 = arith.addi %mul3A_20, %add3A_142 : i32
      %swap3A_144 = arith.index_cast %add3A_143 : i32 to index
      %swap3A_145 = tpu.vector_load %arg13[%swap3A_144] {strides = array<i32>} : memref<512xf32, #tpu.memory_space<vmem>>, vector<16xf32>,
      tpu.vector_store %arg13[%swap3A_144], %scan3A_136#1 {strides = array<i32>} : memref<512xf32, #tpu.memory_space<vmem>>, vector<16xf32>,
      %add3A_146 = arith.constant 96 : i32
      %add3A_147 = vector.broadcast %add3A_146 : i32 to vector<16xi32>
      %add3A_148 = arith.addi %iota3A, %add3A_147 : vector<16xi32>
      %scan3A_149 = arith.constant 0 : i32
      %scan3A_150 = arith.constant 32 : i32
      %scan3A_151 = arith.addi %scan3A_149, %scan3A_150 : i32
      %scan3A_152 = arith.constant 1 : i32
      %scan3A_153:2 = scf.for %scan3A_181 = %scan3A_149 to %scan3A_151 step %scan3A_152 iter_args(%scan3A_182 = %broadcast_in_dim3A_9, %scan3A_183 = %broadcast_in_dim3A_9) -> (vector<16xf32>, vector<16xf32>)  : i32 {
        %broadcast_in_dim3A_184 = vector.broadcast %scan3A_181 : i32 to vector<16xi32>
        %gather3A = tpu.vector_load_idx %arg9[%add3A_148, %broadcast_in_dim3A_184] : memref<128x32xf32, #tpu.memory_space<vmem>>[vector<16xi32>, vector<16xi32>], vector<16xf32>,
        %gather3A_185 = tpu.vector_load_idx %arg10[%add3A_148, %broadcast_in_dim3A_184] : memref<128x32xf32, #tpu.memory_space<vmem>>[vector<16xi32>, vector<16xi32>], vector<16xf32>,
        %gather3A_186 = tpu.vector_load_idx %arg11[%add3A_148, %broadcast_in_dim3A_184] : memref<128x32xf32, #tpu.memory_space<vmem>>[vector<16xi32>, vector<16xi32>], vector<16xf32>,
        %mul3A_187 = arith.mulf %gather3A, %gather3A_185 : vector<16xf32>
        %add3A_188 = arith.addf %scan3A_182, %mul3A_187 : vector<16xf32>
        %mul3A_189 = arith.mulf %gather3A, %gather3A_186 : vector<16xf32>
        %add3A_190 = arith.addf %scan3A_183, %mul3A_189 : vector<16xf32>
        scf.yield %add3A_188, %add3A_190 : vector<16xf32>, vector<16xf32>
      }
      %scan3A_154 = arith.constant 32 : i32
      %add3A_155 = arith.constant 96 : i32
      %add3A_156 = arith.addi %mul3A_20, %add3A_155 : i32
      %swap3A_157 = arith.index_cast %add3A_156 : i32 to index
      %swap3A_158 = tpu.vector_load %arg12[%swap3A_157] {strides = array<i32>} : memref<512xf32, #tpu.memory_space<vmem>>, vector<16xf32>,
      tpu.vector_store %arg12[%swap3A_157], %scan3A_153#0 {strides = array<i32>} : memref<512xf32, #tpu.memory_space<vmem>>, vector<16xf32>,
      %add3A_159 = arith.constant 96 : i32
      %add3A_160 = arith.addi %mul3A_20, %add3A_159 : i32
      %swap3A_161 = arith.index_cast %add3A_160 : i32 to index
      %swap3A_162 = tpu.vector_load %arg13[%swap3A_161] {strides = array<i32>} : memref<512xf32, #tpu.memory_space<vmem>>, vector<16xf32>,
      tpu.vector_store %arg13[%swap3A_161], %scan3A_153#1 {strides = array<i32>} : memref<512xf32, #tpu.memory_space<vmem>>, vector<16xf32>,
      %add3A_163 = arith.constant 112 : i32
      %add3A_164 = vector.broadcast %add3A_163 : i32 to vector<16xi32>
      %add3A_165 = arith.addi %iota3A, %add3A_164 : vector<16xi32>
      %scan3A_166 = arith.constant 0 : i32
      %scan3A_167 = arith.constant 32 : i32
      %scan3A_168 = arith.addi %scan3A_166, %scan3A_167 : i32
      %scan3A_169 = arith.constant 1 : i32
      %scan3A_170:2 = scf.for %scan3A_181 = %scan3A_166 to %scan3A_168 step %scan3A_169 iter_args(%scan3A_182 = %broadcast_in_dim3A_9, %scan3A_183 = %broadcast_in_dim3A_9) -> (vector<16xf32>, vector<16xf32>)  : i32 {
        %broadcast_in_dim3A_184 = vector.broadcast %scan3A_181 : i32 to vector<16xi32>
        %gather3A = tpu.vector_load_idx %arg9[%add3A_165, %broadcast_in_dim3A_184] : memref<128x32xf32, #tpu.memory_space<vmem>>[vector<16xi32>, vector<16xi32>], vector<16xf32>,
        %gather3A_185 = tpu.vector_load_idx %arg10[%add3A_165, %broadcast_in_dim3A_184] : memref<128x32xf32, #tpu.memory_space<vmem>>[vector<16xi32>, vector<16xi32>], vector<16xf32>,
        %gather3A_186 = tpu.vector_load_idx %arg11[%add3A_165, %broadcast_in_dim3A_184] : memref<128x32xf32, #tpu.memory_space<vmem>>[vector<16xi32>, vector<16xi32>], vector<16xf32>,
        %mul3A_187 = arith.mulf %gather3A, %gather3A_185 : vector<16xf32>
        %add3A_188 = arith.addf %scan3A_182, %mul3A_187 : vector<16xf32>
        %mul3A_189 = arith.mulf %gather3A, %gather3A_186 : vector<16xf32>
        %add3A_190 = arith.addf %scan3A_183, %mul3A_189 : vector<16xf32>
        scf.yield %add3A_188, %add3A_190 : vector<16xf32>, vector<16xf32>
      }
      %scan3A_171 = arith.constant 32 : i32
      %add3A_172 = arith.constant 112 : i32
      %add3A_173 = arith.addi %mul3A_20, %add3A_172 : i32
      %swap3A_174 = arith.index_cast %add3A_173 : i32 to index
      %swap3A_175 = tpu.vector_load %arg12[%swap3A_174] {strides = array<i32>} : memref<512xf32, #tpu.memory_space<vmem>>, vector<16xf32>,
      tpu.vector_store %arg12[%swap3A_174], %scan3A_170#0 {strides = array<i32>} : memref<512xf32, #tpu.memory_space<vmem>>, vector<16xf32>,
      %add3A_176 = arith.constant 112 : i32
      %add3A_177 = arith.addi %mul3A_20, %add3A_176 : i32
      %swap3A_178 = arith.index_cast %add3A_177 : i32 to index
      %swap3A_179 = tpu.vector_load %arg13[%swap3A_178] {strides = array<i32>} : memref<512xf32, #tpu.memory_space<vmem>>, vector<16xf32>,
      tpu.vector_store %arg13[%swap3A_178], %scan3A_170#1 {strides = array<i32>} : memref<512xf32, #tpu.memory_space<vmem>>, vector<16xf32>,
      %scan3A_180 = arith.constant 0 : i32
      scf.yield %scan3A_180 : i32
    }
    %scan3A_16 = arith.constant 4 : i32
    "tpu.region"() ({
      %run_scoped3A = tpu.sem_alloc : memref<!tpu.dma_semaphore, #tpu.memory_space<semaphore_mem>>
      %dma_start3A = tpu.memref_slice %arg6[%mul3A_2] : memref<16384xf32, #tpu.memory_space<hbm>> -> memref<512xf32, #tpu.memory_space<hbm>>
      %dma_start3A_17 = tpu.memref_slice %arg6[%mul3A_2] : memref<16384xf32, #tpu.memory_space<hbm>> -> memref<512xf32, #tpu.memory_space<hbm>>
      tpu.enqueue_dma source(%arg12 : memref<512xf32, #tpu.memory_space<vmem>>) target(%dma_start3A_17 : memref<512xf32, #tpu.memory_space<hbm>>) target_semaphore(%run_scoped3A : memref<!tpu.dma_semaphore, #tpu.memory_space<semaphore_mem>>)
      %dma_wait3A = tpu.memref_slice %arg6[%mul3A_2] : memref<16384xf32, #tpu.memory_space<hbm>> -> memref<512xf32, #tpu.memory_space<hbm>>
      %dma_wait3A_18 = tpu.memref_slice %arg6[%mul3A_2] : memref<16384xf32, #tpu.memory_space<hbm>> -> memref<512xf32, #tpu.memory_space<hbm>>
      tpu.wait_dma2 semaphore(%run_scoped3A : memref<!tpu.dma_semaphore, #tpu.memory_space<semaphore_mem>>) src(%arg12 : memref<512xf32, #tpu.memory_space<vmem>>) dst(%dma_wait3A_18 : memref<512xf32, #tpu.memory_space<hbm>>)
      tpu.yield
    }) : () -> ()
    "tpu.region"() ({
      %run_scoped3A = tpu.sem_alloc : memref<!tpu.dma_semaphore, #tpu.memory_space<semaphore_mem>>
      %dma_start3A = tpu.memref_slice %arg7[%mul3A_2] : memref<16384xf32, #tpu.memory_space<hbm>> -> memref<512xf32, #tpu.memory_space<hbm>>
      %dma_start3A_17 = tpu.memref_slice %arg7[%mul3A_2] : memref<16384xf32, #tpu.memory_space<hbm>> -> memref<512xf32, #tpu.memory_space<hbm>>
      tpu.enqueue_dma source(%arg13 : memref<512xf32, #tpu.memory_space<vmem>>) target(%dma_start3A_17 : memref<512xf32, #tpu.memory_space<hbm>>) target_semaphore(%run_scoped3A : memref<!tpu.dma_semaphore, #tpu.memory_space<semaphore_mem>>)
      %dma_wait3A = tpu.memref_slice %arg7[%mul3A_2] : memref<16384xf32, #tpu.memory_space<hbm>> -> memref<512xf32, #tpu.memory_space<hbm>>
      %dma_wait3A_18 = tpu.memref_slice %arg7[%mul3A_2] : memref<16384xf32, #tpu.memory_space<hbm>> -> memref<512xf32, #tpu.memory_space<hbm>>
      tpu.wait_dma2 semaphore(%run_scoped3A : memref<!tpu.dma_semaphore, #tpu.memory_space<semaphore_mem>>) src(%arg13 : memref<512xf32, #tpu.memory_space<vmem>>) dst(%dma_wait3A_18 : memref<512xf32, #tpu.memory_space<hbm>>)
      tpu.yield
    }) : () -> ()
    return
  }
}

module attributes {stable_mosaic.version = 14 : i64} {
  func.func @_pack_body(%arg0: i32, %arg1: memref<32x16384xf32, #tpu.memory_space<vmem>>, %arg2: memref<32x16384xf32, #tpu.memory_space<vmem>>, %arg3: memref<32x16384xf32, #tpu.memory_space<vmem>>, %arg4: memref<32x16384xf32, #tpu.memory_space<vmem>>, %arg5: memref<16384x128xf32, #tpu.memory_space<vmem>>) attributes {dimension_semantics = [#tpu.dimension_semantics<arbitrary>], iteration_bounds = array<i64: 16>, scalar_prefetch = 0 : i64, scratch_operands = 0 : i64, tpu.core_type = #tpu.core_type<tc>, window_params = [{transform_indices = @transform_0, window_bounds = array<i64: 32, 16384>}, {transform_indices = @transform_1, window_bounds = array<i64: 32, 16384>}, {transform_indices = @transform_2, window_bounds = array<i64: 32, 16384>}, {transform_indices = @transform_3, window_bounds = array<i64: 32, 16384>}, {transform_indices = @transform_4, window_bounds = array<i64: 16384, 128>}]} {
    %get3A = arith.constant 0 : index
    %get3A_0 = arith.constant 0 : index
    %get3A_1 = vector.load %arg1[%get3A, %get3A_0] : memref<32x16384xf32, #tpu.memory_space<vmem>>, vector<32x16384xf32>
    %get3A_2 = arith.constant 0 : index
    %get3A_3 = arith.constant 0 : index
    %get3A_4 = vector.load %arg2[%get3A_2, %get3A_3] : memref<32x16384xf32, #tpu.memory_space<vmem>>, vector<32x16384xf32>
    %get3A_5 = arith.constant 0 : index
    %get3A_6 = arith.constant 0 : index
    %get3A_7 = vector.load %arg3[%get3A_5, %get3A_6] : memref<32x16384xf32, #tpu.memory_space<vmem>>, vector<32x16384xf32>
    %get3A_8 = arith.constant 0 : index
    %get3A_9 = arith.constant 0 : index
    %get3A_10 = vector.load %arg4[%get3A_8, %get3A_9] : memref<32x16384xf32, #tpu.memory_space<vmem>>, vector<32x16384xf32>
    %concatenate3A = tpu.concatenate %get3A_1, %get3A_4, %get3A_7, %get3A_10 in 0 : vector<32x16384xf32>, vector<32x16384xf32>, vector<32x16384xf32>, vector<32x16384xf32> -> vector<128x16384xf32>
    %transpose3A = tpu.transpose %concatenate3A, [1, 0] : vector<128x16384xf32> -> vector<16384x128xf32>
    %swap3A = arith.constant 0 : index
    %swap3A_11 = arith.constant 0 : index
    %swap3A_12 = vector.load %arg5[%swap3A, %swap3A_11] : memref<16384x128xf32, #tpu.memory_space<vmem>>, vector<16384x128xf32>
    tpu.vector_store %arg5[%swap3A, %swap3A_11], %transpose3A {strides = array<i32>} : memref<16384x128xf32, #tpu.memory_space<vmem>>, vector<16384x128xf32>,
    return
  }
  func.func @transform_0(%arg0: i32) -> (i32, i32) {
    %add3A = arith.constant 0 : i32
    %add3A_0 = arith.addi %arg0, %add3A : i32
    %min3A = arith.constant 61 : i32
    %min3A_1 = arith.minsi %add3A_0, %min3A : i32
    %c0_i32 = arith.constant 0 : i32
    %c0_i32_2 = arith.constant 0 : i32
    return %c0_i32, %min3A_1 : i32, i32
  }
  func.func @transform_1(%arg0: i32) -> (i32, i32) {
    %add3A = arith.constant 16 : i32
    %add3A_0 = arith.addi %arg0, %add3A : i32
    %min3A = arith.constant 61 : i32
    %min3A_1 = arith.minsi %add3A_0, %min3A : i32
    %c0_i32 = arith.constant 0 : i32
    %c0_i32_2 = arith.constant 0 : i32
    return %c0_i32, %min3A_1 : i32, i32
  }
  func.func @transform_2(%arg0: i32) -> (i32, i32) {
    %add3A = arith.constant 32 : i32
    %add3A_0 = arith.addi %arg0, %add3A : i32
    %min3A = arith.constant 61 : i32
    %min3A_1 = arith.minsi %add3A_0, %min3A : i32
    %c0_i32 = arith.constant 0 : i32
    %c0_i32_2 = arith.constant 0 : i32
    return %c0_i32, %min3A_1 : i32, i32
  }
  func.func @transform_3(%arg0: i32) -> (i32, i32) {
    %add3A = arith.constant 48 : i32
    %add3A_0 = arith.addi %arg0, %add3A : i32
    %min3A = arith.constant 61 : i32
    %min3A_1 = arith.minsi %add3A_0, %min3A : i32
    %c0_i32 = arith.constant 0 : i32
    %c0_i32_2 = arith.constant 0 : i32
    return %c0_i32, %min3A_1 : i32, i32
  }
  func.func @transform_4(%arg0: i32) -> (i32, i32) {
    %c0_i32 = arith.constant 0 : i32
    %c0_i32_0 = arith.constant 0 : i32
    return %arg0, %c0_i32 : i32, i32
  }
}

module attributes {stable_mosaic.version = 14 : i64} {
  func.func @_tc_loss_body(%arg0: memref<128x128xf32, #tpu.memory_space<vmem>>, %arg1: memref<128x128xf32, #tpu.memory_space<vmem>>, %arg2: memref<1xf32, #tpu.memory_space<smem>>, %arg3: memref<1x1xf32, #tpu.memory_space<smem>>) attributes {dimension_semantics = [], scalar_prefetch = 0 : i64, scratch_operands = 0 : i64, tpu.core_type = #tpu.core_type<tc>} {
    %get3A = arith.constant 0 : index
    %get3A_0 = arith.constant 0 : index
    %get3A_1 = vector.load %arg0[%get3A, %get3A_0] : memref<128x128xf32, #tpu.memory_space<vmem>>, vector<128x128xf32>
    %get3A_2 = arith.constant 0 : index
    %get3A_3 = arith.constant 0 : index
    %get3A_4 = vector.load %arg1[%get3A_2, %get3A_3] : memref<128x128xf32, #tpu.memory_space<vmem>>, vector<128x128xf32>
    %neg3A = arith.constant 0.000000e+00 : f32
    %neg3A_5 = vector.broadcast %neg3A : f32 to vector<128x128xf32>
    %neg3A_6 = arith.subf %neg3A_5, %get3A_4 : vector<128x128xf32>
    %min3A = arith.constant 0.000000e+00 : f32
    %min3A_7 = vector.broadcast %min3A : f32 to vector<128x128xf32>
    %min3A_8 = arith.minimumf %get3A_1, %min3A_7 : vector<128x128xf32>
    %abs3A = math.absf %get3A_1 : vector<128x128xf32>
    %neg3A_9 = arith.constant 0.000000e+00 : f32
    %neg3A_10 = vector.broadcast %neg3A_9 : f32 to vector<128x128xf32>
    %neg3A_11 = arith.subf %neg3A_10, %abs3A : vector<128x128xf32>
    %exp3A = math.exp %neg3A_11 : vector<128x128xf32>
    %log1p3A = math.log1p %exp3A : vector<128x128xf32>
    %sub3A = arith.subf %min3A_8, %log1p3A : vector<128x128xf32>
    %min3A_12 = arith.constant 0.000000e+00 : f32
    %min3A_13 = vector.broadcast %min3A_12 : f32 to vector<128x128xf32>
    %min3A_14 = arith.minimumf %neg3A_6, %min3A_13 : vector<128x128xf32>
    %abs3A_15 = math.absf %neg3A_6 : vector<128x128xf32>
    %neg3A_16 = arith.constant 0.000000e+00 : f32
    %neg3A_17 = vector.broadcast %neg3A_16 : f32 to vector<128x128xf32>
    %neg3A_18 = arith.subf %neg3A_17, %abs3A_15 : vector<128x128xf32>
    %exp3A_19 = math.exp %neg3A_18 : vector<128x128xf32>
    %log1p3A_20 = math.log1p %exp3A_19 : vector<128x128xf32>
    %sub3A_21 = arith.subf %min3A_14, %log1p3A_20 : vector<128x128xf32>
    %add3A = arith.addf %sub3A, %sub3A_21 : vector<128x128xf32>
    %reduce_sum3A = vector.shape_cast %add3A : vector<128x128xf32> to vector<1x128x128xf32>
    %reduce_sum3A_22 = arith.constant dense<0.000000e+00> : vector<1xf32>
    %reduce_sum3A_23 = vector.multi_reduction <add>, %reduce_sum3A, %reduce_sum3A_22 [1, 2] : vector<1x128x128xf32> to vector<1xf32>
    %reduce_sum3A_24 = vector.shape_cast %reduce_sum3A_23 : vector<1xf32> to vector<1x1x1xf32>
    %reduce_sum3A_25 = vector.extract %reduce_sum3A_24[0, 0, 0] : f32 from vector<1x1x1xf32>
    %neg3A_26 = arith.constant 0.000000e+00 : f32
    %neg3A_27 = arith.subf %neg3A_26, %reduce_sum3A_25 : f32
    %get3A_28 = arith.constant 0 : index
    %get3A_29 = memref.load %arg2[%get3A_28] : memref<1xf32, #tpu.memory_space<smem>>
    %div3A = arith.divf %neg3A_27, %get3A_29 : f32
    %swap3A = arith.constant 0 : index
    %swap3A_30 = arith.constant 0 : index
    %swap3A_31 = memref.load %arg3[%swap3A, %swap3A_30] : memref<1x1xf32, #tpu.memory_space<smem>>
    memref.store %div3A, %arg3[%swap3A, %swap3A_30] : memref<1x1xf32, #tpu.memory_space<smem>>
    return
  }
}

</mosaic_0001>

<sc_bundles>
// kernel: kernel.10.cloned.1.call-start
scs
__scs_entry_jumppad:
0x0: {  	(pc) =	sbr.rel $0x88, $3  }
0x1: {  	(tag) =	ssettag $0x0;
	lr =	simm.s32 $0x1  }
0x2: {  	[smem:$0x3F9B] =	sst lr;
	_ =	strace $0xD0000000  }
0x3: {  	_ = 	snop  }
0x4: {  	_ = 	snop  }
0x5: {  	_ = 	snop  }
0x6: {  	_ = 	snop  }
0x7: {  	_ = 	snop  }
__scs_overlays_trampoline_lowered:
0x8: {  	[smem:$0x3FAA] =	sst s0  }
0x9: {  	[smem:$0x3FAB] =	sst s1  }
0xa: {  	[smem:$0x3FAC] =	sst s2  }
0xb: {  	[smem:$0x3FAD] =	sst s3  }
0xc: {  	[smem:$0x3FAE] =	sst s4  }
0xd: {  	[smem:$0x3FAF] =	sst s5  }
0xe: {  	[smem:$0x3FB0] =	sst s6  }
0xf: {  	[smem:$0x3FB1] =	sst s7  }
0x10: {  	[smem:$0x3FB2] =	sst s8  }
0x11: {  	[smem:$0x3FB3] =	sst s9;
	s0 =	simm.s32 @!p0 $0x0  }
0x12: {  	s1 =	sld [smem:$0x3F99];
	s0 =	simm.s32 @p0 $0x1  }
0x13: {  	[smem:$0x3FB4] =	sst s0;
	s0 =	simm.s32 @!p1 $0x0  }
0x14: {  	s2 =	sld [smem:$0x3F98];
	s0 =	simm.s32 @p1 $0x1  }
0x15: {  	[smem:$0x3FB5] =	sst s0;
	s0 =	simm.s32 @!p2 $0x0  }
0x16: {  	s3 =	sld [smem:$0x3FDB];
	s0 =	simm.s32 @p2 $0x1  }
0x17: {  	s4 =	simm.s32 $0x1BF5;
	[smem:$0x3FB7] =	sst s0  }
0x18: {  	s0 =	sld [smem:$0x3F9A];
	_ =	swait.ge [sflag:s4], $0x0  }
0x19: {  	s7 =	sld [smem:$0x3F9B]  }
0x1a: {  	s8 =	sadd.s32 $0xFFFFE003, lr  }
0x1b: {  	s9 =	sadd.s32 $0xFFFFFEF7, lr;
	s5 =	simm.s32 $0xFFFFFFFF;
	p2 =	slt.u32 s8, $0xFFFFF086  }
0x1c: {  	p1 =	slt.u32 s9, $0xF7A;
	s5 =	simm.s32 @!p2 $0x0  }
0x1d: {  	s5 =	simm.s32 @p1 $0x1;
	p0 =	seq.s32 s7, s2  }
0x1e: {  	s7 =	smul.u32 @!p0 $0xF7A, s2;
	p2 =	seq.s32 @!p0 s5, $0x0  }
0x1f: {  	s9 =	smul.u32 $0xF7A, s1;
	s8 =	simm.s32 @!p0 $0x1BF5;
	p2 =	por !p2, p0  }
0x20: {  	[sflag:s8] =	ssyncset.s32 @!p0 $0xFFFFF086;
	s6 =	sadd.s32 @!p0 s3, s7;
	s7 =	simm.s32 @!p0 $0x108  }
0x21: {  	s3 =	sadd.s32 s3, s9;
	s6 =	sadd.s32 @!p0 $0x88, s6;
	s7 =	simm.s32 @p2 $0x1082  }
0x22: {  	[simem:s7], [sflag:s8] =	dma.local @!p0 [hbm:s6], $0xF7A  }
0x23: {  	s9 =	sor.u32 $0xD0000000, s2;
	s6 =	simm.s32 $0x108;
	_ =	swait.ge @!p0 [sflag:s8], $0x0  }
0x24: {  	s3 =	sadd.s32 $0x88, s3;
	s6 =	simm.s32 @!p1 $0x1082;
	[sflag:s4] =	ssyncset.s32 $0xFFFFF086  }
0x25: {  	[simem:s6], [sflag:s4] =	dma.local [hbm:s3], $0xF7A  }
0x26: {  	[smem:$0x3F9B] =	sst s1;
	(tag) =	ssettag s2;
	_ =	strace s9  }
0x27: {  	s1 =	sld [smem:$0x3FAB]  }
0x28: {  	s2 =	sld [smem:$0x3FAC]  }
0x29: {  	s4 =	sld [smem:$0x3FAE]  }
0x2a: {  	p0 =	seq.s32 s5, $0x0;
	s5 =	sld [smem:$0x3FAF]  }
0x2b: {  	s6 =	sld [smem:$0x3FB0]  }
0x2c: {  	s7 =	sld [smem:$0x3FB1]  }
0x2d: {  	s3 =	simm.s32 $0x108;
	s8 =	sld [smem:$0x3FB2]  }
0x2e: {  	s3 =	simm.s32 @!p0 $0x1082;
	s9 =	sld [smem:$0x3FB3]  }
0x2f: {  	lr =	sadd.s32 s0, s3;
	s0 =	sld [smem:$0x3FAA]  }
0x30: {  	s3 =	sld [smem:$0x3FAD]  }
0x31: {  	[smem:$0x3FB6] =	sst s10  }
0x32: {  	s10 =	sld [smem:$0x3FB4];
	_ =	sdelay $0x3  }
0x33: {  	p0 =	seq.s32 s10, $0x1;
	s10 =	sld [smem:$0x3FB6];
	_ =	sdelay $0x3  }
0x34: {  	[smem:$0x3FB6] =	sst s10  }
0x35: {  	s10 =	sld [smem:$0x3FB5];
	_ =	sdelay $0x3  }
0x36: {  	p1 =	seq.s32 s10, $0x1;
	s10 =	sld [smem:$0x3FB6];
	_ =	sdelay $0x3  }
0x37: {  	[smem:$0x3FB6] =	sst s10  }
0x38: {  	s10 =	sld [smem:$0x3FB7]  }
0x39: {  	_ = 	snop;
	(pc) =	sbr.ind lr, $3  }
0x3a: {  	_ = 	snop  }
0x3b: {  	_ = 	snop  }
0x3c: {  	p2 =	seq.s32 s10, $0x1;
	s10 =	sld [smem:$0x3FB6]  }
0x3d: {  	_ =	shalt  }
0x3e: {  	_ =	shalt  }
0x3f: {  	_ =	shalt  }
0x40: {  	_ =	shalt  }
0x41: {  	_ =	shalt  }
0x42: {  	_ =	shalt  }
0x43: {  	_ =	shalt  }
0x44: {  	_ =	shalt  }
0x45: {  	_ =	shalt  }
0x46: {  	_ =	shalt  }
0x47: {  	_ =	shalt  }
0x48: {  	_ =	shalt  }
0x49: {  	_ =	shalt  }
0x4a: {  	_ =	shalt  }
0x4b: {  	_ =	shalt  }
0x4c: {  	_ =	shalt  }
0x4d: {  	_ =	shalt  }
0x4e: {  	_ =	shalt  }
0x4f: {  	_ =	shalt  }
0x50: {  	_ =	shalt  }
0x51: {  	_ =	shalt  }
0x52: {  	_ =	shalt  }
0x53: {  	_ =	shalt  }
0x54: {  	_ =	shalt  }
0x55: {  	_ =	shalt  }
0x56: {  	_ =	shalt  }
0x57: {  	_ =	shalt  }
0x58: {  	_ =	shalt  }
0x59: {  	_ =	shalt  }
0x5a: {  	_ =	shalt  }
0x5b: {  	_ =	shalt  }
0x5c: {  	_ =	shalt  }
0x5d: {  	_ =	shalt  }
0x5e: {  	_ =	shalt  }
0x5f: {  	_ =	shalt  }
0x60: {  	_ =	shalt  }
0x61: {  	_ =	shalt  }
0x62: {  	_ =	shalt  }
0x63: {  	_ =	shalt  }
0x64: {  	_ =	shalt  }
0x65: {  	_ =	shalt  }
0x66: {  	_ =	shalt  }
0x67: {  	_ =	shalt  }
0x68: {  	_ =	shalt  }
0x69: {  	_ =	shalt  }
0x6a: {  	_ =	shalt  }
0x6b: {  	_ =	shalt  }
0x6c: {  	_ =	shalt  }
0x6d: {  	_ =	shalt  }
0x6e: {  	_ =	shalt  }
0x6f: {  	_ =	shalt  }
0x70: {  	_ =	shalt  }
0x71: {  	_ =	shalt  }
0x72: {  	_ =	shalt  }
0x73: {  	_ =	shalt  }
0x74: {  	_ =	shalt  }
0x75: {  	_ =	shalt  }
0x76: {  	_ =	shalt  }
0x77: {  	_ =	shalt  }
0x78: {  	_ =	shalt  }
0x79: {  	_ =	shalt  }
0x7a: {  	_ =	shalt  }
0x7b: {  	_ =	shalt  }
0x7c: {  	_ =	shalt  }
0x7d: {  	_ =	shalt  }
0x7e: {  	_ =	shalt  }
0x7f: {  	_ =	shalt  }
0x80: {  	_ =	shalt  }
0x81: {  	_ =	shalt  }
0x82: {  	_ =	shalt  }
0x83: {  	_ =	shalt  }
0x84: {  	_ =	shalt  }
0x85: {  	_ =	shalt  }
0x86: {  	_ =	shalt  }
0x87: {  	_ =	shalt  }
.Lfunc_end0:
.L_simem_size_0:
called_computation.1_lowered:
.L_overlay_start_0:
0x88: {  	s2 =	sld [smem:$0x3FD9]  }
0x89: {  	s3 =	sld [smem:$0x3FFE];
	_ =	sdelay $0x1  }
0x8a: {  	s1 =	srdreg.scid  }
0x8b: {  	s0 =	sand.u32 $0x1, s1  }
0x8c: {  	s17 =	sshll.u32 s0, $0xA;
	s2 =	sadd.s32 s3, s2  }
0x8d: {  	s2 =	sadd.s32 s2, s17  }
0x8e: {  	[smem:$0x3FC2] =	sst s2  }
0x8f: {  	_ = 	snop  }
0x90: {  	s2 =	sld [smem:$0x3FC7];
	(tm) =	ssettm $0x1  }
0x91: {  	s18 =	sld [smem:$0x3FFB];
	_ =	sdelay $0x3  }
0x92: {  	_ =	strace s18  }
0x93: {  	s3 =	sld [smem:$0x3FFC];
	_ =	sdelay $0x3  }
0x94: {  	_ =	strace s3  }
0x95: {  	s3 =	sld [smem:$0x3FFD];
	_ =	sdelay $0x3  }
0x96: {  	_ =	strace s3  }
0x97: {  	_ =	strace $0x8FFFFFFF  }
0x98: {  	s19 =	sld [smem:$0x3FDB];
	_ =	sdelay $0x1  }
0x99: {  	s4 =	simm.s32 $_scs_section_size  }
0x9a: {  	s5 =	simm.s32 $_size__tile_overlayer_lowered;
	s6 =	simm.s32 $_tile_overlayer_lowered  }
0x9b: {  	s22 =	simm.s32 $0x1BFF;
	s21 =	sshll.u32 s6, $0x1;
	s3 =	sadd.s32 s4, s19  }
0x9c: {  	s7 =	simm.s32 $0x0;
	s20 =	sshll.u32 s5, $0x1;
	s5 =	sadd.s32 s21, s3  }
0x9d: {  	[timem:s7], [sflag:s22] =	dma.local [hbm:s5], s20  }
0x9e: {  	_ =	swait.ge [sflag:s22], s20  }
0x9f: {  	s4 =	ssub.s32 $0x0, s20;
	[sflag:s22] =	ssyncset.done $0x0  }
0xa0: {  	[sflag:s22] =	ssyncadd.s32 s4;
	_ =	sdelay $0x1  }
0xa1: {  	s23 =	simm.s32 $0x1B8B  }
0xa2: {  	_ =	swait.ge [sflag:s23], $0x1  }
0xa3: {  	[sflag:s23] =	ssyncset.done $0x0  }
0xa4: {  	s25 =	simm.s32 $0x1B8E;
	s24 =	sld [smem:$0x3FFE];
	[sflag:s23] =	ssyncadd.s32 $0xFFFFFFFF  }
0xa5: {  	s26 =	simm.s32 $execute0_lowered;
	[smem:$0x3FD2] =	sst s25  }
0xa6: {  	s5 =	sshll.u32 s26, $0x1;
	_ =	strace $0x80000049;
	[dreg:$0x1] =	wrdreg $0xFFFFFFFF  }
0xa7: {  	s28 =	simm.s32 $_size_execute0_lowered;
	s3 =	sadd.s32 s3, s5;
	[dreg:$0x0] =	wrdreg $0x0  }
0xa8: {  	s5 =	sshll.u32 s28, $0x1;
	[dreg:$0x2] =	wrdreg s3  }
0xa9: {  	[dreg:$0x3] =	wrdreg s5  }
0xaa: {  	[dreg:$0x4] =	wrdreg $0xC0  }
0xab: {  	_ =	task [dreg:s7], $0x5FFFF  }
0xac: {  	[dreg:$0x1] =	wrdreg $0xFFFFFFFF  }
0xad: {  	[dreg:$0x0] =	wrdreg $0x60  }
0xae: {  	[dreg:$0x2] =	wrdreg s24  }
0xaf: {  	[dreg:$0x3] =	wrdreg s2  }
0xb0: {  	[dreg:$0x4] =	wrdreg $0x9  }
0xb1: {  	_ =	task.clear_ibuf [dreg:s7], $0x5FFFF;
	_ =	strace $0x90000049  }
0xb2: {  	s29 =	simm.s32 $0x9;
	_ =	strace $0x8000004B  }
0xb3: {  	_ =	swait.ge [sflag:s29], $0x1  }
0xb4: {  	[sflag:s29] =	ssyncadd.s32 $0xFFFFFFFF  }
0xb5: {  	_ =	strace $0x9000004B  }
0xb6: {  	_ =	sfence  }
0xb7: {  	s30 =	sld [smem:$0x0];
	_ =	sdelay $0x2  }
0xb8: {  	s31 =	sshll.u32 s1, $0xD;
	s1 =	sshrl.u32 s1, $0x2  }
0xb9: {  	s3 =	sand.u32 $0x4000, s31;
	s1 =	sadd.s32 s1, s30  }
0xba: {  	s0 =	sor.u32 s3, s0;
	s1 =	sshll.u32 s1, $0x11  }
0xbb: {  	s0 =	sor.u32 s1, s0  }
0xbc: {  	s0 =	sadd.s32 $0x8F2B, s0  }
0xbd: {  	[sflag:s0] =	ssyncadd.remote.s32 $0x1  }
0xbe: {  	_ =	sfence.sel $0xFFFF  }
0xbf: {  	[dreg:$0x0] =	wrdreg $0xFFFFFFFF;
	(pc) =	sbr.abs _section_cstart, $3  }
0xc0: {  	[dreg:$0x1] =	wrdreg $0xFFFFFFFF  }
0xc1: {  	_ =	task.clear_ibuf [dreg:s7], $0x2FFFF;
	_ =	strace $0x9FFFFFFF  }
0xc2: {  	(tm) =	ssettm $0x7FFFFFFF  }
0xc3: {  	_ =	shalt  }
tec
execute0_lowered:
.L_overlay_start_1:
0x0: {  	(tag) =	ssettag $0x1  }
0x1: {  	s7 =	rddreg [dreg:$0x0]  }
0x2: {  	s8 =	rddreg [dreg:$0x1]  }
0x3: {  	s0 =	rddreg [dreg:$0x2]  }
0x4: {  	s2 =	simm.s32 $0x0;
	s3 =	srdreg.scid;
	s1 =	stileid.u32  }
0x5: {  	s13 =	simm.s32 $0x200;
	s14 =	simm.s32 $0x1200;
	s15 =	simm.s32 $0x2200  }
0x6: {  	s16 =	simm.s32 $0x1;
	s17 =	simm.s32 $0x3200;
	s18 =	simm.s32 $0x3400  }
0x7: {  	s19 =	simm.s32 $0x0;
	[smem:$0x7FF] =	sst s2;
	s6 =	sand.u32 $0x1, s3  }
0x8: {  	v0 =	vlaneseq.u32;
	s3 =	sadd.s32 $0x42B600, s7;
	s5 =	sshll.u32 s1, $0xA;
	s9 =	sshll.u32 s6, $0x9  }
0x9: {  	s4 =	sadd.s32 $0x40B600, s7;
	v0 =	vmul.u32 $0x20, v0;
	s31 =	ssub.s32 $0x2, s6;
	s5 =	sor.u32 s9, s5  }
0xa: {  	_ =	strace $0x8000004A;
	s11 =	sshrl.u32 s31, $0x1;
	s10 =	sshrl.u32 s5, $0x3  }
0xb: {  	v1 =	vimm.s32 $0x0;
	s6 =	sadd.s32 $0x41B600, s7;
	v2 =	vor.u32 $0x200, v0;
	s11 =	ssub.s32 s31, s11;
	s12 =	sadd.s32 s10, s7  }
0xc: {  	v3 =	vor.u32 $0x400, v0;
	v4 =	vor.u32 $0x600, v0;
	v5 =	vor.u32 $0x800, v0;
	s7 =	sadd.s32 s8, s10;
	s10 =	smax.u32 s11, $0x1;
	s11 =	simm.s32 $0x2  }
0xd: {  	v6 =	vor.u32 $0xA00, v0;
	v7 =	vor.u32 $0xC00, v0;
	v8 =	vor.u32 $0xE00, v0;
	s8 =	sadd.s32 $0x1600, s12;
	s9 =	sadd.s32 $0x1E00, s12;
	s12 =	simm.s32 $0x80  }
.LBB2_1:
0xe: {  	[tilespmem:s2], [sflag:$0x2] =	stream.linear.gather [hbm4b:s7+s2], $0x200, $0x38;
	[tilespmem:$0x3600] =	vst v63  }
0xf: {  	_ =	swait.ge [sflag:s11], $0x200  }
0x10: {  	[sflag:s11] =	ssyncset.done $0x0  }
0x11: {  	s20 =	simm.s32 $0x0;
	s21 =	simm.s32 $0x40;
	[sflag:s11] =	ssyncadd.s32 $0xFFFFFE00  }
.LBB2_2:
0x12: {  	p0 =	sne.s32 s21, $0x7C0;
	v9 =	vld [tilespmem:s20+$0x0];
	_ =	sdelay $0x4  }
0x13: {  	vm0 =	vgt.s32 v9, $0x3FFFF;
	vm1 =	vgt.s32 v9, $0x7FFFF  }
0x14: {  	v10 =	vsel vm0, $0x1, v1;
	v11 =	vsel vm1, $0x1, v1;
	vm0 =	vgt.s32 v9, $0xBFFFF  }
.Ltmp0:
0x15: {  	v10 =	vadd.s32 v11, v10;
	v11 =	vsel vm0, $0x1, v1;
	(pc) =	sbr.rel @p0 .LBB2_2-.Ltmp0, $4  }
0x16: {  	v9 =	vshll.u32 v9, $0x2;
	v10 =	vadd.s32 v11, v10  }
0x17: {  	v9 =	vadd.s32 v9, v10;
	v10 =	vshll.u32 v10, $0x14  }
0x18: {  	v9 =	vsub.s32 v9, v10  }
0x19: {  	[tilespmem:s20+$0x0] =	vst v9;
	s20 =	sshra.s32 s21, $0x2;
	s21 =	sadd.s32 $0x40, s21  }
0x1a: {  	v9 =	vld [tilespmem:s20+$0x0];
	_ =	sdelay $0x4  }
0x1b: {  	vm0 =	vgt.s32 v9, $0x3FFFF;
	vm1 =	vgt.s32 v9, $0x7FFFF  }
0x1c: {  	vm15 =	vgt.s32 v9, $0xBFFFF;
	v10 =	vsel vm0, $0x1, v1;
	v11 =	vsel vm1, $0x1, v1  }
0x1d: {  	v10 =	vadd.s32 v11, v10;
	v11 =	vsel vm15, $0x1, v1  }
0x1e: {  	v9 =	vshll.u32 v9, $0x2;
	v10 =	vadd.s32 v11, v10  }
0x1f: {  	v9 =	vadd.s32 v9, v10;
	v10 =	vshll.u32 v10, $0x14  }
0x20: {  	v9 =	vsub.s32 v9, v10  }
0x21: {  	s21 =	simm.s32 $0x0;
	[tilespmem:s20+$0x0] =	vst v9;
	s20 =	simm.s32 $0x0  }
.LBB2_4:
0x22: {  	s22 =	sshll.u32 s21, $0x7  }
0x23: {  	[tilespmem:s13], [sflag:$0x1] =	stream.indirect.gather [hbm4b:s3+s12], $0x20, s22, s12, $0xb8;
	[tilespmem:$0x3600] =	vst v63  }
0x24: {  	s23 =	sor.u32 s5, s22  }
0x25: {  	s23 =	sshll.u32 s23, $0x2  }
0x26: {  	s24 =	sadd.s32 s4, s23  }
0x27: {  	[tilespmem:s14], [sflag:$0x1] =	stream.linear.gather [hbm4b:s24+s20], $0x1000, $0x38;
	[tilespmem:$0x3600] =	vst v63  }
0x28: {  	s23 =	sadd.s32 s6, s23  }
0x29: {  	[tilespmem:s15], [sflag:$0x1] =	stream.linear.gather [hbm4b:s23+s20], $0x1000, $0x38;
	[tilespmem:$0x3600] =	vst v63  }
0x2a: {  	v9 =	vmov s20;
	_ =	swait.ge [sflag:s16], $0x1000  }
0x2b: {  	v9 =	vand.u32 $0x1F, v9;
	[sflag:s16] =	ssyncset.done $0x0  }
0x2c: {  	v9 =	vbroadcast v9, $0x0;
	[sflag:s16] =	ssyncadd.s32 $0xFFFFF000  }
0x2d: {  	_ =	swait.ge [sflag:s16], $0x1000  }
0x2e: {  	s30 =	simm.s32 $0x1;
	v9 =	vor.u32 v0, v9;
	[sflag:s16] =	ssyncset.done $0x0  }
0x2f: {  	v10 =	vmov s30;
	[sflag:s16] =	ssyncadd.s32 $0xFFFFF000  }
0x30: {  	v10 =	vand.u32 $0x1F, v10;
	_ =	swait.ge [sflag:s16], $0x1000  }
0x31: {  	v10 =	vbroadcast v10, $0x0;
	[sflag:s16] =	ssyncset.done $0x0  }
0x32: {  	[sflag:s16] =	ssyncadd.s32 $0xFFFFF000  }
0x33: {  	v12 =	vor.u32 v0, v10;
	v13 =	vld.idx.msk [tilespmem:v9+s13+$0x0], $0xffff  }
0x34: {  	s31 =	simm.s32 $0x2;
	v15 =	vld.idx.msk [tilespmem:v9+s15+$0x0], $0xffff  }
0x35: {  	v17 =	vld.idx.msk [tilespmem:v9+s14+$0x0], $0xffff;
	v9 =	vmov s31  }
0x36: {  	v9 =	vand.u32 $0x1F, v9  }
0x37: {  	v11 =	vbroadcast v9, $0x0  }
0x38: {  	v9 =	vld.idx.msk [tilespmem:v12+s13+$0x0], $0xffff  }
0x39: {  	v14 =	vor.u32 v0, v11;
	v11 =	vld.idx.msk [tilespmem:v12+s15+$0x0], $0xffff;
	v16 =	vmul.f32 v15, v13  }
0x3a: {  	v10 =	vimm.f32 $0.0e+00;
	s23 =	simm.s32 $0x3;
	v12 =	vld.idx.msk [tilespmem:v12+s14+$0x0], $0xffff;
	v17 =	vmul.f32 v17, v13;
	v13 =	vimm.f32 $0.0e+00;
	v15 =	vmovc v14  }
.LBB2_5:
0x3b: {  	v18 =	vmov s23;
	v10 =	vadd.f32 v16, v10;
	p0 =	sne.s32 s23, $0x1F  }
.Ltmp1:
0x3c: {  	s23 =	sadd.s32 $0x1, s23;
	v16 =	vand.u32 $0x1F, v18;
	v13 =	vadd.f32 v17, v13;
	(pc) =	sbr.rel @p0 .LBB2_5-.Ltmp1, $4  }
0x3d: {  	v16 =	vbroadcast v16, $0x0  }
0x3e: {  	v17 =	vmov v9;
	v9 =	vld.idx.msk [tilespmem:v14+s13+$0x0], $0xffff  }
0x3f: {  	v14 =	vor.u32 v0, v16;
	v16 =	vmul.f32 v11, v17;
	v11 =	vld.idx.msk [tilespmem:v15+s15+$0x0], $0xffff  }
0x40: {  	v17 =	vmul.f32 v12, v17;
	v12 =	vld.idx.msk [tilespmem:v15+s14+$0x0], $0xffff;
	v15 =	vmov v14  }
0x41: {  	_ =	sdelay $0x3  }
0x42: {  	v14 =	vld.idx.msk [tilespmem:v14+s13+$0x0], $0xffff  }
0x43: {  	v18 =	vld.idx.msk [tilespmem:v15+s14+$0x0], $0xffff  }
0x44: {  	v15 =	vld.idx.msk [tilespmem:v15+s15+$0x0], $0xffff;
	s23 =	simm.s32 $0x0  }
0x45: {  	v19 =	vmov s23  }
0x46: {  	v13 =	vadd.f32 v17, v13;
	v17 =	vand.u32 $0x1F, v19;
	v12 =	vmul.f32 v12, v9  }
0x47: {  	v10 =	vadd.f32 v16, v10;
	v9 =	vmul.f32 v11, v9;
	v11 =	vbroadcast v17, $0x0  }
0x48: {  	v12 =	vadd.f32 v12, v13;
	v13 =	vmul.f32 v18, v14  }
0x49: {  	s30 =	simm.s32 $0x1;
	v9 =	vadd.f32 v9, v10;
	v10 =	vmul.f32 v15, v14;
	v11 =	vor.u32 v2, v11  }
0x4a: {  	v12 =	vadd.f32 v13, v12;
	v13 =	vmov s30  }
0x4b: {  	v9 =	vadd.f32 v10, v9;
	v10 =	vand.u32 $0x1F, v13  }
0x4c: {  	[tilespmem:s22+$0x3200] =	vst v12;
	v10 =	vbroadcast v10, $0x0  }
0x4d: {  	[tilespmem:s22+$0x3400] =	vst v9  }
0x4e: {  	v13 =	vld.idx.msk [tilespmem:v11+s13+$0x0], $0xffff;
	v12 =	vor.u32 v2, v10  }
0x4f: {  	s31 =	simm.s32 $0x2;
	v15 =	vld.idx.msk [tilespmem:v11+s15+$0x0], $0xffff  }
0x50: {  	v9 =	vmov s31;
	v17 =	vld.idx.msk [tilespmem:v11+s14+$0x0], $0xffff  }
0x51: {  	v9 =	vand.u32 $0x1F, v9  }
0x52: {  	v11 =	vbroadcast v9, $0x0  }
0x53: {  	v9 =	vld.idx.msk [tilespmem:v12+s13+$0x0], $0xffff  }
0x54: {  	v14 =	vor.u32 v2, v11;
	v16 =	vmul.f32 v15, v13;
	v11 =	vld.idx.msk [tilespmem:v12+s15+$0x0], $0xffff  }
0x55: {  	s23 =	simm.s32 $0x3;
	v10 =	vimm.f32 $0.0e+00;
	v17 =	vmul.f32 v17, v13;
	v13 =	vimm.f32 $0.0e+00;
	v15 =	vmovc v14;
	v12 =	vld.idx.msk [tilespmem:v12+s14+$0x0], $0xffff  }
.LBB2_7:
0x56: {  	v18 =	vmov s23;
	v10 =	vadd.f32 v16, v10;
	p0 =	sne.s32 s23, $0x1F  }
.Ltmp2:
0x57: {  	s23 =	sadd.s32 $0x1, s23;
	v16 =	vand.u32 $0x1F, v18;
	v13 =	vadd.f32 v17, v13;
	(pc) =	sbr.rel @p0 .LBB2_7-.Ltmp2, $4  }
0x58: {  	v16 =	vbroadcast v16, $0x0  }
0x59: {  	v17 =	vmov v9;
	v9 =	vld.idx.msk [tilespmem:v14+s13+$0x0], $0xffff  }
0x5a: {  	v14 =	vor.u32 v2, v16;
	v16 =	vmul.f32 v11, v17;
	v11 =	vld.idx.msk [tilespmem:v15+s15+$0x0], $0xffff  }
0x5b: {  	v17 =	vmul.f32 v12, v17;
	v12 =	vld.idx.msk [tilespmem:v15+s14+$0x0], $0xffff;
	v15 =	vmov v14  }
0x5c: {  	_ =	sdelay $0x3  }
0x5d: {  	v14 =	vld.idx.msk [tilespmem:v14+s13+$0x0], $0xffff  }
0x5e: {  	v18 =	vld.idx.msk [tilespmem:v15+s14+$0x0], $0xffff  }
0x5f: {  	v15 =	vld.idx.msk [tilespmem:v15+s15+$0x0], $0xffff;
	s23 =	simm.s32 $0x0  }
0x60: {  	v19 =	vmov s23  }
0x61: {  	v13 =	vadd.f32 v17, v13;
	v17 =	vand.u32 $0x1F, v19;
	v12 =	vmul.f32 v12, v9  }
0x62: {  	v10 =	vadd.f32 v16, v10;
	v9 =	vmul.f32 v11, v9;
	v11 =	vbroadcast v17, $0x0  }
0x63: {  	v12 =	vadd.f32 v12, v13;
	v13 =	vmul.f32 v18, v14  }
0x64: {  	s30 =	simm.s32 $0x1;
	v9 =	vadd.f32 v9, v10;
	v10 =	vmul.f32 v15, v14;
	v11 =	vor.u32 v3, v11  }
0x65: {  	v12 =	vadd.f32 v13, v12;
	v13 =	vmov s30  }
0x66: {  	v9 =	vadd.f32 v10, v9;
	v10 =	vand.u32 $0x1F, v13  }
0x67: {  	[tilespmem:s22+$0x3210] =	vst v12;
	v10 =	vbroadcast v10, $0x0  }
0x68: {  	[tilespmem:s22+$0x3410] =	vst v9  }
0x69: {  	v13 =	vld.idx.msk [tilespmem:v11+s13+$0x0], $0xffff;
	v12 =	vor.u32 v3, v10  }
0x6a: {  	s31 =	simm.s32 $0x2;
	v15 =	vld.idx.msk [tilespmem:v11+s15+$0x0], $0xffff  }
0x6b: {  	v9 =	vmov s31;
	v17 =	vld.idx.msk [tilespmem:v11+s14+$0x0], $0xffff  }
0x6c: {  	v9 =	vand.u32 $0x1F, v9  }
0x6d: {  	v11 =	vbroadcast v9, $0x0  }
0x6e: {  	v9 =	vld.idx.msk [tilespmem:v12+s13+$0x0], $0xffff  }
0x6f: {  	v14 =	vor.u32 v3, v11;
	v16 =	vmul.f32 v15, v13;
	v11 =	vld.idx.msk [tilespmem:v12+s15+$0x0], $0xffff  }
0x70: {  	s23 =	simm.s32 $0x3;
	v10 =	vimm.f32 $0.0e+00;
	v17 =	vmul.f32 v17, v13;
	v13 =	vimm.f32 $0.0e+00;
	v15 =	vmovc v14;
	v12 =	vld.idx.msk [tilespmem:v12+s14+$0x0], $0xffff  }
.LBB2_9:
0x71: {  	v18 =	vmov s23;
	v10 =	vadd.f32 v16, v10;
	p0 =	sne.s32 s23, $0x1F  }
.Ltmp3:
0x72: {  	s23 =	sadd.s32 $0x1, s23;
	v16 =	vand.u32 $0x1F, v18;
	v13 =	vadd.f32 v17, v13;
	(pc) =	sbr.rel @p0 .LBB2_9-.Ltmp3, $4  }
0x73: {  	v16 =	vbroadcast v16, $0x0  }
0x74: {  	v17 =	vmov v9;
	v9 =	vld.idx.msk [tilespmem:v14+s13+$0x0], $0xffff  }
0x75: {  	v14 =	vor.u32 v3, v16;
	v16 =	vmul.f32 v11, v17;
	v11 =	vld.idx.msk [tilespmem:v15+s15+$0x0], $0xffff  }
0x76: {  	v17 =	vmul.f32 v12, v17;
	v12 =	vld.idx.msk [tilespmem:v15+s14+$0x0], $0xffff;
	v15 =	vmov v14  }
0x77: {  	_ =	sdelay $0x3  }
0x78: {  	v14 =	vld.idx.msk [tilespmem:v14+s13+$0x0], $0xffff  }
0x79: {  	v18 =	vld.idx.msk [tilespmem:v15+s14+$0x0], $0xffff  }
0x7a: {  	v15 =	vld.idx.msk [tilespmem:v15+s15+$0x0], $0xffff;
	s23 =	simm.s32 $0x0  }
0x7b: {  	v19 =	vmov s23  }
0x7c: {  	v13 =	vadd.f32 v17, v13;
	v17 =	vand.u32 $0x1F, v19;
	v12 =	vmul.f32 v12, v9  }
0x7d: {  	v10 =	vadd.f32 v16, v10;
	v9 =	vmul.f32 v11, v9;
	v11 =	vbroadcast v17, $0x0  }
0x7e: {  	v12 =	vadd.f32 v12, v13;
	v13 =	vmul.f32 v18, v14  }
0x7f: {  	s30 =	simm.s32 $0x1;
	v9 =	vadd.f32 v9, v10;
	v10 =	vmul.f32 v15, v14;
	v11 =	vor.u32 v4, v11  }
0x80: {  	v12 =	vadd.f32 v13, v12;
	v13 =	vmov s30  }
0x81: {  	v9 =	vadd.f32 v10, v9;
	v10 =	vand.u32 $0x1F, v13  }
0x82: {  	[tilespmem:s22+$0x3220] =	vst v12;
	v10 =	vbroadcast v10, $0x0  }
0x83: {  	[tilespmem:s22+$0x3420] =	vst v9  }
0x84: {  	v13 =	vld.idx.msk [tilespmem:v11+s13+$0x0], $0xffff;
	v12 =	vor.u32 v4, v10  }
0x85: {  	s31 =	simm.s32 $0x2;
	v15 =	vld.idx.msk [tilespmem:v11+s15+$0x0], $0xffff  }
0x86: {  	v9 =	vmov s31;
	v17 =	vld.idx.msk [tilespmem:v11+s14+$0x0], $0xffff  }
0x87: {  	v9 =	vand.u32 $0x1F, v9  }
0x88: {  	v11 =	vbroadcast v9, $0x0  }
0x89: {  	v9 =	vld.idx.msk [tilespmem:v12+s13+$0x0], $0xffff  }
0x8a: {  	v14 =	vor.u32 v4, v11;
	v16 =	vmul.f32 v15, v13;
	v11 =	vld.idx.msk [tilespmem:v12+s15+$0x0], $0xffff  }
0x8b: {  	s23 =	simm.s32 $0x3;
	v10 =	vimm.f32 $0.0e+00;
	v17 =	vmul.f32 v17, v13;
	v13 =	vimm.f32 $0.0e+00;
	v15 =	vmovc v14;
	v12 =	vld.idx.msk [tilespmem:v12+s14+$0x0], $0xffff  }
.LBB2_11:
0x8c: {  	v18 =	vmov s23;
	v10 =	vadd.f32 v16, v10;
	p0 =	sne.s32 s23, $0x1F  }
.Ltmp4:
0x8d: {  	s23 =	sadd.s32 $0x1, s23;
	v16 =	vand.u32 $0x1F, v18;
	v13 =	vadd.f32 v17, v13;
	(pc) =	sbr.rel @p0 .LBB2_11-.Ltmp4, $4  }
0x8e: {  	v16 =	vbroadcast v16, $0x0  }
0x8f: {  	v17 =	vmov v9;
	v9 =	vld.idx.msk [tilespmem:v14+s13+$0x0], $0xffff  }
0x90: {  	v14 =	vor.u32 v4, v16;
	v16 =	vmul.f32 v11, v17;
	v11 =	vld.idx.msk [tilespmem:v15+s15+$0x0], $0xffff  }
0x91: {  	v17 =	vmul.f32 v12, v17;
	v12 =	vld.idx.msk [tilespmem:v15+s14+$0x0], $0xffff;
	v15 =	vmov v14  }
0x92: {  	_ =	sdelay $0x3  }
0x93: {  	v14 =	vld.idx.msk [tilespmem:v14+s13+$0x0], $0xffff  }
0x94: {  	v18 =	vld.idx.msk [tilespmem:v15+s14+$0x0], $0xffff  }
0x95: {  	v15 =	vld.idx.msk [tilespmem:v15+s15+$0x0], $0xffff;
	s23 =	simm.s32 $0x0  }
0x96: {  	v19 =	vmov s23  }
0x97: {  	v13 =	vadd.f32 v17, v13;
	v17 =	vand.u32 $0x1F, v19;
	v12 =	vmul.f32 v12, v9  }
0x98: {  	v10 =	vadd.f32 v16, v10;
	v9 =	vmul.f32 v11, v9;
	v11 =	vbroadcast v17, $0x0  }
0x99: {  	v12 =	vadd.f32 v12, v13;
	v13 =	vmul.f32 v18, v14  }
0x9a: {  	s30 =	simm.s32 $0x1;
	v9 =	vadd.f32 v9, v10;
	v10 =	vmul.f32 v15, v14;
	v11 =	vor.u32 v5, v11  }
0x9b: {  	v12 =	vadd.f32 v13, v12;
	v13 =	vmov s30  }
0x9c: {  	v9 =	vadd.f32 v10, v9;
	v10 =	vand.u32 $0x1F, v13  }
0x9d: {  	[tilespmem:s22+$0x3230] =	vst v12;
	v10 =	vbroadcast v10, $0x0  }
0x9e: {  	[tilespmem:s22+$0x3430] =	vst v9  }
0x9f: {  	v13 =	vld.idx.msk [tilespmem:v11+s13+$0x0], $0xffff;
	v12 =	vor.u32 v5, v10  }
0xa0: {  	s31 =	simm.s32 $0x2;
	v15 =	vld.idx.msk [tilespmem:v11+s15+$0x0], $0xffff  }
0xa1: {  	v9 =	vmov s31;
	v17 =	vld.idx.msk [tilespmem:v11+s14+$0x0], $0xffff  }
0xa2: {  	v9 =	vand.u32 $0x1F, v9  }
0xa3: {  	v11 =	vbroadcast v9, $0x0  }
0xa4: {  	v9 =	vld.idx.msk [tilespmem:v12+s13+$0x0], $0xffff  }
0xa5: {  	v14 =	vor.u32 v5, v11;
	v16 =	vmul.f32 v15, v13;
	v11 =	vld.idx.msk [tilespmem:v12+s15+$0x0], $0xffff  }
0xa6: {  	s23 =	simm.s32 $0x3;
	v10 =	vimm.f32 $0.0e+00;
	v17 =	vmul.f32 v17, v13;
	v13 =	vimm.f32 $0.0e+00;
	v15 =	vmovc v14;
	v12 =	vld.idx.msk [tilespmem:v12+s14+$0x0], $0xffff  }
.LBB2_13:
0xa7: {  	v18 =	vmov s23;
	v10 =	vadd.f32 v16, v10;
	p0 =	sne.s32 s23, $0x1F  }
.Ltmp5:
0xa8: {  	s23 =	sadd.s32 $0x1, s23;
	v16 =	vand.u32 $0x1F, v18;
	v13 =	vadd.f32 v17, v13;
	(pc) =	sbr.rel @p0 .LBB2_13-.Ltmp5, $4  }
0xa9: {  	v16 =	vbroadcast v16, $0x0  }
0xaa: {  	v17 =	vmov v9;
	v9 =	vld.idx.msk [tilespmem:v14+s13+$0x0], $0xffff  }
0xab: {  	v14 =	vor.u32 v5, v16;
	v16 =	vmul.f32 v11, v17;
	v11 =	vld.idx.msk [tilespmem:v15+s15+$0x0], $0xffff  }
0xac: {  	v17 =	vmul.f32 v12, v17;
	v12 =	vld.idx.msk [tilespmem:v15+s14+$0x0], $0xffff;
	v15 =	vmov v14  }
0xad: {  	_ =	sdelay $0x3  }
0xae: {  	v14 =	vld.idx.msk [tilespmem:v14+s13+$0x0], $0xffff  }
0xaf: {  	v18 =	vld.idx.msk [tilespmem:v15+s14+$0x0], $0xffff  }
0xb0: {  	v15 =	vld.idx.msk [tilespmem:v15+s15+$0x0], $0xffff;
	s23 =	simm.s32 $0x0  }
0xb1: {  	v19 =	vmov s23  }
0xb2: {  	v13 =	vadd.f32 v17, v13;
	v17 =	vand.u32 $0x1F, v19;
	v12 =	vmul.f32 v12, v9  }
0xb3: {  	v10 =	vadd.f32 v16, v10;
	v9 =	vmul.f32 v11, v9;
	v11 =	vbroadcast v17, $0x0  }
0xb4: {  	v12 =	vadd.f32 v12, v13;
	v13 =	vmul.f32 v18, v14  }
0xb5: {  	s30 =	simm.s32 $0x1;
	v9 =	vadd.f32 v9, v10;
	v10 =	vmul.f32 v15, v14;
	v11 =	vor.u32 v6, v11  }
0xb6: {  	v12 =	vadd.f32 v13, v12;
	v13 =	vmov s30  }
0xb7: {  	v9 =	vadd.f32 v10, v9;
	v10 =	vand.u32 $0x1F, v13  }
0xb8: {  	[tilespmem:s22+$0x3240] =	vst v12;
	v10 =	vbroadcast v10, $0x0  }
0xb9: {  	[tilespmem:s22+$0x3440] =	vst v9  }
0xba: {  	v13 =	vld.idx.msk [tilespmem:v11+s13+$0x0], $0xffff;
	v12 =	vor.u32 v6, v10  }
0xbb: {  	s31 =	simm.s32 $0x2;
	v15 =	vld.idx.msk [tilespmem:v11+s15+$0x0], $0xffff  }
0xbc: {  	v9 =	vmov s31;
	v17 =	vld.idx.msk [tilespmem:v11+s14+$0x0], $0xffff  }
0xbd: {  	v9 =	vand.u32 $0x1F, v9  }
0xbe: {  	v11 =	vbroadcast v9, $0x0  }
0xbf: {  	v9 =	vld.idx.msk [tilespmem:v12+s13+$0x0], $0xffff  }
0xc0: {  	v14 =	vor.u32 v6, v11;
	v16 =	vmul.f32 v15, v13;
	v11 =	vld.idx.msk [tilespmem:v12+s15+$0x0], $0xffff  }
0xc1: {  	s23 =	simm.s32 $0x3;
	v10 =	vimm.f32 $0.0e+00;
	v17 =	vmul.f32 v17, v13;
	v13 =	vimm.f32 $0.0e+00;
	v15 =	vmovc v14;
	v12 =	vld.idx.msk [tilespmem:v12+s14+$0x0], $0xffff  }
.LBB2_15:
0xc2: {  	v18 =	vmov s23;
	v10 =	vadd.f32 v16, v10;
	p0 =	sne.s32 s23, $0x1F  }
.Ltmp6:
0xc3: {  	s23 =	sadd.s32 $0x1, s23;
	v16 =	vand.u32 $0x1F, v18;
	v13 =	vadd.f32 v17, v13;
	(pc) =	sbr.rel @p0 .LBB2_15-.Ltmp6, $4  }
0xc4: {  	v16 =	vbroadcast v16, $0x0  }
0xc5: {  	v17 =	vmov v9;
	v9 =	vld.idx.msk [tilespmem:v14+s13+$0x0], $0xffff  }
0xc6: {  	v14 =	vor.u32 v6, v16;
	v16 =	vmul.f32 v11, v17;
	v11 =	vld.idx.msk [tilespmem:v15+s15+$0x0], $0xffff  }
0xc7: {  	v17 =	vmul.f32 v12, v17;
	v12 =	vld.idx.msk [tilespmem:v15+s14+$0x0], $0xffff;
	v15 =	vmov v14  }
0xc8: {  	_ =	sdelay $0x3  }
0xc9: {  	v14 =	vld.idx.msk [tilespmem:v14+s13+$0x0], $0xffff  }
0xca: {  	v18 =	vld.idx.msk [tilespmem:v15+s14+$0x0], $0xffff  }
0xcb: {  	v15 =	vld.idx.msk [tilespmem:v15+s15+$0x0], $0xffff;
	s23 =	simm.s32 $0x0  }
0xcc: {  	v19 =	vmov s23  }
0xcd: {  	v13 =	vadd.f32 v17, v13;
	v17 =	vand.u32 $0x1F, v19;
	v12 =	vmul.f32 v12, v9  }
0xce: {  	v10 =	vadd.f32 v16, v10;
	v9 =	vmul.f32 v11, v9;
	v11 =	vbroadcast v17, $0x0  }
0xcf: {  	v12 =	vadd.f32 v12, v13;
	v13 =	vmul.f32 v18, v14  }
0xd0: {  	s30 =	simm.s32 $0x1;
	v9 =	vadd.f32 v9, v10;
	v10 =	vmul.f32 v15, v14;
	v11 =	vor.u32 v7, v11  }
0xd1: {  	v12 =	vadd.f32 v13, v12;
	v13 =	vmov s30  }
0xd2: {  	v9 =	vadd.f32 v10, v9;
	v10 =	vand.u32 $0x1F, v13  }
0xd3: {  	[tilespmem:s22+$0x3250] =	vst v12;
	v10 =	vbroadcast v10, $0x0  }
0xd4: {  	[tilespmem:s22+$0x3450] =	vst v9  }
0xd5: {  	v13 =	vld.idx.msk [tilespmem:v11+s13+$0x0], $0xffff;
	v12 =	vor.u32 v7, v10  }
0xd6: {  	s31 =	simm.s32 $0x2;
	v15 =	vld.idx.msk [tilespmem:v11+s15+$0x0], $0xffff  }
0xd7: {  	v9 =	vmov s31;
	v17 =	vld.idx.msk [tilespmem:v11+s14+$0x0], $0xffff  }
0xd8: {  	v9 =	vand.u32 $0x1F, v9  }
0xd9: {  	v11 =	vbroadcast v9, $0x0  }
0xda: {  	v9 =	vld.idx.msk [tilespmem:v12+s13+$0x0], $0xffff  }
0xdb: {  	v14 =	vor.u32 v7, v11;
	v16 =	vmul.f32 v15, v13;
	v11 =	vld.idx.msk [tilespmem:v12+s15+$0x0], $0xffff  }
0xdc: {  	s23 =	simm.s32 $0x3;
	v10 =	vimm.f32 $0.0e+00;
	v17 =	vmul.f32 v17, v13;
	v13 =	vimm.f32 $0.0e+00;
	v15 =	vmovc v14;
	v12 =	vld.idx.msk [tilespmem:v12+s14+$0x0], $0xffff  }
.LBB2_17:
0xdd: {  	v18 =	vmov s23;
	v10 =	vadd.f32 v16, v10;
	p0 =	sne.s32 s23, $0x1F  }
.Ltmp7:
0xde: {  	s23 =	sadd.s32 $0x1, s23;
	v16 =	vand.u32 $0x1F, v18;
	v13 =	vadd.f32 v17, v13;
	(pc) =	sbr.rel @p0 .LBB2_17-.Ltmp7, $4  }
0xdf: {  	v16 =	vbroadcast v16, $0x0  }
0xe0: {  	v17 =	vmov v9;
	v9 =	vld.idx.msk [tilespmem:v14+s13+$0x0], $0xffff  }
0xe1: {  	v14 =	vor.u32 v7, v16;
	v16 =	vmul.f32 v11, v17;
	v11 =	vld.idx.msk [tilespmem:v15+s15+$0x0], $0xffff  }
0xe2: {  	v17 =	vmul.f32 v12, v17;
	v12 =	vld.idx.msk [tilespmem:v15+s14+$0x0], $0xffff;
	v15 =	vmov v14  }
0xe3: {  	_ =	sdelay $0x3  }
0xe4: {  	v14 =	vld.idx.msk [tilespmem:v14+s13+$0x0], $0xffff  }
0xe5: {  	v18 =	vld.idx.msk [tilespmem:v15+s14+$0x0], $0xffff  }
0xe6: {  	v15 =	vld.idx.msk [tilespmem:v15+s15+$0x0], $0xffff;
	s23 =	simm.s32 $0x0  }
0xe7: {  	v19 =	vmov s23  }
0xe8: {  	v13 =	vadd.f32 v17, v13;
	v17 =	vand.u32 $0x1F, v19;
	v12 =	vmul.f32 v12, v9  }
0xe9: {  	v10 =	vadd.f32 v16, v10;
	v9 =	vmul.f32 v11, v9;
	v11 =	vbroadcast v17, $0x0  }
0xea: {  	v12 =	vadd.f32 v12, v13;
	v13 =	vmul.f32 v18, v14  }
0xeb: {  	s30 =	simm.s32 $0x1;
	v9 =	vadd.f32 v9, v10;
	v10 =	vmul.f32 v15, v14;
	v11 =	vor.u32 v8, v11  }
0xec: {  	v12 =	vadd.f32 v13, v12;
	v13 =	vmov s30  }
0xed: {  	v9 =	vadd.f32 v10, v9;
	v10 =	vand.u32 $0x1F, v13  }
0xee: {  	[tilespmem:s22+$0x3260] =	vst v12;
	v10 =	vbroadcast v10, $0x0  }
0xef: {  	[tilespmem:s22+$0x3460] =	vst v9  }
0xf0: {  	v14 =	vld.idx.msk [tilespmem:v11+s13+$0x0], $0xffff;
	v12 =	vor.u32 v8, v10  }
0xf1: {  	s31 =	simm.s32 $0x2;
	v15 =	vld.idx.msk [tilespmem:v11+s15+$0x0], $0xffff  }
0xf2: {  	v9 =	vmov s31;
	v17 =	vld.idx.msk [tilespmem:v11+s14+$0x0], $0xffff  }
0xf3: {  	v9 =	vand.u32 $0x1F, v9  }
0xf4: {  	v11 =	vbroadcast v9, $0x0  }
0xf5: {  	v9 =	vld.idx.msk [tilespmem:v12+s13+$0x0], $0xffff  }
0xf6: {  	v13 =	vor.u32 v8, v11;
	v16 =	vmul.f32 v15, v14;
	v11 =	vld.idx.msk [tilespmem:v12+s15+$0x0], $0xffff  }
0xf7: {  	s23 =	simm.s32 $0x3;
	v10 =	vimm.f32 $0.0e+00;
	v17 =	vmul.f32 v17, v14;
	v14 =	vimm.f32 $0.0e+00;
	v15 =	vmovc v13;
	v12 =	vld.idx.msk [tilespmem:v12+s14+$0x0], $0xffff  }
.LBB2_19:
0xf8: {  	v18 =	vmov s23;
	v10 =	vadd.f32 v16, v10;
	p0 =	sne.s32 s23, $0x1F  }
.Ltmp8:
0xf9: {  	s23 =	sadd.s32 $0x1, s23;
	v16 =	vand.u32 $0x1F, v18;
	v14 =	vadd.f32 v17, v14;
	(pc) =	sbr.rel @p0 .LBB2_19-.Ltmp8, $4  }
0xfa: {  	v16 =	vbroadcast v16, $0x0  }
0xfb: {  	v17 =	vmov v9;
	v9 =	vld.idx.msk [tilespmem:v13+s13+$0x0], $0xffff  }
0xfc: {  	v13 =	vor.u32 v8, v16;
	v16 =	vmul.f32 v11, v17;
	v11 =	vld.idx.msk [tilespmem:v15+s15+$0x0], $0xffff  }
0xfd: {  	v17 =	vmul.f32 v12, v17;
	v12 =	vld.idx.msk [tilespmem:v15+s14+$0x0], $0xffff;
	v15 =	vmov v13  }
0xfe: {  	_ =	sdelay $0x3  }
0xff: {  	v13 =	vld.idx.msk [tilespmem:v13+s13+$0x0], $0xffff  }
0x100: {  	v18 =	vld.idx.msk [tilespmem:v15+s14+$0x0], $0xffff  }
0x101: {  	v62 =	vld.idx.msk [tilespmem:v15+s15+$0x0], $0xffff;
	_ =	sdelay $0x1  }
0x102: {  	v14 =	vadd.f32 v17, v14;
	v12 =	vmul.f32 v12, v9  }
0x103: {  	v10 =	vadd.f32 v16, v10;
	s21 =	sadd.s32 $0x1, s21;
	v9 =	vmul.f32 v11, v9  }
0x104: {  	p0 =	sne.s32 s21, $0x4;
	v63 =	vmul.f32 v18, v13;
	v11 =	vadd.f32 v12, v14  }
.Ltmp9:
0x105: {  	v9 =	vadd.f32 v9, v10;
	v10 =	vmul.f32 v62, v13;
	(pc) =	sbr.rel @p0 .LBB2_4-.Ltmp9, $4  }
0x106: {  	v11 =	vadd.f32 v63, v11  }
0x107: {  	v9 =	vadd.f32 v10, v9  }
0x108: {  	[tilespmem:s22+$0x3270] =	vst v11  }
0x109: {  	[tilespmem:s22+$0x3470] =	vst v9  }
0x10a: {  	[hbm4b:s8+s2] =	stream.linear.scatter [tilespmem:s17], [sflag:$0x2], $0x200, $0x38;
	[tilespmem:$0x3600] =	vst v63  }
0x10b: {  	s19 =	sadd.s32 $0x1, s19;
	_ =	swait.ge [sflag:s11], $0x200  }
0x10c: {  	p0 =	sne.s32 s19, s10;
	[sflag:s11] =	ssyncset.done $0x0  }
.Ltmp10:
0x10d: {  	[sflag:s11] =	ssyncadd.s32 $0xFFFFFE00;
	(pc) =	sbr.rel @p0 .LBB2_1-.Ltmp10, $4  }
0x10e: {  	[hbm4b:s9+s2] =	stream.linear.scatter [tilespmem:s18], [sflag:$0x2], $0x200, $0x38;
	[tilespmem:$0x3600] =	vst v63  }
0x10f: {  	_ =	swait.ge [sflag:s11], $0x200  }
0x110: {  	[sflag:s11] =	ssyncset.done $0x0  }
0x111: {  	[sflag:s11] =	ssyncadd.s32 $0xFFFFFE00  }
0x112: {  	_ =	sfence.sel $0x180000  }
0x113: {  	[bflag:$0x0] =	sbarrier.arrive $0xFFFF  }
0x114: {  	p0 =	sne.s32 s1, $0x0;
	_ =	strace $0x9000004A  }
0x115: {  	s0 =	sadd.s32 @!p0 $0x100000, s0;
	[bflag:$0x2] =	sbarrier.arrive $0xFFFF  }
0x116: {  	[sflag:s0] =	ssyncadd.tile.s32 @!p0 $0x1;
	_ =	shalt  }
.Lfunc_end2:
_tile_overlayer_lowered:
.L_overlay_start_2:
0x117: {  	(tag) =	ssettag $0x2  }
0x118: {  	s0 =	rddreg [dreg:$0x0];
	s2 =	stileid.u32  }
0x119: {  	s1 =	rddreg [dreg:$0x1];
	p0 =	sne.s32 s2, $0x0  }
0x11a: {  	s3 =	rddreg [dreg:$0x2];
	[bflag:$0x3] =	sbarrier.arrive $0xFFFF;
	s2 =	simm.s32 @!p0 $0x1C02  }
0x11b: {  	[timem:s3], [sflag:s2] =	dma.local @!p0 [hbm:s0], s1  }
0x11c: {  	s0 =	simm.s32 @!p0 $0x2  }
0x11d: {  	_ =	swait.ge @!p0 [sflag:s0], s1  }
0x11e: {  	s1 =	ssub.s32 @!p0 $0x0, s1;
	[sflag:s0] =	ssyncset.done @!p0 $0x0  }
0x11f: {  	[sflag:s0] =	ssyncadd.s32 @!p0 s1  }
0x120: {  	[bflag:$0x3] =	sbarrier.arrive $0xFFFF  }
0x121: {  	_ =	shalt  }

// kernel: kernel.7.cloned.1.call-start
scs
__scs_entry_jumppad:
0x0: {  	(pc) =	sbr.rel $0x88, $3  }
0x1: {  	(tag) =	ssettag $0x0;
	lr =	simm.s32 $0x1  }
0x2: {  	[smem:$0x3F9B] =	sst lr;
	_ =	strace $0xD0000000  }
0x3: {  	_ = 	snop  }
0x4: {  	_ = 	snop  }
0x5: {  	_ = 	snop  }
0x6: {  	_ = 	snop  }
0x7: {  	_ = 	snop  }
__scs_overlays_trampoline_lowered:
0x8: {  	[smem:$0x3FAA] =	sst s0  }
0x9: {  	[smem:$0x3FAB] =	sst s1  }
0xa: {  	[smem:$0x3FAC] =	sst s2  }
0xb: {  	[smem:$0x3FAD] =	sst s3  }
0xc: {  	[smem:$0x3FAE] =	sst s4  }
0xd: {  	[smem:$0x3FAF] =	sst s5  }
0xe: {  	[smem:$0x3FB0] =	sst s6  }
0xf: {  	[smem:$0x3FB1] =	sst s7  }
0x10: {  	[smem:$0x3FB2] =	sst s8  }
0x11: {  	[smem:$0x3FB3] =	sst s9;
	s0 =	simm.s32 @!p0 $0x0  }
0x12: {  	s1 =	sld [smem:$0x3F99];
	s0 =	simm.s32 @p0 $0x1  }
0x13: {  	[smem:$0x3FB4] =	sst s0;
	s0 =	simm.s32 @!p1 $0x0  }
0x14: {  	s2 =	sld [smem:$0x3F98];
	s0 =	simm.s32 @p1 $0x1  }
0x15: {  	[smem:$0x3FB5] =	sst s0;
	s0 =	simm.s32 @!p2 $0x0  }
0x16: {  	s3 =	sld [smem:$0x3FDB];
	s0 =	simm.s32 @p2 $0x1  }
0x17: {  	s4 =	simm.s32 $0x1BF5;
	[smem:$0x3FB7] =	sst s0  }
0x18: {  	s0 =	sld [smem:$0x3F9A];
	_ =	swait.ge [sflag:s4], $0x0  }
0x19: {  	s7 =	sld [smem:$0x3F9B]  }
0x1a: {  	s8 =	sadd.s32 $0xFFFFE003, lr  }
0x1b: {  	s9 =	sadd.s32 $0xFFFFFEF7, lr;
	s5 =	simm.s32 $0xFFFFFFFF;
	p2 =	slt.u32 s8, $0xFFFFF086  }
0x1c: {  	p1 =	slt.u32 s9, $0xF7A;
	s5 =	simm.s32 @!p2 $0x0  }
0x1d: {  	s5 =	simm.s32 @p1 $0x1;
	p0 =	seq.s32 s7, s2  }
0x1e: {  	s7 =	smul.u32 @!p0 $0xF7A, s2;
	p2 =	seq.s32 @!p0 s5, $0x0  }
0x1f: {  	s9 =	smul.u32 $0xF7A, s1;
	s8 =	simm.s32 @!p0 $0x1BF5;
	p2 =	por !p2, p0  }
0x20: {  	[sflag:s8] =	ssyncset.s32 @!p0 $0xFFFFF086;
	s6 =	sadd.s32 @!p0 s3, s7;
	s7 =	simm.s32 @!p0 $0x108  }
0x21: {  	s3 =	sadd.s32 s3, s9;
	s6 =	sadd.s32 @!p0 $0x88, s6;
	s7 =	simm.s32 @p2 $0x1082  }
0x22: {  	[simem:s7], [sflag:s8] =	dma.local @!p0 [hbm:s6], $0xF7A  }
0x23: {  	s9 =	sor.u32 $0xD0000000, s2;
	s6 =	simm.s32 $0x108;
	_ =	swait.ge @!p0 [sflag:s8], $0x0  }
0x24: {  	s3 =	sadd.s32 $0x88, s3;
	s6 =	simm.s32 @!p1 $0x1082;
	[sflag:s4] =	ssyncset.s32 $0xFFFFF086  }
0x25: {  	[simem:s6], [sflag:s4] =	dma.local [hbm:s3], $0xF7A  }
0x26: {  	[smem:$0x3F9B] =	sst s1;
	(tag) =	ssettag s2;
	_ =	strace s9  }
0x27: {  	s1 =	sld [smem:$0x3FAB]  }
0x28: {  	s2 =	sld [smem:$0x3FAC]  }
0x29: {  	s4 =	sld [smem:$0x3FAE]  }
0x2a: {  	p0 =	seq.s32 s5, $0x0;
	s5 =	sld [smem:$0x3FAF]  }
0x2b: {  	s6 =	sld [smem:$0x3FB0]  }
0x2c: {  	s7 =	sld [smem:$0x3FB1]  }
0x2d: {  	s3 =	simm.s32 $0x108;
	s8 =	sld [smem:$0x3FB2]  }
0x2e: {  	s3 =	simm.s32 @!p0 $0x1082;
	s9 =	sld [smem:$0x3FB3]  }
0x2f: {  	lr =	sadd.s32 s0, s3;
	s0 =	sld [smem:$0x3FAA]  }
0x30: {  	s3 =	sld [smem:$0x3FAD]  }
0x31: {  	[smem:$0x3FB6] =	sst s10  }
0x32: {  	s10 =	sld [smem:$0x3FB4];
	_ =	sdelay $0x3  }
0x33: {  	p0 =	seq.s32 s10, $0x1;
	s10 =	sld [smem:$0x3FB6];
	_ =	sdelay $0x3  }
0x34: {  	[smem:$0x3FB6] =	sst s10  }
0x35: {  	s10 =	sld [smem:$0x3FB5];
	_ =	sdelay $0x3  }
0x36: {  	p1 =	seq.s32 s10, $0x1;
	s10 =	sld [smem:$0x3FB6];
	_ =	sdelay $0x3  }
0x37: {  	[smem:$0x3FB6] =	sst s10  }
0x38: {  	s10 =	sld [smem:$0x3FB7]  }
0x39: {  	_ = 	snop;
	(pc) =	sbr.ind lr, $3  }
0x3a: {  	_ = 	snop  }
0x3b: {  	_ = 	snop  }
0x3c: {  	p2 =	seq.s32 s10, $0x1;
	s10 =	sld [smem:$0x3FB6]  }
0x3d: {  	_ =	shalt  }
0x3e: {  	_ =	shalt  }
0x3f: {  	_ =	shalt  }
0x40: {  	_ =	shalt  }
0x41: {  	_ =	shalt  }
0x42: {  	_ =	shalt  }
0x43: {  	_ =	shalt  }
0x44: {  	_ =	shalt  }
0x45: {  	_ =	shalt  }
0x46: {  	_ =	shalt  }
0x47: {  	_ =	shalt  }
0x48: {  	_ =	shalt  }
0x49: {  	_ =	shalt  }
0x4a: {  	_ =	shalt  }
0x4b: {  	_ =	shalt  }
0x4c: {  	_ =	shalt  }
0x4d: {  	_ =	shalt  }
0x4e: {  	_ =	shalt  }
0x4f: {  	_ =	shalt  }
0x50: {  	_ =	shalt  }
0x51: {  	_ =	shalt  }
0x52: {  	_ =	shalt  }
0x53: {  	_ =	shalt  }
0x54: {  	_ =	shalt  }
0x55: {  	_ =	shalt  }
0x56: {  	_ =	shalt  }
0x57: {  	_ =	shalt  }
0x58: {  	_ =	shalt  }
0x59: {  	_ =	shalt  }
0x5a: {  	_ =	shalt  }
0x5b: {  	_ =	shalt  }
0x5c: {  	_ =	shalt  }
0x5d: {  	_ =	shalt  }
0x5e: {  	_ =	shalt  }
0x5f: {  	_ =	shalt  }
0x60: {  	_ =	shalt  }
0x61: {  	_ =	shalt  }
0x62: {  	_ =	shalt  }
0x63: {  	_ =	shalt  }
0x64: {  	_ =	shalt  }
0x65: {  	_ =	shalt  }
0x66: {  	_ =	shalt  }
0x67: {  	_ =	shalt  }
0x68: {  	_ =	shalt  }
0x69: {  	_ =	shalt  }
0x6a: {  	_ =	shalt  }
0x6b: {  	_ =	shalt  }
0x6c: {  	_ =	shalt  }
0x6d: {  	_ =	shalt  }
0x6e: {  	_ =	shalt  }
0x6f: {  	_ =	shalt  }
0x70: {  	_ =	shalt  }
0x71: {  	_ =	shalt  }
0x72: {  	_ =	shalt  }
0x73: {  	_ =	shalt  }
0x74: {  	_ =	shalt  }
0x75: {  	_ =	shalt  }
0x76: {  	_ =	shalt  }
0x77: {  	_ =	shalt  }
0x78: {  	_ =	shalt  }
0x79: {  	_ =	shalt  }
0x7a: {  	_ =	shalt  }
0x7b: {  	_ =	shalt  }
0x7c: {  	_ =	shalt  }
0x7d: {  	_ =	shalt  }
0x7e: {  	_ =	shalt  }
0x7f: {  	_ =	shalt  }
0x80: {  	_ =	shalt  }
0x81: {  	_ =	shalt  }
0x82: {  	_ =	shalt  }
0x83: {  	_ =	shalt  }
0x84: {  	_ =	shalt  }
0x85: {  	_ =	shalt  }
0x86: {  	_ =	shalt  }
0x87: {  	_ =	shalt  }
.Lfunc_end0:
.L_simem_size_0:
called_computation_lowered:
.L_overlay_start_0:
0x88: {  	s2 =	sld [smem:$0x3FD9]  }
0x89: {  	s3 =	sld [smem:$0x3FFE];
	_ =	sdelay $0x1  }
0x8a: {  	s1 =	srdreg.scid  }
0x8b: {  	s0 =	sand.u32 $0x1, s1  }
0x8c: {  	s17 =	sshll.u32 s0, $0xA;
	s2 =	sadd.s32 s3, s2  }
0x8d: {  	s2 =	sadd.s32 s2, s17  }
0x8e: {  	[smem:$0x3FC2] =	sst s2  }
0x8f: {  	_ = 	snop  }
0x90: {  	s2 =	sld [smem:$0x3FC6];
	(tm) =	ssettm $0x1  }
0x91: {  	s18 =	sld [smem:$0x3FFB];
	_ =	sdelay $0x3  }
0x92: {  	_ =	strace s18  }
0x93: {  	s3 =	sld [smem:$0x3FFC];
	_ =	sdelay $0x3  }
0x94: {  	_ =	strace s3  }
0x95: {  	s3 =	sld [smem:$0x3FFD];
	_ =	sdelay $0x3  }
0x96: {  	_ =	strace s3  }
0x97: {  	_ =	strace $0x8FFFFFFF  }
0x98: {  	s19 =	sld [smem:$0x3FDB];
	_ =	sdelay $0x1  }
0x99: {  	s4 =	simm.s32 $_scs_section_size  }
0x9a: {  	s5 =	simm.s32 $_size__tile_overlayer_lowered;
	s6 =	simm.s32 $_tile_overlayer_lowered  }
0x9b: {  	s22 =	simm.s32 $0x1BFF;
	s21 =	sshll.u32 s6, $0x1;
	s3 =	sadd.s32 s4, s19  }
0x9c: {  	s7 =	simm.s32 $0x0;
	s20 =	sshll.u32 s5, $0x1;
	s5 =	sadd.s32 s21, s3  }
0x9d: {  	[timem:s7], [sflag:s22] =	dma.local [hbm:s5], s20  }
0x9e: {  	_ =	swait.ge [sflag:s22], s20  }
0x9f: {  	s4 =	ssub.s32 $0x0, s20;
	[sflag:s22] =	ssyncset.done $0x0  }
0xa0: {  	[sflag:s22] =	ssyncadd.s32 s4;
	_ =	sdelay $0x1  }
0xa1: {  	s23 =	simm.s32 $0x1B8B  }
0xa2: {  	_ =	swait.ge [sflag:s23], $0x1  }
0xa3: {  	[sflag:s23] =	ssyncset.done $0x0  }
0xa4: {  	s25 =	simm.s32 $0x1B8E;
	s24 =	sld [smem:$0x3FFE];
	[sflag:s23] =	ssyncadd.s32 $0xFFFFFFFF  }
0xa5: {  	s26 =	simm.s32 $execute0_lowered;
	[smem:$0x3FD2] =	sst s25  }
0xa6: {  	s5 =	sshll.u32 s26, $0x1;
	_ =	strace $0x80000046;
	[dreg:$0x1] =	wrdreg $0xFFFFFFFF  }
0xa7: {  	s28 =	simm.s32 $_size_execute0_lowered;
	s3 =	sadd.s32 s3, s5;
	[dreg:$0x0] =	wrdreg $0x0  }
0xa8: {  	s5 =	sshll.u32 s28, $0x1;
	[dreg:$0x2] =	wrdreg s3  }
0xa9: {  	[dreg:$0x3] =	wrdreg s5  }
0xaa: {  	[dreg:$0x4] =	wrdreg $0xC0  }
0xab: {  	_ =	task [dreg:s7], $0x5FFFF  }
0xac: {  	[dreg:$0x1] =	wrdreg $0xFFFFFFFF  }
0xad: {  	[dreg:$0x0] =	wrdreg $0x60  }
0xae: {  	[dreg:$0x2] =	wrdreg s24  }
0xaf: {  	[dreg:$0x3] =	wrdreg s2  }
0xb0: {  	[dreg:$0x4] =	wrdreg $0x9  }
0xb1: {  	_ =	task.clear_ibuf [dreg:s7], $0x5FFFF;
	_ =	strace $0x90000046  }
0xb2: {  	s29 =	simm.s32 $0x9;
	_ =	strace $0x80000048  }
0xb3: {  	_ =	swait.ge [sflag:s29], $0x1  }
0xb4: {  	[sflag:s29] =	ssyncadd.s32 $0xFFFFFFFF  }
0xb5: {  	_ =	strace $0x90000048  }
0xb6: {  	_ =	sfence  }
0xb7: {  	s30 =	sld [smem:$0x0];
	_ =	sdelay $0x2  }
0xb8: {  	s31 =	sshll.u32 s1, $0xD;
	s1 =	sshrl.u32 s1, $0x2  }
0xb9: {  	s3 =	sand.u32 $0x4000, s31;
	s1 =	sadd.s32 s1, s30  }
0xba: {  	s0 =	sor.u32 s3, s0;
	s1 =	sshll.u32 s1, $0x11  }
0xbb: {  	s0 =	sor.u32 s1, s0  }
0xbc: {  	s0 =	sadd.s32 $0x8F2B, s0  }
0xbd: {  	[sflag:s0] =	ssyncadd.remote.s32 $0x1  }
0xbe: {  	_ =	sfence.sel $0xFFFF  }
0xbf: {  	[dreg:$0x0] =	wrdreg $0xFFFFFFFF;
	(pc) =	sbr.abs _section_cstart, $3  }
0xc0: {  	[dreg:$0x1] =	wrdreg $0xFFFFFFFF  }
0xc1: {  	_ =	task.clear_ibuf [dreg:s7], $0x2FFFF;
	_ =	strace $0x9FFFFFFF  }
0xc2: {  	(tm) =	ssettm $0x7FFFFFFF  }
0xc3: {  	_ =	shalt  }
tec
execute0_lowered:
.L_overlay_start_1:
0x0: {  	(tag) =	ssettag $0x1  }
0x1: {  	s0 =	rddreg [dreg:$0x0];
	s2 =	srdreg.scid  }
0x2: {  	s1 =	rddreg [dreg:$0x1];
	s3 =	stileid.u32;
	s7 =	sand.u32 $0x1, s2  }
0x3: {  	s30 =	simm.s32 $0x2;
	s3 =	sshll.u32 s3, $0xA;
	s4 =	sshll.u32 s7, $0x9  }
0x4: {  	s31 =	simm.s32 $0x2A00;
	s2 =	simm.s32 $0x0;
	s3 =	sor.u32 s4, s3  }
0x5: {  	s5 =	sadd.s32 $0x41B600, s0;
	[smem:$0x7FF] =	sst s2;
	s8 =	sshrl.u32 s3, $0x3  }
0x6: {  	_ =	strace $0x80000047;
	s4 =	sadd.s32 $0x40B600, s0;
	s9 =	sadd.s32 s8, s0  }
0x7: {  	s6 =	sadd.s32 $0x1600, s0;
	s20 =	sadd.s32 $0x401600, s9;
	s21 =	sadd.s32 $0x401E00, s9  }
0x8: {  	s26 =	ssub.s32 $0x2, s7;
	s22 =	sadd.s32 $0x402600, s9;
	s23 =	sadd.s32 $0x402E00, s9  }
0x9: {  	s7 =	sshrl.u32 s26, $0x1;
	s24 =	sadd.s32 $0x403600, s9;
	s25 =	sadd.s32 $0x403E00, s9  }
0xa: {  	s0 =	ssub.s32 s26, s7;
	s13 =	sadd.s32 $0x404600, s9;
	s14 =	sadd.s32 $0x404E00, s9  }
0xb: {  	s7 =	simm.s32 $0x1;
	s15 =	sadd.s32 $0x405600, s9;
	s16 =	sadd.s32 $0x405E00, s9  }
0xc: {  	s17 =	sadd.s32 $0x406600, s9;
	s18 =	sadd.s32 $0x406E00, s9;
	[dreg:$0x3] =	wrdreg s20  }
0xd: {  	s19 =	sadd.s32 $0x407600, s9;
	s26 =	sadd.s32 $0x40A600, s9;
	[dreg:$0x4] =	wrdreg s21  }
0xe: {  	s28 =	sadd.s32 $0x40AE00, s9;
	s29 =	smax.u32 s0, $0x1;
	[dreg:$0x5] =	wrdreg s22  }
0xf: {  	s0 =	simm.s32 $0x3A00;
	[dreg:$0x6] =	wrdreg s23;
	s20 =	sadd.s32 $0x407E00, s9  }
0x10: {  	[dreg:$0x7] =	wrdreg s24;
	s21 =	sadd.s32 $0x408600, s9;
	s22 =	sadd.s32 $0x408E00, s9  }
0x11: {  	[dreg:$0x8] =	wrdreg s25;
	s23 =	sadd.s32 $0x409600, s9;
	s24 =	sadd.s32 $0x409E00, s9  }
0x12: {  	v0 =	vimm.s32 $0x0;
	v1 =	vimm.f32 $0.0e+00;
	s25 =	sadd.s32 s1, s8;
	s1 =	simm.s32 $0x80;
	s8 =	simm.s32 $0x0  }
.LBB2_1:
0x13: {  	[tilespmem:s2], [sflag:$0x2] =	stream.linear.gather [hbm4b:s25+s2], $0x200, $0x38;
	[tilespmem:$0x4A00] =	vst v63  }
0x14: {  	_ =	swait.ge [sflag:s30], $0x200  }
0x15: {  	[sflag:s30] =	ssyncset.done $0x0  }
0x16: {  	s10 =	simm.s32 $0x200;
	s9 =	rddreg [dreg:$0x3];
	[sflag:s30] =	ssyncadd.s32 $0xFFFFFE00  }
0x17: {  	[tilespmem:s10], [sflag:$0x2] =	stream.linear.gather [hbm4b:s9+s2], $0x200, $0x38;
	[tilespmem:$0x4A00] =	vst v63  }
0x18: {  	_ =	swait.ge [sflag:s30], $0x200  }
0x19: {  	[sflag:s30] =	ssyncset.done $0x0  }
0x1a: {  	s12 =	simm.s32 $0x400;
	s11 =	rddreg [dreg:$0x4];
	[sflag:s30] =	ssyncadd.s32 $0xFFFFFE00  }
0x1b: {  	[tilespmem:s12], [sflag:$0x2] =	stream.linear.gather [hbm4b:s11+s2], $0x200, $0x38;
	[tilespmem:$0x4A00] =	vst v63  }
0x1c: {  	_ =	swait.ge [sflag:s30], $0x200  }
0x1d: {  	[sflag:s30] =	ssyncset.done $0x0  }
0x1e: {  	s12 =	simm.s32 $0x600;
	s11 =	rddreg [dreg:$0x5];
	[sflag:s30] =	ssyncadd.s32 $0xFFFFFE00  }
0x1f: {  	[tilespmem:s12], [sflag:$0x2] =	stream.linear.gather [hbm4b:s11+s2], $0x200, $0x38;
	[tilespmem:$0x4A00] =	vst v63  }
0x20: {  	_ =	swait.ge [sflag:s30], $0x200  }
0x21: {  	[sflag:s30] =	ssyncset.done $0x0  }
0x22: {  	s12 =	simm.s32 $0x800;
	s11 =	rddreg [dreg:$0x6];
	[sflag:s30] =	ssyncadd.s32 $0xFFFFFE00  }
0x23: {  	[tilespmem:s12], [sflag:$0x2] =	stream.linear.gather [hbm4b:s11+s2], $0x200, $0x38;
	[tilespmem:$0x4A00] =	vst v63  }
0x24: {  	_ =	swait.ge [sflag:s30], $0x200  }
0x25: {  	[sflag:s30] =	ssyncset.done $0x0  }
0x26: {  	s12 =	simm.s32 $0xA00;
	s11 =	rddreg [dreg:$0x7];
	[sflag:s30] =	ssyncadd.s32 $0xFFFFFE00  }
0x27: {  	[tilespmem:s12], [sflag:$0x2] =	stream.linear.gather [hbm4b:s11+s2], $0x200, $0x38;
	[tilespmem:$0x4A00] =	vst v63  }
0x28: {  	_ =	swait.ge [sflag:s30], $0x200  }
0x29: {  	[sflag:s30] =	ssyncset.done $0x0  }
0x2a: {  	s12 =	simm.s32 $0xC00;
	s11 =	rddreg [dreg:$0x8];
	[sflag:s30] =	ssyncadd.s32 $0xFFFFFE00  }
0x2b: {  	[tilespmem:s12], [sflag:$0x2] =	stream.linear.gather [hbm4b:s11+s2], $0x200, $0x38;
	[tilespmem:$0x4A00] =	vst v63  }
0x2c: {  	_ =	swait.ge [sflag:s30], $0x200  }
0x2d: {  	[sflag:s30] =	ssyncset.done $0x0  }
0x2e: {  	s11 =	simm.s32 $0xE00;
	[sflag:s30] =	ssyncadd.s32 $0xFFFFFE00  }
0x2f: {  	[tilespmem:s11], [sflag:$0x2] =	stream.linear.gather [hbm4b:s13+s2], $0x200, $0x38;
	[tilespmem:$0x4A00] =	vst v63  }
0x30: {  	_ =	swait.ge [sflag:s30], $0x200  }
0x31: {  	[sflag:s30] =	ssyncset.done $0x0  }
0x32: {  	s12 =	simm.s32 $0x1000;
	[sflag:s30] =	ssyncadd.s32 $0xFFFFFE00  }
0x33: {  	[tilespmem:s12], [sflag:$0x2] =	stream.linear.gather [hbm4b:s14+s2], $0x200, $0x38;
	[tilespmem:$0x4A00] =	vst v63  }
0x34: {  	_ =	swait.ge [sflag:s30], $0x200  }
0x35: {  	[sflag:s30] =	ssyncset.done $0x0  }
0x36: {  	s10 =	simm.s32 $0x1200;
	[sflag:s30] =	ssyncadd.s32 $0xFFFFFE00  }
0x37: {  	[tilespmem:s10], [sflag:$0x2] =	stream.linear.gather [hbm4b:s15+s2], $0x200, $0x38;
	[tilespmem:$0x4A00] =	vst v63  }
0x38: {  	_ =	swait.ge [sflag:s30], $0x200  }
0x39: {  	[sflag:s30] =	ssyncset.done $0x0  }
0x3a: {  	s11 =	simm.s32 $0x1400;
	[sflag:s30] =	ssyncadd.s32 $0xFFFFFE00  }
0x3b: {  	[tilespmem:s11], [sflag:$0x2] =	stream.linear.gather [hbm4b:s16+s2], $0x200, $0x38;
	[tilespmem:$0x4A00] =	vst v63  }
0x3c: {  	_ =	swait.ge [sflag:s30], $0x200  }
0x3d: {  	[sflag:s30] =	ssyncset.done $0x0  }
0x3e: {  	s12 =	simm.s32 $0x1600;
	[sflag:s30] =	ssyncadd.s32 $0xFFFFFE00  }
0x3f: {  	[tilespmem:s12], [sflag:$0x2] =	stream.linear.gather [hbm4b:s17+s2], $0x200, $0x38;
	[tilespmem:$0x4A00] =	vst v63  }
0x40: {  	_ =	swait.ge [sflag:s30], $0x200  }
0x41: {  	[sflag:s30] =	ssyncset.done $0x0  }
0x42: {  	s10 =	simm.s32 $0x1800;
	[sflag:s30] =	ssyncadd.s32 $0xFFFFFE00  }
0x43: {  	[tilespmem:s10], [sflag:$0x2] =	stream.linear.gather [hbm4b:s18+s2], $0x200, $0x38;
	[tilespmem:$0x4A00] =	vst v63  }
0x44: {  	_ =	swait.ge [sflag:s30], $0x200  }
0x45: {  	[sflag:s30] =	ssyncset.done $0x0  }
0x46: {  	s11 =	simm.s32 $0x1A00;
	[sflag:s30] =	ssyncadd.s32 $0xFFFFFE00  }
0x47: {  	[tilespmem:s11], [sflag:$0x2] =	stream.linear.gather [hbm4b:s19+s2], $0x200, $0x38;
	[tilespmem:$0x4A00] =	vst v63  }
0x48: {  	_ =	swait.ge [sflag:s30], $0x200  }
0x49: {  	[sflag:s30] =	ssyncset.done $0x0  }
0x4a: {  	s12 =	simm.s32 $0x1C00;
	[sflag:s30] =	ssyncadd.s32 $0xFFFFFE00  }
0x4b: {  	[tilespmem:s12], [sflag:$0x2] =	stream.linear.gather [hbm4b:s20+s2], $0x200, $0x38;
	[tilespmem:$0x4A00] =	vst v63  }
0x4c: {  	_ =	swait.ge [sflag:s30], $0x200  }
0x4d: {  	[sflag:s30] =	ssyncset.done $0x0  }
0x4e: {  	s10 =	simm.s32 $0x1E00;
	[sflag:s30] =	ssyncadd.s32 $0xFFFFFE00  }
0x4f: {  	[tilespmem:s10], [sflag:$0x2] =	stream.linear.gather [hbm4b:s21+s2], $0x200, $0x38;
	[tilespmem:$0x4A00] =	vst v63  }
0x50: {  	_ =	swait.ge [sflag:s30], $0x200  }
0x51: {  	[sflag:s30] =	ssyncset.done $0x0  }
0x52: {  	s11 =	simm.s32 $0x2000;
	[sflag:s30] =	ssyncadd.s32 $0xFFFFFE00  }
0x53: {  	[tilespmem:s11], [sflag:$0x2] =	stream.linear.gather [hbm4b:s22+s2], $0x200, $0x38;
	[tilespmem:$0x4A00] =	vst v63  }
0x54: {  	_ =	swait.ge [sflag:s30], $0x200  }
0x55: {  	[sflag:s30] =	ssyncset.done $0x0  }
0x56: {  	s12 =	simm.s32 $0x2200;
	[sflag:s30] =	ssyncadd.s32 $0xFFFFFE00  }
0x57: {  	[tilespmem:s12], [sflag:$0x2] =	stream.linear.gather [hbm4b:s23+s2], $0x200, $0x38;
	[tilespmem:$0x4A00] =	vst v63  }
0x58: {  	_ =	swait.ge [sflag:s30], $0x200  }
0x59: {  	[sflag:s30] =	ssyncset.done $0x0  }
0x5a: {  	s10 =	simm.s32 $0x2400;
	[sflag:s30] =	ssyncadd.s32 $0xFFFFFE00  }
0x5b: {  	[tilespmem:s10], [sflag:$0x2] =	stream.linear.gather [hbm4b:s24+s2], $0x200, $0x38;
	[tilespmem:$0x4A00] =	vst v63  }
0x5c: {  	_ =	swait.ge [sflag:s30], $0x200  }
0x5d: {  	[sflag:s30] =	ssyncset.done $0x0  }
0x5e: {  	s11 =	simm.s32 $0x2600;
	[sflag:s30] =	ssyncadd.s32 $0xFFFFFE00  }
0x5f: {  	[tilespmem:s11], [sflag:$0x2] =	stream.linear.gather [hbm4b:s26+s2], $0x200, $0x38;
	[tilespmem:$0x4A00] =	vst v63  }
0x60: {  	_ =	swait.ge [sflag:s30], $0x200  }
0x61: {  	[sflag:s30] =	ssyncset.done $0x0  }
0x62: {  	s12 =	simm.s32 $0x2800;
	[sflag:s30] =	ssyncadd.s32 $0xFFFFFE00  }
0x63: {  	[tilespmem:s12], [sflag:$0x2] =	stream.linear.gather [hbm4b:s28+s2], $0x200, $0x38;
	[tilespmem:$0x4A00] =	vst v63  }
0x64: {  	_ =	swait.ge [sflag:s30], $0x200  }
0x65: {  	[sflag:s30] =	ssyncset.done $0x0  }
0x66: {  	s9 =	simm.s32 $0x0;
	s10 =	simm.s32 $0x40;
	[sflag:s30] =	ssyncadd.s32 $0xFFFFFE00  }
.LBB2_2:
0x67: {  	p0 =	sne.s32 s10, $0x7C0;
	v2 =	vld [tilespmem:s9+$0x0];
	_ =	sdelay $0x4  }
0x68: {  	vm0 =	vgt.s32 v2, $0x3FFFF;
	vm1 =	vgt.s32 v2, $0x7FFFF  }
0x69: {  	v3 =	vsel vm0, $0x1, v0;
	v4 =	vsel vm1, $0x1, v0;
	vm0 =	vgt.s32 v2, $0xBFFFF  }
.Ltmp0:
0x6a: {  	v3 =	vadd.s32 v4, v3;
	v4 =	vsel vm0, $0x1, v0;
	(pc) =	sbr.rel @p0 .LBB2_2-.Ltmp0, $4  }
0x6b: {  	v2 =	vshll.u32 v2, $0x2;
	v3 =	vadd.s32 v4, v3  }
0x6c: {  	v2 =	vadd.s32 v2, v3;
	v3 =	vshll.u32 v3, $0x14  }
0x6d: {  	v2 =	vsub.s32 v2, v3  }
0x6e: {  	[tilespmem:s9+$0x0] =	vst v2;
	s9 =	sshra.s32 s10, $0x2;
	s10 =	sadd.s32 $0x40, s10  }
0x6f: {  	v2 =	vld [tilespmem:s9+$0x0];
	_ =	sdelay $0x4  }
0x70: {  	vm0 =	vgt.s32 v2, $0x3FFFF;
	vm1 =	vgt.s32 v2, $0x7FFFF  }
0x71: {  	vm15 =	vgt.s32 v2, $0xBFFFF;
	v3 =	vsel vm0, $0x1, v0;
	v4 =	vsel vm1, $0x1, v0  }
0x72: {  	v63 =	vsel vm15, $0x1, v0;
	v3 =	vadd.s32 v4, v3  }
0x73: {  	v2 =	vshll.u32 v2, $0x2;
	v3 =	vadd.s32 v63, v3  }
0x74: {  	v2 =	vadd.s32 v2, v3;
	v3 =	vshll.u32 v3, $0x14  }
0x75: {  	v2 =	vsub.s32 v2, v3  }
0x76: {  	s10 =	simm.s32 $0x40;
	[tilespmem:s9+$0x0] =	vst v2;
	s9 =	simm.s32 $0x0  }
.LBB2_4:
0x77: {  	p0 =	sne.s32 s10, $0x7C0;
	v2 =	vld [tilespmem:s9+$0x200];
	_ =	sdelay $0x4  }
0x78: {  	vm0 =	vgt.s32 v2, $0x3FFFF;
	vm1 =	vgt.s32 v2, $0x7FFFF  }
0x79: {  	v3 =	vsel vm0, $0x1, v0;
	v4 =	vsel vm1, $0x1, v0;
	vm0 =	vgt.s32 v2, $0xBFFFF  }
.Ltmp1:
0x7a: {  	v3 =	vadd.s32 v4, v3;
	v4 =	vsel vm0, $0x1, v0;
	(pc) =	sbr.rel @p0 .LBB2_4-.Ltmp1, $4  }
0x7b: {  	v2 =	vshll.u32 v2, $0x2;
	v3 =	vadd.s32 v4, v3  }
0x7c: {  	v2 =	vadd.s32 v2, v3;
	v3 =	vshll.u32 v3, $0x14  }
0x7d: {  	v2 =	vsub.s32 v2, v3  }
0x7e: {  	[tilespmem:s9+$0x200] =	vst v2;
	s9 =	sshra.s32 s10, $0x2;
	s10 =	sadd.s32 $0x40, s10  }
0x7f: {  	v2 =	vld [tilespmem:s9+$0x200];
	_ =	sdelay $0x4  }
0x80: {  	vm0 =	vgt.s32 v2, $0x3FFFF;
	vm1 =	vgt.s32 v2, $0x7FFFF  }
0x81: {  	vm15 =	vgt.s32 v2, $0xBFFFF;
	v3 =	vsel vm0, $0x1, v0;
	v4 =	vsel vm1, $0x1, v0  }
0x82: {  	v63 =	vsel vm15, $0x1, v0;
	v3 =	vadd.s32 v4, v3  }
0x83: {  	v2 =	vshll.u32 v2, $0x2;
	v3 =	vadd.s32 v63, v3  }
0x84: {  	v2 =	vadd.s32 v2, v3;
	v3 =	vshll.u32 v3, $0x14  }
0x85: {  	v2 =	vsub.s32 v2, v3  }
0x86: {  	s10 =	simm.s32 $0x40;
	[tilespmem:s9+$0x200] =	vst v2;
	s9 =	simm.s32 $0x0  }
.LBB2_6:
0x87: {  	p0 =	sne.s32 s10, $0x7C0;
	v2 =	vld [tilespmem:s9+$0x400];
	_ =	sdelay $0x4  }
0x88: {  	vm0 =	vgt.s32 v2, $0x3FFFF;
	vm1 =	vgt.s32 v2, $0x7FFFF  }
0x89: {  	v3 =	vsel vm0, $0x1, v0;
	v4 =	vsel vm1, $0x1, v0;
	vm0 =	vgt.s32 v2, $0xBFFFF  }
.Ltmp2:
0x8a: {  	v3 =	vadd.s32 v4, v3;
	v4 =	vsel vm0, $0x1, v0;
	(pc) =	sbr.rel @p0 .LBB2_6-.Ltmp2, $4  }
0x8b: {  	v2 =	vshll.u32 v2, $0x2;
	v3 =	vadd.s32 v4, v3  }
0x8c: {  	v2 =	vadd.s32 v2, v3;
	v3 =	vshll.u32 v3, $0x14  }
0x8d: {  	v2 =	vsub.s32 v2, v3  }
0x8e: {  	[tilespmem:s9+$0x400] =	vst v2;
	s9 =	sshra.s32 s10, $0x2;
	s10 =	sadd.s32 $0x40, s10  }
0x8f: {  	v2 =	vld [tilespmem:s9+$0x400];
	_ =	sdelay $0x4  }
0x90: {  	vm0 =	vgt.s32 v2, $0x3FFFF;
	vm1 =	vgt.s32 v2, $0x7FFFF  }
0x91: {  	vm15 =	vgt.s32 v2, $0xBFFFF;
	v3 =	vsel vm0, $0x1, v0;
	v4 =	vsel vm1, $0x1, v0  }
0x92: {  	v63 =	vsel vm15, $0x1, v0;
	v3 =	vadd.s32 v4, v3  }
0x93: {  	v2 =	vshll.u32 v2, $0x2;
	v3 =	vadd.s32 v63, v3  }
0x94: {  	v2 =	vadd.s32 v2, v3;
	v3 =	vshll.u32 v3, $0x14  }
0x95: {  	v2 =	vsub.s32 v2, v3  }
0x96: {  	s10 =	simm.s32 $0x40;
	[tilespmem:s9+$0x400] =	vst v2;
	s9 =	simm.s32 $0x0  }
.LBB2_8:
0x97: {  	p0 =	sne.s32 s10, $0x7C0;
	v2 =	vld [tilespmem:s9+$0x600];
	_ =	sdelay $0x4  }
0x98: {  	vm0 =	vgt.s32 v2, $0x3FFFF;
	vm1 =	vgt.s32 v2, $0x7FFFF  }
0x99: {  	v3 =	vsel vm0, $0x1, v0;
	v4 =	vsel vm1, $0x1, v0;
	vm0 =	vgt.s32 v2, $0xBFFFF  }
.Ltmp3:
0x9a: {  	v3 =	vadd.s32 v4, v3;
	v4 =	vsel vm0, $0x1, v0;
	(pc) =	sbr.rel @p0 .LBB2_8-.Ltmp3, $4  }
0x9b: {  	v2 =	vshll.u32 v2, $0x2;
	v3 =	vadd.s32 v4, v3  }
0x9c: {  	v2 =	vadd.s32 v2, v3;
	v3 =	vshll.u32 v3, $0x14  }
0x9d: {  	v2 =	vsub.s32 v2, v3  }
0x9e: {  	[tilespmem:s9+$0x600] =	vst v2;
	s9 =	sshra.s32 s10, $0x2;
	s10 =	sadd.s32 $0x40, s10  }
0x9f: {  	v2 =	vld [tilespmem:s9+$0x600];
	_ =	sdelay $0x4  }
0xa0: {  	vm0 =	vgt.s32 v2, $0x3FFFF;
	vm1 =	vgt.s32 v2, $0x7FFFF  }
0xa1: {  	vm15 =	vgt.s32 v2, $0xBFFFF;
	v3 =	vsel vm0, $0x1, v0;
	v4 =	vsel vm1, $0x1, v0  }
0xa2: {  	v63 =	vsel vm15, $0x1, v0;
	v3 =	vadd.s32 v4, v3  }
0xa3: {  	v2 =	vshll.u32 v2, $0x2;
	v3 =	vadd.s32 v63, v3  }
0xa4: {  	v2 =	vadd.s32 v2, v3;
	v3 =	vshll.u32 v3, $0x14  }
0xa5: {  	v2 =	vsub.s32 v2, v3  }
0xa6: {  	s10 =	simm.s32 $0x40;
	[tilespmem:s9+$0x600] =	vst v2;
	s9 =	simm.s32 $0x0  }
.LBB2_10:
0xa7: {  	p0 =	sne.s32 s10, $0x7C0;
	v2 =	vld [tilespmem:s9+$0x800];
	_ =	sdelay $0x4  }
0xa8: {  	vm0 =	vgt.s32 v2, $0x3FFFF;
	vm1 =	vgt.s32 v2, $0x7FFFF  }
0xa9: {  	v3 =	vsel vm0, $0x1, v0;
	v4 =	vsel vm1, $0x1, v0;
	vm0 =	vgt.s32 v2, $0xBFFFF  }
.Ltmp4:
0xaa: {  	v3 =	vadd.s32 v4, v3;
	v4 =	vsel vm0, $0x1, v0;
	(pc) =	sbr.rel @p0 .LBB2_10-.Ltmp4, $4  }
0xab: {  	v2 =	vshll.u32 v2, $0x2;
	v3 =	vadd.s32 v4, v3  }
0xac: {  	v2 =	vadd.s32 v2, v3;
	v3 =	vshll.u32 v3, $0x14  }
0xad: {  	v2 =	vsub.s32 v2, v3  }
0xae: {  	[tilespmem:s9+$0x800] =	vst v2;
	s9 =	sshra.s32 s10, $0x2;
	s10 =	sadd.s32 $0x40, s10  }
0xaf: {  	v2 =	vld [tilespmem:s9+$0x800];
	_ =	sdelay $0x4  }
0xb0: {  	vm0 =	vgt.s32 v2, $0x3FFFF;
	vm1 =	vgt.s32 v2, $0x7FFFF  }
0xb1: {  	vm15 =	vgt.s32 v2, $0xBFFFF;
	v3 =	vsel vm0, $0x1, v0;
	v4 =	vsel vm1, $0x1, v0  }
0xb2: {  	v63 =	vsel vm15, $0x1, v0;
	v3 =	vadd.s32 v4, v3  }
0xb3: {  	v2 =	vshll.u32 v2, $0x2;
	v3 =	vadd.s32 v63, v3  }
0xb4: {  	v2 =	vadd.s32 v2, v3;
	v3 =	vshll.u32 v3, $0x14  }
0xb5: {  	v2 =	vsub.s32 v2, v3  }
0xb6: {  	s10 =	simm.s32 $0x40;
	[tilespmem:s9+$0x800] =	vst v2;
	s9 =	simm.s32 $0x0  }
.LBB2_12:
0xb7: {  	p0 =	sne.s32 s10, $0x7C0;
	v2 =	vld [tilespmem:s9+$0xA00];
	_ =	sdelay $0x4  }
0xb8: {  	vm0 =	vgt.s32 v2, $0x3FFFF;
	vm1 =	vgt.s32 v2, $0x7FFFF  }
0xb9: {  	v3 =	vsel vm0, $0x1, v0;
	v4 =	vsel vm1, $0x1, v0;
	vm0 =	vgt.s32 v2, $0xBFFFF  }
.Ltmp5:
0xba: {  	v3 =	vadd.s32 v4, v3;
	v4 =	vsel vm0, $0x1, v0;
	(pc) =	sbr.rel @p0 .LBB2_12-.Ltmp5, $4  }
0xbb: {  	v2 =	vshll.u32 v2, $0x2;
	v3 =	vadd.s32 v4, v3  }
0xbc: {  	v2 =	vadd.s32 v2, v3;
	v3 =	vshll.u32 v3, $0x14  }
0xbd: {  	v2 =	vsub.s32 v2, v3  }
0xbe: {  	[tilespmem:s9+$0xA00] =	vst v2;
	s9 =	sshra.s32 s10, $0x2;
	s10 =	sadd.s32 $0x40, s10  }
0xbf: {  	v2 =	vld [tilespmem:s9+$0xA00];
	_ =	sdelay $0x4  }
0xc0: {  	vm0 =	vgt.s32 v2, $0x3FFFF;
	vm1 =	vgt.s32 v2, $0x7FFFF  }
0xc1: {  	vm15 =	vgt.s32 v2, $0xBFFFF;
	v3 =	vsel vm0, $0x1, v0;
	v4 =	vsel vm1, $0x1, v0  }
0xc2: {  	v63 =	vsel vm15, $0x1, v0;
	v3 =	vadd.s32 v4, v3  }
0xc3: {  	v2 =	vshll.u32 v2, $0x2;
	v3 =	vadd.s32 v63, v3  }
0xc4: {  	v2 =	vadd.s32 v2, v3;
	v3 =	vshll.u32 v3, $0x14  }
0xc5: {  	v2 =	vsub.s32 v2, v3  }
0xc6: {  	s10 =	simm.s32 $0x40;
	[tilespmem:s9+$0xA00] =	vst v2;
	s9 =	simm.s32 $0x0  }
.LBB2_14:
0xc7: {  	p0 =	sne.s32 s10, $0x7C0;
	v2 =	vld [tilespmem:s9+$0xC00];
	_ =	sdelay $0x4  }
0xc8: {  	vm0 =	vgt.s32 v2, $0x3FFFF;
	vm1 =	vgt.s32 v2, $0x7FFFF  }
0xc9: {  	v3 =	vsel vm0, $0x1, v0;
	v4 =	vsel vm1, $0x1, v0;
	vm0 =	vgt.s32 v2, $0xBFFFF  }
.Ltmp6:
0xca: {  	v3 =	vadd.s32 v4, v3;
	v4 =	vsel vm0, $0x1, v0;
	(pc) =	sbr.rel @p0 .LBB2_14-.Ltmp6, $4  }
0xcb: {  	v2 =	vshll.u32 v2, $0x2;
	v3 =	vadd.s32 v4, v3  }
0xcc: {  	v2 =	vadd.s32 v2, v3;
	v3 =	vshll.u32 v3, $0x14  }
0xcd: {  	v2 =	vsub.s32 v2, v3  }
0xce: {  	[tilespmem:s9+$0xC00] =	vst v2;
	s9 =	sshra.s32 s10, $0x2;
	s10 =	sadd.s32 $0x40, s10  }
0xcf: {  	v2 =	vld [tilespmem:s9+$0xC00];
	_ =	sdelay $0x4  }
0xd0: {  	vm0 =	vgt.s32 v2, $0x3FFFF;
	vm1 =	vgt.s32 v2, $0x7FFFF  }
0xd1: {  	vm15 =	vgt.s32 v2, $0xBFFFF;
	v3 =	vsel vm0, $0x1, v0;
	v4 =	vsel vm1, $0x1, v0  }
0xd2: {  	v63 =	vsel vm15, $0x1, v0;
	v3 =	vadd.s32 v4, v3  }
0xd3: {  	v2 =	vshll.u32 v2, $0x2;
	v3 =	vadd.s32 v63, v3  }
0xd4: {  	v2 =	vadd.s32 v2, v3;
	v3 =	vshll.u32 v3, $0x14  }
0xd5: {  	v2 =	vsub.s32 v2, v3  }
0xd6: {  	s10 =	simm.s32 $0x40;
	[tilespmem:s9+$0xC00] =	vst v2;
	s9 =	simm.s32 $0x0  }
.LBB2_16:
0xd7: {  	p0 =	sne.s32 s10, $0x7C0;
	v2 =	vld [tilespmem:s9+$0xE00];
	_ =	sdelay $0x4  }
0xd8: {  	vm0 =	vgt.s32 v2, $0x3FFFF;
	vm1 =	vgt.s32 v2, $0x7FFFF  }
0xd9: {  	v3 =	vsel vm0, $0x1, v0;
	v4 =	vsel vm1, $0x1, v0;
	vm0 =	vgt.s32 v2, $0xBFFFF  }
.Ltmp7:
0xda: {  	v3 =	vadd.s32 v4, v3;
	v4 =	vsel vm0, $0x1, v0;
	(pc) =	sbr.rel @p0 .LBB2_16-.Ltmp7, $4  }
0xdb: {  	v2 =	vshll.u32 v2, $0x2;
	v3 =	vadd.s32 v4, v3  }
0xdc: {  	v2 =	vadd.s32 v2, v3;
	v3 =	vshll.u32 v3, $0x14  }
0xdd: {  	v2 =	vsub.s32 v2, v3  }
0xde: {  	[tilespmem:s9+$0xE00] =	vst v2;
	s9 =	sshra.s32 s10, $0x2;
	s10 =	sadd.s32 $0x40, s10  }
0xdf: {  	v2 =	vld [tilespmem:s9+$0xE00];
	_ =	sdelay $0x4  }
0xe0: {  	vm0 =	vgt.s32 v2, $0x3FFFF;
	vm1 =	vgt.s32 v2, $0x7FFFF  }
0xe1: {  	vm15 =	vgt.s32 v2, $0xBFFFF;
	v3 =	vsel vm0, $0x1, v0;
	v4 =	vsel vm1, $0x1, v0  }
0xe2: {  	v63 =	vsel vm15, $0x1, v0;
	v3 =	vadd.s32 v4, v3  }
0xe3: {  	v2 =	vshll.u32 v2, $0x2;
	v3 =	vadd.s32 v63, v3  }
0xe4: {  	v2 =	vadd.s32 v2, v3;
	v3 =	vshll.u32 v3, $0x14  }
0xe5: {  	v2 =	vsub.s32 v2, v3  }
0xe6: {  	s10 =	simm.s32 $0x40;
	[tilespmem:s9+$0xE00] =	vst v2;
	s9 =	simm.s32 $0x0  }
.LBB2_18:
0xe7: {  	p0 =	sne.s32 s10, $0x7C0;
	v2 =	vld [tilespmem:s9+$0x1000];
	_ =	sdelay $0x4  }
0xe8: {  	vm0 =	vgt.s32 v2, $0x3FFFF;
	vm1 =	vgt.s32 v2, $0x7FFFF  }
0xe9: {  	v3 =	vsel vm0, $0x1, v0;
	v4 =	vsel vm1, $0x1, v0;
	vm0 =	vgt.s32 v2, $0xBFFFF  }
.Ltmp8:
0xea: {  	v3 =	vadd.s32 v4, v3;
	v4 =	vsel vm0, $0x1, v0;
	(pc) =	sbr.rel @p0 .LBB2_18-.Ltmp8, $4  }
0xeb: {  	v2 =	vshll.u32 v2, $0x2;
	v3 =	vadd.s32 v4, v3  }
0xec: {  	v2 =	vadd.s32 v2, v3;
	v3 =	vshll.u32 v3, $0x14  }
0xed: {  	v2 =	vsub.s32 v2, v3  }
0xee: {  	[tilespmem:s9+$0x1000] =	vst v2;
	s9 =	sshra.s32 s10, $0x2;
	s10 =	sadd.s32 $0x40, s10  }
0xef: {  	v2 =	vld [tilespmem:s9+$0x1000];
	_ =	sdelay $0x4  }
0xf0: {  	vm0 =	vgt.s32 v2, $0x3FFFF;
	vm1 =	vgt.s32 v2, $0x7FFFF  }
0xf1: {  	vm15 =	vgt.s32 v2, $0xBFFFF;
	v3 =	vsel vm0, $0x1, v0;
	v4 =	vsel vm1, $0x1, v0  }
0xf2: {  	v63 =	vsel vm15, $0x1, v0;
	v3 =	vadd.s32 v4, v3  }
0xf3: {  	v2 =	vshll.u32 v2, $0x2;
	v3 =	vadd.s32 v63, v3  }
0xf4: {  	v2 =	vadd.s32 v2, v3;
	v3 =	vshll.u32 v3, $0x14  }
0xf5: {  	v2 =	vsub.s32 v2, v3  }
0xf6: {  	s10 =	simm.s32 $0x40;
	[tilespmem:s9+$0x1000] =	vst v2;
	s9 =	simm.s32 $0x0  }
.LBB2_20:
0xf7: {  	p0 =	sne.s32 s10, $0x7C0;
	v2 =	vld [tilespmem:s9+$0x1200];
	_ =	sdelay $0x4  }
0xf8: {  	vm0 =	vgt.s32 v2, $0x3FFFF;
	vm1 =	vgt.s32 v2, $0x7FFFF  }
0xf9: {  	v3 =	vsel vm0, $0x1, v0;
	v4 =	vsel vm1, $0x1, v0;
	vm0 =	vgt.s32 v2, $0xBFFFF  }
.Ltmp9:
0xfa: {  	v3 =	vadd.s32 v4, v3;
	v4 =	vsel vm0, $0x1, v0;
	(pc) =	sbr.rel @p0 .LBB2_20-.Ltmp9, $4  }
0xfb: {  	v2 =	vshll.u32 v2, $0x2;
	v3 =	vadd.s32 v4, v3  }
0xfc: {  	v2 =	vadd.s32 v2, v3;
	v3 =	vshll.u32 v3, $0x14  }
0xfd: {  	v2 =	vsub.s32 v2, v3  }
0xfe: {  	[tilespmem:s9+$0x1200] =	vst v2;
	s9 =	sshra.s32 s10, $0x2;
	s10 =	sadd.s32 $0x40, s10  }
0xff: {  	v2 =	vld [tilespmem:s9+$0x1200];
	_ =	sdelay $0x4  }
0x100: {  	vm0 =	vgt.s32 v2, $0x3FFFF;
	vm1 =	vgt.s32 v2, $0x7FFFF  }
0x101: {  	vm15 =	vgt.s32 v2, $0xBFFFF;
	v3 =	vsel vm0, $0x1, v0;
	v4 =	vsel vm1, $0x1, v0  }
0x102: {  	v63 =	vsel vm15, $0x1, v0;
	v3 =	vadd.s32 v4, v3  }
0x103: {  	v2 =	vshll.u32 v2, $0x2;
	v3 =	vadd.s32 v63, v3  }
0x104: {  	v2 =	vadd.s32 v2, v3;
	v3 =	vshll.u32 v3, $0x14  }
0x105: {  	v2 =	vsub.s32 v2, v3  }
0x106: {  	s10 =	simm.s32 $0x40;
	[tilespmem:s9+$0x1200] =	vst v2;
	s9 =	simm.s32 $0x0  }
.LBB2_22:
0x107: {  	p0 =	sne.s32 s10, $0x7C0;
	v2 =	vld [tilespmem:s9+$0x1400];
	_ =	sdelay $0x4  }
0x108: {  	vm0 =	vgt.s32 v2, $0x3FFFF;
	vm1 =	vgt.s32 v2, $0x7FFFF  }
0x109: {  	v3 =	vsel vm0, $0x1, v0;
	v4 =	vsel vm1, $0x1, v0;
	vm0 =	vgt.s32 v2, $0xBFFFF  }
.Ltmp10:
0x10a: {  	v3 =	vadd.s32 v4, v3;
	v4 =	vsel vm0, $0x1, v0;
	(pc) =	sbr.rel @p0 .LBB2_22-.Ltmp10, $4  }
0x10b: {  	v2 =	vshll.u32 v2, $0x2;
	v3 =	vadd.s32 v4, v3  }
0x10c: {  	v2 =	vadd.s32 v2, v3;
	v3 =	vshll.u32 v3, $0x14  }
0x10d: {  	v2 =	vsub.s32 v2, v3  }
0x10e: {  	[tilespmem:s9+$0x1400] =	vst v2;
	s9 =	sshra.s32 s10, $0x2;
	s10 =	sadd.s32 $0x40, s10  }
0x10f: {  	v2 =	vld [tilespmem:s9+$0x1400];
	_ =	sdelay $0x4  }
0x110: {  	vm0 =	vgt.s32 v2, $0x3FFFF;
	vm1 =	vgt.s32 v2, $0x7FFFF  }
0x111: {  	vm15 =	vgt.s32 v2, $0xBFFFF;
	v3 =	vsel vm0, $0x1, v0;
	v4 =	vsel vm1, $0x1, v0  }
0x112: {  	v63 =	vsel vm15, $0x1, v0;
	v3 =	vadd.s32 v4, v3  }
0x113: {  	v2 =	vshll.u32 v2, $0x2;
	v3 =	vadd.s32 v63, v3  }
0x114: {  	v2 =	vadd.s32 v2, v3;
	v3 =	vshll.u32 v3, $0x14  }
0x115: {  	v2 =	vsub.s32 v2, v3  }
0x116: {  	s10 =	simm.s32 $0x40;
	[tilespmem:s9+$0x1400] =	vst v2;
	s9 =	simm.s32 $0x0  }
.LBB2_24:
0x117: {  	p0 =	sne.s32 s10, $0x7C0;
	v2 =	vld [tilespmem:s9+$0x1600];
	_ =	sdelay $0x4  }
0x118: {  	vm0 =	vgt.s32 v2, $0x3FFFF;
	vm1 =	vgt.s32 v2, $0x7FFFF  }
0x119: {  	v3 =	vsel vm0, $0x1, v0;
	v4 =	vsel vm1, $0x1, v0;
	vm0 =	vgt.s32 v2, $0xBFFFF  }
.Ltmp11:
0x11a: {  	v3 =	vadd.s32 v4, v3;
	v4 =	vsel vm0, $0x1, v0;
	(pc) =	sbr.rel @p0 .LBB2_24-.Ltmp11, $4  }
0x11b: {  	v2 =	vshll.u32 v2, $0x2;
	v3 =	vadd.s32 v4, v3  }
0x11c: {  	v2 =	vadd.s32 v2, v3;
	v3 =	vshll.u32 v3, $0x14  }
0x11d: {  	v2 =	vsub.s32 v2, v3  }
0x11e: {  	[tilespmem:s9+$0x1600] =	vst v2;
	s9 =	sshra.s32 s10, $0x2;
	s10 =	sadd.s32 $0x40, s10  }
0x11f: {  	v2 =	vld [tilespmem:s9+$0x1600];
	_ =	sdelay $0x4  }
0x120: {  	vm0 =	vgt.s32 v2, $0x3FFFF;
	vm1 =	vgt.s32 v2, $0x7FFFF  }
0x121: {  	vm15 =	vgt.s32 v2, $0xBFFFF;
	v3 =	vsel vm0, $0x1, v0;
	v4 =	vsel vm1, $0x1, v0  }
0x122: {  	v63 =	vsel vm15, $0x1, v0;
	v3 =	vadd.s32 v4, v3  }
0x123: {  	v2 =	vshll.u32 v2, $0x2;
	v3 =	vadd.s32 v63, v3  }
0x124: {  	v2 =	vadd.s32 v2, v3;
	v3 =	vshll.u32 v3, $0x14  }
0x125: {  	v2 =	vsub.s32 v2, v3  }
0x126: {  	s10 =	simm.s32 $0x40;
	[tilespmem:s9+$0x1600] =	vst v2;
	s9 =	simm.s32 $0x0  }
.LBB2_26:
0x127: {  	p0 =	sne.s32 s10, $0x7C0;
	v2 =	vld [tilespmem:s9+$0x1800];
	_ =	sdelay $0x4  }
0x128: {  	vm0 =	vgt.s32 v2, $0x3FFFF;
	vm1 =	vgt.s32 v2, $0x7FFFF  }
0x129: {  	v3 =	vsel vm0, $0x1, v0;
	v4 =	vsel vm1, $0x1, v0;
	vm0 =	vgt.s32 v2, $0xBFFFF  }
.Ltmp12:
0x12a: {  	v3 =	vadd.s32 v4, v3;
	v4 =	vsel vm0, $0x1, v0;
	(pc) =	sbr.rel @p0 .LBB2_26-.Ltmp12, $4  }
0x12b: {  	v2 =	vshll.u32 v2, $0x2;
	v3 =	vadd.s32 v4, v3  }
0x12c: {  	v2 =	vadd.s32 v2, v3;
	v3 =	vshll.u32 v3, $0x14  }
0x12d: {  	v2 =	vsub.s32 v2, v3  }
0x12e: {  	[tilespmem:s9+$0x1800] =	vst v2;
	s9 =	sshra.s32 s10, $0x2;
	s10 =	sadd.s32 $0x40, s10  }
0x12f: {  	v2 =	vld [tilespmem:s9+$0x1800];
	_ =	sdelay $0x4  }
0x130: {  	vm0 =	vgt.s32 v2, $0x3FFFF;
	vm1 =	vgt.s32 v2, $0x7FFFF  }
0x131: {  	vm15 =	vgt.s32 v2, $0xBFFFF;
	v3 =	vsel vm0, $0x1, v0;
	v4 =	vsel vm1, $0x1, v0  }
0x132: {  	v63 =	vsel vm15, $0x1, v0;
	v3 =	vadd.s32 v4, v3  }
0x133: {  	v2 =	vshll.u32 v2, $0x2;
	v3 =	vadd.s32 v63, v3  }
0x134: {  	v2 =	vadd.s32 v2, v3;
	v3 =	vshll.u32 v3, $0x14  }
0x135: {  	v2 =	vsub.s32 v2, v3  }
0x136: {  	s10 =	simm.s32 $0x40;
	[tilespmem:s9+$0x1800] =	vst v2;
	s9 =	simm.s32 $0x0  }
.LBB2_28:
0x137: {  	p0 =	sne.s32 s10, $0x7C0;
	v2 =	vld [tilespmem:s9+$0x1A00];
	_ =	sdelay $0x4  }
0x138: {  	vm0 =	vgt.s32 v2, $0x3FFFF;
	vm1 =	vgt.s32 v2, $0x7FFFF  }
0x139: {  	v3 =	vsel vm0, $0x1, v0;
	v4 =	vsel vm1, $0x1, v0;
	vm0 =	vgt.s32 v2, $0xBFFFF  }
.Ltmp13:
0x13a: {  	v3 =	vadd.s32 v4, v3;
	v4 =	vsel vm0, $0x1, v0;
	(pc) =	sbr.rel @p0 .LBB2_28-.Ltmp13, $4  }
0x13b: {  	v2 =	vshll.u32 v2, $0x2;
	v3 =	vadd.s32 v4, v3  }
0x13c: {  	v2 =	vadd.s32 v2, v3;
	v3 =	vshll.u32 v3, $0x14  }
0x13d: {  	v2 =	vsub.s32 v2, v3  }
0x13e: {  	[tilespmem:s9+$0x1A00] =	vst v2;
	s9 =	sshra.s32 s10, $0x2;
	s10 =	sadd.s32 $0x40, s10  }
0x13f: {  	v2 =	vld [tilespmem:s9+$0x1A00];
	_ =	sdelay $0x4  }
0x140: {  	vm0 =	vgt.s32 v2, $0x3FFFF;
	vm1 =	vgt.s32 v2, $0x7FFFF  }
0x141: {  	vm15 =	vgt.s32 v2, $0xBFFFF;
	v3 =	vsel vm0, $0x1, v0;
	v4 =	vsel vm1, $0x1, v0  }
0x142: {  	v63 =	vsel vm15, $0x1, v0;
	v3 =	vadd.s32 v4, v3  }
0x143: {  	v2 =	vshll.u32 v2, $0x2;
	v3 =	vadd.s32 v63, v3  }
0x144: {  	v2 =	vadd.s32 v2, v3;
	v3 =	vshll.u32 v3, $0x14  }
0x145: {  	v2 =	vsub.s32 v2, v3  }
0x146: {  	s10 =	simm.s32 $0x40;
	[tilespmem:s9+$0x1A00] =	vst v2;
	s9 =	simm.s32 $0x0  }
.LBB2_30:
0x147: {  	p0 =	sne.s32 s10, $0x7C0;
	v2 =	vld [tilespmem:s9+$0x1C00];
	_ =	sdelay $0x4  }
0x148: {  	vm0 =	vgt.s32 v2, $0x3FFFF;
	vm1 =	vgt.s32 v2, $0x7FFFF  }
0x149: {  	v3 =	vsel vm0, $0x1, v0;
	v4 =	vsel vm1, $0x1, v0;
	vm0 =	vgt.s32 v2, $0xBFFFF  }
.Ltmp14:
0x14a: {  	v3 =	vadd.s32 v4, v3;
	v4 =	vsel vm0, $0x1, v0;
	(pc) =	sbr.rel @p0 .LBB2_30-.Ltmp14, $4  }
0x14b: {  	v2 =	vshll.u32 v2, $0x2;
	v3 =	vadd.s32 v4, v3  }
0x14c: {  	v2 =	vadd.s32 v2, v3;
	v3 =	vshll.u32 v3, $0x14  }
0x14d: {  	v2 =	vsub.s32 v2, v3  }
0x14e: {  	[tilespmem:s9+$0x1C00] =	vst v2;
	s9 =	sshra.s32 s10, $0x2;
	s10 =	sadd.s32 $0x40, s10  }
0x14f: {  	v2 =	vld [tilespmem:s9+$0x1C00];
	_ =	sdelay $0x4  }
0x150: {  	vm0 =	vgt.s32 v2, $0x3FFFF;
	vm1 =	vgt.s32 v2, $0x7FFFF  }
0x151: {  	vm15 =	vgt.s32 v2, $0xBFFFF;
	v3 =	vsel vm0, $0x1, v0;
	v4 =	vsel vm1, $0x1, v0  }
0x152: {  	v63 =	vsel vm15, $0x1, v0;
	v3 =	vadd.s32 v4, v3  }
0x153: {  	v2 =	vshll.u32 v2, $0x2;
	v3 =	vadd.s32 v63, v3  }
0x154: {  	v2 =	vadd.s32 v2, v3;
	v3 =	vshll.u32 v3, $0x14  }
0x155: {  	v2 =	vsub.s32 v2, v3  }
0x156: {  	s10 =	simm.s32 $0x40;
	[tilespmem:s9+$0x1C00] =	vst v2;
	s9 =	simm.s32 $0x0  }
.LBB2_32:
0x157: {  	p0 =	sne.s32 s10, $0x7C0;
	v2 =	vld [tilespmem:s9+$0x1E00];
	_ =	sdelay $0x4  }
0x158: {  	vm0 =	vgt.s32 v2, $0x3FFFF;
	vm1 =	vgt.s32 v2, $0x7FFFF  }
0x159: {  	v3 =	vsel vm0, $0x1, v0;
	v4 =	vsel vm1, $0x1, v0;
	vm0 =	vgt.s32 v2, $0xBFFFF  }
.Ltmp15:
0x15a: {  	v3 =	vadd.s32 v4, v3;
	v4 =	vsel vm0, $0x1, v0;
	(pc) =	sbr.rel @p0 .LBB2_32-.Ltmp15, $4  }
0x15b: {  	v2 =	vshll.u32 v2, $0x2;
	v3 =	vadd.s32 v4, v3  }
0x15c: {  	v2 =	vadd.s32 v2, v3;
	v3 =	vshll.u32 v3, $0x14  }
0x15d: {  	v2 =	vsub.s32 v2, v3  }
0x15e: {  	[tilespmem:s9+$0x1E00] =	vst v2;
	s9 =	sshra.s32 s10, $0x2;
	s10 =	sadd.s32 $0x40, s10  }
0x15f: {  	v2 =	vld [tilespmem:s9+$0x1E00];
	_ =	sdelay $0x4  }
0x160: {  	vm0 =	vgt.s32 v2, $0x3FFFF;
	vm1 =	vgt.s32 v2, $0x7FFFF  }
0x161: {  	vm15 =	vgt.s32 v2, $0xBFFFF;
	v3 =	vsel vm0, $0x1, v0;
	v4 =	vsel vm1, $0x1, v0  }
0x162: {  	v63 =	vsel vm15, $0x1, v0;
	v3 =	vadd.s32 v4, v3  }
0x163: {  	v2 =	vshll.u32 v2, $0x2;
	v3 =	vadd.s32 v63, v3  }
0x164: {  	v2 =	vadd.s32 v2, v3;
	v3 =	vshll.u32 v3, $0x14  }
0x165: {  	v2 =	vsub.s32 v2, v3  }
0x166: {  	s10 =	simm.s32 $0x40;
	[tilespmem:s9+$0x1E00] =	vst v2;
	s9 =	simm.s32 $0x0  }
.LBB2_34:
0x167: {  	p0 =	sne.s32 s10, $0x7C0;
	v2 =	vld [tilespmem:s9+$0x2000];
	_ =	sdelay $0x4  }
0x168: {  	vm0 =	vgt.s32 v2, $0x3FFFF;
	vm1 =	vgt.s32 v2, $0x7FFFF  }
0x169: {  	v3 =	vsel vm0, $0x1, v0;
	v4 =	vsel vm1, $0x1, v0;
	vm0 =	vgt.s32 v2, $0xBFFFF  }
.Ltmp16:
0x16a: {  	v3 =	vadd.s32 v4, v3;
	v4 =	vsel vm0, $0x1, v0;
	(pc) =	sbr.rel @p0 .LBB2_34-.Ltmp16, $4  }
0x16b: {  	v2 =	vshll.u32 v2, $0x2;
	v3 =	vadd.s32 v4, v3  }
0x16c: {  	v2 =	vadd.s32 v2, v3;
	v3 =	vshll.u32 v3, $0x14  }
0x16d: {  	v2 =	vsub.s32 v2, v3  }
0x16e: {  	[tilespmem:s9+$0x2000] =	vst v2;
	s9 =	sshra.s32 s10, $0x2;
	s10 =	sadd.s32 $0x40, s10  }
0x16f: {  	v2 =	vld [tilespmem:s9+$0x2000];
	_ =	sdelay $0x4  }
0x170: {  	vm0 =	vgt.s32 v2, $0x3FFFF;
	vm1 =	vgt.s32 v2, $0x7FFFF  }
0x171: {  	vm15 =	vgt.s32 v2, $0xBFFFF;
	v3 =	vsel vm0, $0x1, v0;
	v4 =	vsel vm1, $0x1, v0  }
0x172: {  	v63 =	vsel vm15, $0x1, v0;
	v3 =	vadd.s32 v4, v3  }
0x173: {  	v2 =	vshll.u32 v2, $0x2;
	v3 =	vadd.s32 v63, v3  }
0x174: {  	v2 =	vadd.s32 v2, v3;
	v3 =	vshll.u32 v3, $0x14  }
0x175: {  	v2 =	vsub.s32 v2, v3  }
0x176: {  	s10 =	simm.s32 $0x40;
	[tilespmem:s9+$0x2000] =	vst v2;
	s9 =	simm.s32 $0x0  }
.LBB2_36:
0x177: {  	p0 =	sne.s32 s10, $0x7C0;
	v2 =	vld [tilespmem:s9+$0x2200];
	_ =	sdelay $0x4  }
0x178: {  	vm0 =	vgt.s32 v2, $0x3FFFF;
	vm1 =	vgt.s32 v2, $0x7FFFF  }
0x179: {  	v3 =	vsel vm0, $0x1, v0;
	v4 =	vsel vm1, $0x1, v0;
	vm0 =	vgt.s32 v2, $0xBFFFF  }
.Ltmp17:
0x17a: {  	v3 =	vadd.s32 v4, v3;
	v4 =	vsel vm0, $0x1, v0;
	(pc) =	sbr.rel @p0 .LBB2_36-.Ltmp17, $4  }
0x17b: {  	v2 =	vshll.u32 v2, $0x2;
	v3 =	vadd.s32 v4, v3  }
0x17c: {  	v2 =	vadd.s32 v2, v3;
	v3 =	vshll.u32 v3, $0x14  }
0x17d: {  	v2 =	vsub.s32 v2, v3  }
0x17e: {  	[tilespmem:s9+$0x2200] =	vst v2;
	s9 =	sshra.s32 s10, $0x2;
	s10 =	sadd.s32 $0x40, s10  }
0x17f: {  	v2 =	vld [tilespmem:s9+$0x2200];
	_ =	sdelay $0x4  }
0x180: {  	vm0 =	vgt.s32 v2, $0x3FFFF;
	vm1 =	vgt.s32 v2, $0x7FFFF  }
0x181: {  	vm15 =	vgt.s32 v2, $0xBFFFF;
	v3 =	vsel vm0, $0x1, v0;
	v4 =	vsel vm1, $0x1, v0  }
0x182: {  	v63 =	vsel vm15, $0x1, v0;
	v3 =	vadd.s32 v4, v3  }
0x183: {  	v2 =	vshll.u32 v2, $0x2;
	v3 =	vadd.s32 v63, v3  }
0x184: {  	v2 =	vadd.s32 v2, v3;
	v3 =	vshll.u32 v3, $0x14  }
0x185: {  	v2 =	vsub.s32 v2, v3  }
0x186: {  	s10 =	simm.s32 $0x40;
	[tilespmem:s9+$0x2200] =	vst v2;
	s9 =	simm.s32 $0x0  }
.LBB2_38:
0x187: {  	p0 =	sne.s32 s10, $0x7C0;
	v2 =	vld [tilespmem:s9+$0x2400];
	_ =	sdelay $0x4  }
0x188: {  	vm0 =	vgt.s32 v2, $0x3FFFF;
	vm1 =	vgt.s32 v2, $0x7FFFF  }
0x189: {  	v3 =	vsel vm0, $0x1, v0;
	v4 =	vsel vm1, $0x1, v0;
	vm0 =	vgt.s32 v2, $0xBFFFF  }
.Ltmp18:
0x18a: {  	v3 =	vadd.s32 v4, v3;
	v4 =	vsel vm0, $0x1, v0;
	(pc) =	sbr.rel @p0 .LBB2_38-.Ltmp18, $4  }
0x18b: {  	v2 =	vshll.u32 v2, $0x2;
	v3 =	vadd.s32 v4, v3  }
0x18c: {  	v2 =	vadd.s32 v2, v3;
	v3 =	vshll.u32 v3, $0x14  }
0x18d: {  	v2 =	vsub.s32 v2, v3  }
0x18e: {  	[tilespmem:s9+$0x2400] =	vst v2;
	s9 =	sshra.s32 s10, $0x2;
	s10 =	sadd.s32 $0x40, s10  }
0x18f: {  	v2 =	vld [tilespmem:s9+$0x2400];
	_ =	sdelay $0x4  }
0x190: {  	vm0 =	vgt.s32 v2, $0x3FFFF;
	vm1 =	vgt.s32 v2, $0x7FFFF  }
0x191: {  	vm15 =	vgt.s32 v2, $0xBFFFF;
	v3 =	vsel vm0, $0x1, v0;
	v4 =	vsel vm1, $0x1, v0  }
0x192: {  	v63 =	vsel vm15, $0x1, v0;
	v3 =	vadd.s32 v4, v3  }
0x193: {  	v2 =	vshll.u32 v2, $0x2;
	v3 =	vadd.s32 v63, v3  }
0x194: {  	v2 =	vadd.s32 v2, v3;
	v3 =	vshll.u32 v3, $0x14  }
0x195: {  	v2 =	vsub.s32 v2, v3  }
0x196: {  	s10 =	simm.s32 $0x40;
	[tilespmem:s9+$0x2400] =	vst v2;
	s9 =	simm.s32 $0x0  }
.LBB2_40:
0x197: {  	p0 =	sne.s32 s10, $0x7C0;
	v2 =	vld [tilespmem:s9+$0x2600];
	_ =	sdelay $0x4  }
0x198: {  	vm0 =	vgt.s32 v2, $0x3FFFF;
	vm1 =	vgt.s32 v2, $0x7FFFF  }
0x199: {  	v3 =	vsel vm0, $0x1, v0;
	v4 =	vsel vm1, $0x1, v0;
	vm0 =	vgt.s32 v2, $0xBFFFF  }
.Ltmp19:
0x19a: {  	v3 =	vadd.s32 v4, v3;
	v4 =	vsel vm0, $0x1, v0;
	(pc) =	sbr.rel @p0 .LBB2_40-.Ltmp19, $4  }
0x19b: {  	v2 =	vshll.u32 v2, $0x2;
	v3 =	vadd.s32 v4, v3  }
0x19c: {  	v2 =	vadd.s32 v2, v3;
	v3 =	vshll.u32 v3, $0x14  }
0x19d: {  	v2 =	vsub.s32 v2, v3  }
0x19e: {  	[tilespmem:s9+$0x2600] =	vst v2;
	s9 =	sshra.s32 s10, $0x2;
	s10 =	sadd.s32 $0x40, s10  }
0x19f: {  	v2 =	vld [tilespmem:s9+$0x2600];
	_ =	sdelay $0x4  }
0x1a0: {  	vm0 =	vgt.s32 v2, $0x3FFFF;
	vm1 =	vgt.s32 v2, $0x7FFFF  }
0x1a1: {  	vm15 =	vgt.s32 v2, $0xBFFFF;
	v3 =	vsel vm0, $0x1, v0;
	v4 =	vsel vm1, $0x1, v0  }
0x1a2: {  	v63 =	vsel vm15, $0x1, v0;
	v3 =	vadd.s32 v4, v3  }
0x1a3: {  	v2 =	vshll.u32 v2, $0x2;
	v3 =	vadd.s32 v63, v3  }
0x1a4: {  	v2 =	vadd.s32 v2, v3;
	v3 =	vshll.u32 v3, $0x14  }
0x1a5: {  	v2 =	vsub.s32 v2, v3  }
0x1a6: {  	s10 =	simm.s32 $0x40;
	[tilespmem:s9+$0x2600] =	vst v2;
	s9 =	simm.s32 $0x0  }
.LBB2_42:
0x1a7: {  	p0 =	sne.s32 s10, $0x7C0;
	v2 =	vld [tilespmem:s9+$0x2800];
	_ =	sdelay $0x4  }
0x1a8: {  	vm0 =	vgt.s32 v2, $0x3FFFF;
	vm1 =	vgt.s32 v2, $0x7FFFF  }
0x1a9: {  	v3 =	vsel vm0, $0x1, v0;
	v4 =	vsel vm1, $0x1, v0;
	vm0 =	vgt.s32 v2, $0xBFFFF  }
.Ltmp20:
0x1aa: {  	v3 =	vadd.s32 v4, v3;
	v4 =	vsel vm0, $0x1, v0;
	(pc) =	sbr.rel @p0 .LBB2_42-.Ltmp20, $4  }
0x1ab: {  	v2 =	vshll.u32 v2, $0x2;
	v3 =	vadd.s32 v4, v3  }
0x1ac: {  	v2 =	vadd.s32 v2, v3;
	v3 =	vshll.u32 v3, $0x14  }
0x1ad: {  	v2 =	vsub.s32 v2, v3  }
0x1ae: {  	[tilespmem:s9+$0x2800] =	vst v2;
	s9 =	sshra.s32 s10, $0x2;
	s10 =	sadd.s32 $0x40, s10  }
0x1af: {  	v2 =	vld [tilespmem:s9+$0x2800];
	_ =	sdelay $0x4  }
0x1b0: {  	vm0 =	vgt.s32 v2, $0x3FFFF;
	vm1 =	vgt.s32 v2, $0x7FFFF  }
0x1b1: {  	vm15 =	vgt.s32 v2, $0xBFFFF;
	v3 =	vsel vm0, $0x1, v0;
	v4 =	vsel vm1, $0x1, v0  }
0x1b2: {  	v63 =	vsel vm15, $0x1, v0;
	v3 =	vadd.s32 v4, v3  }
0x1b3: {  	v2 =	vshll.u32 v2, $0x2;
	v3 =	vadd.s32 v63, v3  }
0x1b4: {  	v2 =	vadd.s32 v2, v3;
	v3 =	vshll.u32 v3, $0x14  }
0x1b5: {  	v2 =	vsub.s32 v2, v3  }
0x1b6: {  	[tilespmem:s9+$0x2800] =	vst v2;
	s9 =	simm.s32 $0x0  }
.LBB2_44:
0x1b7: {  	s10 =	simm.s32 $0x80;
	s11 =	simm.s32 $0x0  }
.LBB2_45:
0x1b8: {  	p0 =	sne.s32 s10, $0x3F80;
	[tilespmem:s11+$0x3A00] =	vst v1;
	s12 =	smov.u32 s10;
	s10 =	sadd.s32 $0x80, s10  }
.Ltmp21:
0x1b9: {  	[tilespmem:s11+$0x3A10] =	vst v1;
	(pc) =	sbr.rel @p0 .LBB2_45-.Ltmp21, $2  }
0x1ba: {  	_ =	sdelay $0x2  }
0x1bb: {  	s11 =	sshra.s32 s12, $0x2  }
0x1bc: {  	[tilespmem:s11+$0x3A00] =	vst v1  }
0x1bd: {  	[tilespmem:s11+$0x3A10] =	vst v1;
	s10 =	sshll.u32 s9, $0x7  }
0x1be: {  	[tilespmem:s31], [sflag:$0x1] =	stream.indirect.gather [hbm4b:s6+s1], $0x20, s10, s1, $0xb8;
	[tilespmem:$0x4A00] =	vst v63  }
0x1bf: {  	s12 =	sadd.s32 $0x200, s10  }
0x1c0: {  	[tilespmem:s0], [sflag:$0x1] =	stream.indirect.gather.add.f32 [hbm:s6], $0x20, s12, s1, $0xb8;
	[tilespmem:$0x4A00] =	vst v63  }
0x1c1: {  	s12 =	sadd.s32 $0x400, s10  }
0x1c2: {  	[tilespmem:s0], [sflag:$0x1] =	stream.indirect.gather.add.f32 [hbm:s6], $0x20, s12, s1, $0xb8;
	[tilespmem:$0x4A00] =	vst v63  }
0x1c3: {  	s12 =	sadd.s32 $0x600, s10  }
0x1c4: {  	[tilespmem:s0], [sflag:$0x1] =	stream.indirect.gather.add.f32 [hbm:s6], $0x20, s12, s1, $0xb8;
	[tilespmem:$0x4A00] =	vst v63  }
0x1c5: {  	s12 =	sadd.s32 $0x800, s10  }
0x1c6: {  	[tilespmem:s0], [sflag:$0x1] =	stream.indirect.gather.add.f32 [hbm:s6], $0x20, s12, s1, $0xb8;
	[tilespmem:$0x4A00] =	vst v63  }
0x1c7: {  	s12 =	sadd.s32 $0xA00, s10  }
0x1c8: {  	[tilespmem:s0], [sflag:$0x1] =	stream.indirect.gather.add.f32 [hbm:s6], $0x20, s12, s1, $0xb8;
	[tilespmem:$0x4A00] =	vst v63  }
0x1c9: {  	s12 =	sadd.s32 $0xC00, s10  }
0x1ca: {  	[tilespmem:s0], [sflag:$0x1] =	stream.indirect.gather.add.f32 [hbm:s6], $0x20, s12, s1, $0xb8;
	[tilespmem:$0x4A00] =	vst v63  }
0x1cb: {  	s12 =	sadd.s32 $0xE00, s10  }
0x1cc: {  	[tilespmem:s0], [sflag:$0x1] =	stream.indirect.gather.add.f32 [hbm:s6], $0x20, s12, s1, $0xb8;
	[tilespmem:$0x4A00] =	vst v63  }
0x1cd: {  	s12 =	sadd.s32 $0x1000, s10  }
0x1ce: {  	[tilespmem:s0], [sflag:$0x1] =	stream.indirect.gather.add.f32 [hbm:s6], $0x20, s12, s1, $0xb8;
	[tilespmem:$0x4A00] =	vst v63  }
0x1cf: {  	s12 =	sadd.s32 $0x1200, s10  }
0x1d0: {  	[tilespmem:s0], [sflag:$0x1] =	stream.indirect.gather.add.f32 [hbm:s6], $0x20, s12, s1, $0xb8;
	[tilespmem:$0x4A00] =	vst v63  }
0x1d1: {  	s12 =	sadd.s32 $0x1400, s10  }
0x1d2: {  	[tilespmem:s0], [sflag:$0x1] =	stream.indirect.gather.add.f32 [hbm:s6], $0x20, s12, s1, $0xb8;
	[tilespmem:$0x4A00] =	vst v63  }
0x1d3: {  	s12 =	sadd.s32 $0x1600, s10  }
0x1d4: {  	[tilespmem:s0], [sflag:$0x1] =	stream.indirect.gather.add.f32 [hbm:s6], $0x20, s12, s1, $0xb8;
	[tilespmem:$0x4A00] =	vst v63  }
0x1d5: {  	s12 =	sadd.s32 $0x1800, s10  }
0x1d6: {  	[tilespmem:s0], [sflag:$0x1] =	stream.indirect.gather.add.f32 [hbm:s6], $0x20, s12, s1, $0xb8;
	[tilespmem:$0x4A00] =	vst v63  }
0x1d7: {  	s12 =	sadd.s32 $0x1A00, s10  }
0x1d8: {  	[tilespmem:s0], [sflag:$0x1] =	stream.indirect.gather.add.f32 [hbm:s6], $0x20, s12, s1, $0xb8;
	[tilespmem:$0x4A00] =	vst v63  }
0x1d9: {  	s12 =	sadd.s32 $0x1C00, s10  }
0x1da: {  	[tilespmem:s0], [sflag:$0x1] =	stream.indirect.gather.add.f32 [hbm:s6], $0x20, s12, s1, $0xb8;
	[tilespmem:$0x4A00] =	vst v63  }
0x1db: {  	s12 =	sadd.s32 $0x1E00, s10  }
0x1dc: {  	[tilespmem:s0], [sflag:$0x1] =	stream.indirect.gather.add.f32 [hbm:s6], $0x20, s12, s1, $0xb8;
	[tilespmem:$0x4A00] =	vst v63  }
0x1dd: {  	s12 =	sadd.s32 $0x2000, s10  }
0x1de: {  	[tilespmem:s0], [sflag:$0x1] =	stream.indirect.gather.add.f32 [hbm:s6], $0x20, s12, s1, $0xb8;
	[tilespmem:$0x4A00] =	vst v63  }
0x1df: {  	s12 =	sadd.s32 $0x2200, s10  }
0x1e0: {  	[tilespmem:s0], [sflag:$0x1] =	stream.indirect.gather.add.f32 [hbm:s6], $0x20, s12, s1, $0xb8;
	[tilespmem:$0x4A00] =	vst v63  }
0x1e1: {  	s12 =	sadd.s32 $0x2400, s10  }
0x1e2: {  	[tilespmem:s0], [sflag:$0x1] =	stream.indirect.gather.add.f32 [hbm:s6], $0x20, s12, s1, $0xb8;
	[tilespmem:$0x4A00] =	vst v63  }
0x1e3: {  	s12 =	sadd.s32 $0x2600, s10  }
0x1e4: {  	[tilespmem:s0], [sflag:$0x1] =	stream.indirect.gather.add.f32 [hbm:s6], $0x20, s12, s1, $0xb8;
	[tilespmem:$0x4A00] =	vst v63  }
0x1e5: {  	s12 =	sadd.s32 $0x2800, s10  }
0x1e6: {  	[tilespmem:s0], [sflag:$0x1] =	stream.indirect.gather.add.f32 [hbm:s6], $0x20, s12, s1, $0xb8;
	[tilespmem:$0x4A00] =	vst v63  }
0x1e7: {  	_ =	swait.ge [sflag:s7], $0x1000  }
0x1e8: {  	[sflag:s7] =	ssyncset.done $0x0  }
0x1e9: {  	[sflag:s7] =	ssyncadd.s32 $0xFFFFF000  }
0x1ea: {  	_ =	swait.ge [sflag:s7], $0x1000  }
0x1eb: {  	[sflag:s7] =	ssyncset.done $0x0  }
0x1ec: {  	[sflag:s7] =	ssyncadd.s32 $0xFFFFF000  }
0x1ed: {  	_ =	swait.ge [sflag:s7], $0x1000  }
0x1ee: {  	[sflag:s7] =	ssyncset.done $0x0  }
0x1ef: {  	[sflag:s7] =	ssyncadd.s32 $0xFFFFF000  }
0x1f0: {  	_ =	swait.ge [sflag:s7], $0x1000  }
0x1f1: {  	[sflag:s7] =	ssyncset.done $0x0  }
0x1f2: {  	[sflag:s7] =	ssyncadd.s32 $0xFFFFF000  }
0x1f3: {  	_ =	swait.ge [sflag:s7], $0x1000  }
0x1f4: {  	[sflag:s7] =	ssyncset.done $0x0  }
0x1f5: {  	[sflag:s7] =	ssyncadd.s32 $0xFFFFF000  }
0x1f6: {  	_ =	swait.ge [sflag:s7], $0x1000  }
0x1f7: {  	[sflag:s7] =	ssyncset.done $0x0  }
0x1f8: {  	[sflag:s7] =	ssyncadd.s32 $0xFFFFF000  }
0x1f9: {  	_ =	swait.ge [sflag:s7], $0x1000  }
0x1fa: {  	[sflag:s7] =	ssyncset.done $0x0  }
0x1fb: {  	[sflag:s7] =	ssyncadd.s32 $0xFFFFF000  }
0x1fc: {  	_ =	swait.ge [sflag:s7], $0x1000  }
0x1fd: {  	[sflag:s7] =	ssyncset.done $0x0  }
0x1fe: {  	[sflag:s7] =	ssyncadd.s32 $0xFFFFF000  }
0x1ff: {  	_ =	swait.ge [sflag:s7], $0x1000  }
0x200: {  	[sflag:s7] =	ssyncset.done $0x0  }
0x201: {  	[sflag:s7] =	ssyncadd.s32 $0xFFFFF000  }
0x202: {  	_ =	swait.ge [sflag:s7], $0x1000  }
0x203: {  	[sflag:s7] =	ssyncset.done $0x0  }
0x204: {  	[sflag:s7] =	ssyncadd.s32 $0xFFFFF000  }
0x205: {  	_ =	swait.ge [sflag:s7], $0x1000  }
0x206: {  	[sflag:s7] =	ssyncset.done $0x0  }
0x207: {  	[sflag:s7] =	ssyncadd.s32 $0xFFFFF000  }
0x208: {  	_ =	swait.ge [sflag:s7], $0x1000  }
0x209: {  	[sflag:s7] =	ssyncset.done $0x0  }
0x20a: {  	[sflag:s7] =	ssyncadd.s32 $0xFFFFF000  }
0x20b: {  	_ =	swait.ge [sflag:s7], $0x1000  }
0x20c: {  	[sflag:s7] =	ssyncset.done $0x0  }
0x20d: {  	[sflag:s7] =	ssyncadd.s32 $0xFFFFF000  }
0x20e: {  	_ =	swait.ge [sflag:s7], $0x1000  }
0x20f: {  	[sflag:s7] =	ssyncset.done $0x0  }
0x210: {  	[sflag:s7] =	ssyncadd.s32 $0xFFFFF000  }
0x211: {  	_ =	swait.ge [sflag:s7], $0x1000  }
0x212: {  	[sflag:s7] =	ssyncset.done $0x0  }
0x213: {  	[sflag:s7] =	ssyncadd.s32 $0xFFFFF000  }
0x214: {  	_ =	swait.ge [sflag:s7], $0x1000  }
0x215: {  	[sflag:s7] =	ssyncset.done $0x0  }
0x216: {  	[sflag:s7] =	ssyncadd.s32 $0xFFFFF000  }
0x217: {  	_ =	swait.ge [sflag:s7], $0x1000  }
0x218: {  	[sflag:s7] =	ssyncset.done $0x0  }
0x219: {  	[sflag:s7] =	ssyncadd.s32 $0xFFFFF000  }
0x21a: {  	_ =	swait.ge [sflag:s7], $0x1000  }
0x21b: {  	[sflag:s7] =	ssyncset.done $0x0  }
0x21c: {  	[sflag:s7] =	ssyncadd.s32 $0xFFFFF000  }
0x21d: {  	_ =	swait.ge [sflag:s7], $0x1000  }
0x21e: {  	[sflag:s7] =	ssyncset.done $0x0  }
0x21f: {  	[sflag:s7] =	ssyncadd.s32 $0xFFFFF000  }
0x220: {  	_ =	swait.ge [sflag:s7], $0x1000  }
0x221: {  	[sflag:s7] =	ssyncset.done $0x0  }
0x222: {  	[sflag:s7] =	ssyncadd.s32 $0xFFFFF000  }
0x223: {  	s10 =	sor.u32 s3, s10;
	_ =	swait.ge [sflag:s7], $0x1000  }
0x224: {  	s10 =	sshll.u32 s10, $0x2;
	[sflag:s7] =	ssyncset.done $0x0  }
0x225: {  	s12 =	sadd.s32 s4, s10;
	[sflag:s7] =	ssyncadd.s32 $0xFFFFF000  }
0x226: {  	[hbm4b:s12+s2] =	stream.linear.scatter [tilespmem:s31], [sflag:$0x2], $0x1000, $0x38;
	[tilespmem:$0x4A00] =	vst v63  }
0x227: {  	s9 =	sadd.s32 $0x1, s9;
	_ =	swait.ge [sflag:s30], $0x1000  }
0x228: {  	p0 =	sne.s32 s9, $0x4;
	[sflag:s30] =	ssyncset.done $0x0  }
.Ltmp22:
0x229: {  	s10 =	sadd.s32 s5, s10;
	[sflag:s30] =	ssyncadd.s32 $0xFFFFF000;
	(pc) =	sbr.rel @p0 .LBB2_44-.Ltmp22, $4  }
0x22a: {  	[hbm4b:s10+s2] =	stream.linear.scatter [tilespmem:s0], [sflag:$0x2], $0x1000, $0x38;
	[tilespmem:$0x4A00] =	vst v63  }
0x22b: {  	_ =	swait.ge [sflag:s30], $0x1000  }
0x22c: {  	[sflag:s30] =	ssyncset.done $0x0  }
0x22d: {  	[sflag:s30] =	ssyncadd.s32 $0xFFFFF000  }
0x22e: {  	s8 =	sadd.s32 $0x1, s8  }
0x22f: {  	p0 =	sne.s32 s8, s29  }
.Ltmp23:
0x230: {  	_ = 	snop;
	(pc) =	sbr.rel @p0 .LBB2_1-.Ltmp23, $1  }
0x231: {  	_ =	sdelay $0x3  }
0x232: {  	_ =	sfence.sel $0x180000  }
0x233: {  	[bflag:$0x0] =	sbarrier.arrive $0xFFFF  }
0x234: {  	_ =	strace $0x90000047  }
0x235: {  	s0 =	stileid.u32;
	[bflag:$0x2] =	sbarrier.arrive $0xFFFF  }
0x236: {  	p0 =	sne.s32 s0, $0x0;
	s0 =	rddreg [dreg:$0x2]  }
0x237: {  	s0 =	sadd.s32 @!p0 $0x100000, s0  }
0x238: {  	[sflag:s0] =	ssyncadd.tile.s32 @!p0 $0x1;
	_ =	shalt  }
.Lfunc_end2:
_tile_overlayer_lowered:
.L_overlay_start_2:
0x239: {  	(tag) =	ssettag $0x2  }
0x23a: {  	s0 =	rddreg [dreg:$0x0];
	s2 =	stileid.u32  }
0x23b: {  	s1 =	rddreg [dreg:$0x1];
	p0 =	sne.s32 s2, $0x0  }
0x23c: {  	s3 =	rddreg [dreg:$0x2];
	[bflag:$0x3] =	sbarrier.arrive $0xFFFF;
	s2 =	simm.s32 @!p0 $0x1C02  }
0x23d: {  	[timem:s3], [sflag:s2] =	dma.local @!p0 [hbm:s0], s1  }
0x23e: {  	s0 =	simm.s32 @!p0 $0x2  }
0x23f: {  	_ =	swait.ge @!p0 [sflag:s0], s1  }
0x240: {  	s1 =	ssub.s32 @!p0 $0x0, s1;
	[sflag:s0] =	ssyncset.done @!p0 $0x0  }
0x241: {  	[sflag:s0] =	ssyncadd.s32 @!p0 s1  }
0x242: {  	[bflag:$0x3] =	sbarrier.arrive $0xFFFF  }
0x243: {  	_ =	shalt  }

</sc_bundles>
